<compile_context>
chip_gen: v7x
topology: tpu7x:2x2x1
jax: 0.10.2.dev20260603
libtpu: 0.0.44.dev20260713+nightly
codegen_flags: <defaults>
</compile_context>

<pallas_src>
import functools

import jax
import jax.numpy as jnp
from jax import lax
from jax.experimental import pallas as pl
from jax.experimental.pallas import tpu as pltpu
from jax.experimental.pallas import tpu_sc as plsc

NC = 2
NS = 16
NW = NC * NS
L = 16


def _sc_mesh():
    return plsc.VectorSubcoreMesh(core_axis_name="c", subcore_axis_name="s")


def _make_degree_kernel(E, NP):
    EC = E // NW

    @functools.partial(
        pl.kernel,
        out_type=(
            jax.ShapeDtypeStruct((NW, NP), jnp.float32),
            jax.ShapeDtypeStruct((NW, NP), jnp.float32),
        ),
        mesh=_sc_mesh(),
        scratch_types=[
            pltpu.VMEM((EC,), jnp.int32),
            pltpu.VMEM((EC,), jnp.int32),
            pltpu.VMEM((NP,), jnp.float32),
            pltpu.VMEM((NP,), jnp.float32),
        ],
        compiler_params=pltpu.CompilerParams(needs_layout_passes=False),
    )
    def deg_kernel(edge_hbm, osrc_hbm, odst_hbm, src_v, dst_v, hs_v, hd_v):
        cid = lax.axis_index("c")
        sid = lax.axis_index("s")
        wid = sid * NC + cid
        base = wid * EC
        pltpu.sync_copy(edge_hbm.at[pl.ds(base, EC)], src_v)
        pltpu.sync_copy(edge_hbm.at[pl.ds(E + base, EC)], dst_v)

        zeros = jnp.zeros((L,), jnp.float32)

        def zbody(i, carry):
            for u in range(8):
                hs_v[pl.ds(i * 8 * L + u * L, L)] = zeros
                hd_v[pl.ds(i * 8 * L + u * L, L)] = zeros
            return carry

        lax.fori_loop(0, NP // (8 * L), zbody, 0)

        ones = jnp.ones((L,), jnp.float32)

        UH = 4
        def hbody(i, carry):
            for u in range(UH):
                plsc.addupdate_scatter(hs_v, [src_v[pl.ds(i * UH * L + u * L, L)]], ones)
                plsc.addupdate_scatter(hd_v, [dst_v[pl.ds(i * UH * L + u * L, L)]], ones)
            return carry

        lax.fori_loop(0, EC // (UH * L), hbody, 0)
        for r in range(EC // (UH * L) * UH, EC // L):
            plsc.addupdate_scatter(hs_v, [src_v[pl.ds(r * L, L)]], ones)
            plsc.addupdate_scatter(hd_v, [dst_v[pl.ds(r * L, L)]], ones)

        pltpu.sync_copy(hs_v, osrc_hbm.at[wid])
        pltpu.sync_copy(hd_v, odst_hbm.at[wid])

    return deg_kernel


def _make_scatter_kernel(EC, NP, D, K, NBUF):
    EOFF = EC * NW
    G = EC // K
    REM = G % NBUF
    TAIL = EC - G * K
    RPT = NP // NS
    assert TAIL % 8 == 0 and (TAIL == 0 or TAIL >= L)

    @functools.partial(
        pl.kernel,
        out_type=jax.ShapeDtypeStruct((NC, NP, D), jnp.float32),
        mesh=_sc_mesh(),
        scratch_types=[
            pltpu.VMEM((EC,), jnp.int32),
            [pltpu.VMEM((K, D), jnp.float32)] * NBUF,
            [pltpu.VMEM((K,), jnp.int32)] * NBUF,
            pltpu.VMEM((TAIL if TAIL else 8,), jnp.int32),
            pltpu.VMEM_SHARED((NP, D), jnp.float32),
            [pltpu.SemaphoreType.DMA] * NBUF,
        ],
        compiler_params=pltpu.CompilerParams(needs_layout_passes=False),
    )
    def scatter_kernel(hs_hbm, edge_hbm, out_hbm,
                       si_v, rbs, dibs, tailb, acc_sh, sems):
        cid = lax.axis_index("c")
        sid = lax.axis_index("s")
        wid = sid * NC + cid
        base = wid * EC
        pltpu.sync_copy(edge_hbm.at[pl.ds(base, EC)], si_v)

        zeros = jnp.zeros((L,), jnp.float32)

        def zbody(r, carry):
            for k in range(D // L):
                rbs[0][r, pl.ds(k * L, L)] = zeros
            return carry

        lax.fori_loop(0, K, zbody, 0)
        CH = min(K, 40)
        assert RPT % CH == 0 and K >= CH
        row0 = sid * RPT
        for j in range(RPT // CH):
            pltpu.sync_copy(rbs[0].at[pl.ds(0, CH)],
                            acc_sh.at[pl.ds(row0 + j * CH, CH)])
        plsc.subcore_barrier()

        def issue(g, j):
            pltpu.async_copy(hs_hbm.at[si_v.at[pl.ds(g * K, K)]], rbs[j],
                             sems[j])
            pltpu.async_copy(edge_hbm.at[pl.ds(EOFF + base + g * K, K)],
                             dibs[j], sems[j])

        def drain(g, j):
            pltpu.make_async_copy(hs_hbm.at[si_v.at[pl.ds(g * K, K)]],
                                  rbs[j], sems[j]).wait()
            pltpu.make_async_copy(edge_hbm.at[pl.ds(EOFF + base + g * K, K)],
                                  dibs[j], sems[j]).wait()

        for j in range(NBUF - 1):
            issue(j, j)

        def ebody(t, carry):
            g0 = t * NBUF
            for j in range(NBUF):
                g = g0 + j
                drain(g, j)
                pltpu.sync_copy(rbs[j], acc_sh.at[dibs[j]], add=True)
                nxt = g + NBUF - 1
                jn = (j + NBUF - 1) % NBUF

                @pl.when(nxt < G)
                def _():
                    issue(nxt, jn)
            return carry

        lax.fori_loop(0, G // NBUF, ebody, 0)

        for j in range(REM):
            g = (G // NBUF) * NBUF + j
            drain(g, j)
            pltpu.sync_copy(rbs[j], acc_sh.at[dibs[j]], add=True)

        if TAIL:
            pltpu.sync_copy(edge_hbm.at[pl.ds(EOFF + base + G * K, TAIL)],
                            tailb)
            pltpu.async_copy(hs_hbm.at[si_v.at[pl.ds(G * K, TAIL)]],
                             rbs[0].at[pl.ds(0, TAIL)], sems[0])
            pltpu.make_async_copy(hs_hbm.at[si_v.at[pl.ds(G * K, TAIL)]],
                                  rbs[0].at[pl.ds(0, TAIL)], sems[0]).wait()
            pltpu.sync_copy(rbs[0].at[pl.ds(0, TAIL)],
                            acc_sh.at[tailb], add=True)

        plsc.subcore_barrier()

        for j in range(RPT // CH):
            pltpu.sync_copy(acc_sh.at[pl.ds(row0 + j * CH, CH)],
                            rbs[0].at[pl.ds(0, CH)])
            pltpu.sync_copy(rbs[0].at[pl.ds(0, CH)],
                            out_hbm.at[cid, pl.ds(row0 + j * CH, CH)])

    return scatter_kernel


def _mm_body(x_ref, w_ref, degp_ref, hs_ref):
    deg = jnp.sum(degp_ref[...], axis=0)
    inv = lax.rsqrt(jnp.maximum(deg, 1.0))
    xs = x_ref[...] * inv[:, None]
    hs_ref[...] = jnp.dot(xs, w_ref[...],
                          preferred_element_type=jnp.float32,
                          precision=lax.Precision.HIGHEST)


def _fin_body(accp_ref, degp_ref, b_ref, out_ref):
    acc = accp_ref[0] + accp_ref[1]
    deg = jnp.sum(degp_ref[...], axis=0)
    inv = lax.rsqrt(jnp.maximum(deg, 1.0))
    out_ref[...] = acc * inv[:, None] + b_ref[...]


def kernel(x, edge_index, W, b):
    N, D = x.shape
    E = edge_index.shape[1]
    NP = ((N + 511) // 512) * 512
    K = 40
    NBUF = 7
    BR = 2048
    EC = E // NW

    edge_flat = edge_index.reshape(-1)
    deg_src_p, deg_dst_p = _make_degree_kernel(E, NP)(edge_flat)

    hs = pl.pallas_call(
        _mm_body,
        grid=(NP // BR,),
        in_specs=[
            pl.BlockSpec((BR, D), lambda i: (i, 0)),
            pl.BlockSpec((D, D), lambda i: (0, 0)),
            pl.BlockSpec((NW, BR), lambda i: (0, i)),
        ],
        out_specs=pl.BlockSpec((BR, D), lambda i: (i, 0)),
        out_shape=jax.ShapeDtypeStruct((NP, D), jnp.float32),
    )(x, W, deg_src_p)

    acc_p = _make_scatter_kernel(EC, NP, D, K, NBUF)(hs, edge_flat)

    out = pl.pallas_call(
        _fin_body,
        grid=(NP // BR,),
        in_specs=[
            pl.BlockSpec((NC, BR, D), lambda i: (0, i, 0)),
            pl.BlockSpec((NW, BR), lambda i: (0, i)),
            pl.BlockSpec((D,), lambda i: (0,)),
        ],
        out_specs=pl.BlockSpec((BR, D), lambda i: (i, 0)),
        out_shape=jax.ShapeDtypeStruct((N, D), jnp.float32),
    )(acc_p, deg_dst_p, b)

    return out

# --- scband reference (transcript-rebuilt; emitter-appended) ---
"""Pipeline reference for scband-net-55224689492674 (READ-ONLY COPY).

The authoritative reference and input builder live on the scoring server;
editing this copy changes nothing except your own understanding.
"""

import jax, jax.numpy as jnp
import numpy as np

N = 10000
E = 320000
D = 128

def setup_inputs(seed: int = 0) -> dict:
    key = jax.random.key(seed)
    k1, k2, k3 = jax.random.split(key, 3)
    x = jax.random.normal(k1, (N, D), dtype=jnp.float32)
    edge_index = jax.random.randint(k2, (2, E), 0, N, dtype=jnp.int32)
    W = jax.random.normal(k3, (D, D), dtype=jnp.float32) * (1.0 / np.sqrt(D))
    b = jnp.zeros((D,), dtype=jnp.float32)
    return {"x": x, "edge_index": edge_index, "W": W, "b": b}

def reference(x, edge_index, W, b):
    # GCN-style backbone forward: NET.forward(g, features) -> self.net(g, features)
    src = edge_index[0]
    dst = edge_index[1]
    n = x.shape[0]
    deg_dst = jnp.zeros((n,), dtype=x.dtype).at[dst].add(1.0)
    deg_src = jnp.zeros((n,), dtype=x.dtype).at[src].add(1.0)
    inv_sqrt_dst = jax.lax.rsqrt(jnp.maximum(deg_dst, 1.0))
    inv_sqrt_src = jax.lax.rsqrt(jnp.maximum(deg_src, 1.0))
    norm = inv_sqrt_src[src] * inv_sqrt_dst[dst]
    h = x @ W
    msgs = h[src] * norm[:, None]
    out = jnp.zeros_like(h).at[dst].add(msgs) + b
    return out

if __name__ == "__main__":
    import jax
    _d = setup_inputs()
    print(jax.jit(kernel)(*tuple(_d.values())))

</pallas_src>

<mosaic_0001>
#map = affine_map<(d0, d1) -> (0, 0)>
#map1 = affine_map<(d0, d1) -> (0)>
#map2 = affine_map<(d0, d1) -> (0, 0, 0)>
module attributes {stable_mosaic.version = 14 : i64} {
  func.func @scatter_kernel(%arg0: i32, %arg1: i32, %arg2: memref<10240x128xf32, #tpu.memory_space<hbm>>, %arg3: memref<640000xi32, #tpu.memory_space<hbm>>, %arg4: memref<2x10240x128xf32, #tpu.memory_space<hbm>>, %arg5: memref<10000xi32, #tpu.memory_space<vmem>>, %arg6: memref<40x128xf32, #tpu.memory_space<vmem>>, %arg7: memref<40x128xf32, #tpu.memory_space<vmem>>, %arg8: memref<40x128xf32, #tpu.memory_space<vmem>>, %arg9: memref<40x128xf32, #tpu.memory_space<vmem>>, %arg10: memref<40x128xf32, #tpu.memory_space<vmem>>, %arg11: memref<40x128xf32, #tpu.memory_space<vmem>>, %arg12: memref<40x128xf32, #tpu.memory_space<vmem>>, %arg13: memref<40xi32, #tpu.memory_space<vmem>>, %arg14: memref<40xi32, #tpu.memory_space<vmem>>, %arg15: memref<40xi32, #tpu.memory_space<vmem>>, %arg16: memref<40xi32, #tpu.memory_space<vmem>>, %arg17: memref<40xi32, #tpu.memory_space<vmem>>, %arg18: memref<40xi32, #tpu.memory_space<vmem>>, %arg19: memref<40xi32, #tpu.memory_space<vmem>>, %arg20: memref<8xi32, #tpu.memory_space<vmem>>, %arg21: memref<10240x128xf32, #tpu.memory_space<vmem_shared>>, %arg22: memref<!tpu.dma_semaphore, #tpu.memory_space<semaphore_mem>>, %arg23: memref<!tpu.dma_semaphore, #tpu.memory_space<semaphore_mem>>, %arg24: memref<!tpu.dma_semaphore, #tpu.memory_space<semaphore_mem>>, %arg25: memref<!tpu.dma_semaphore, #tpu.memory_space<semaphore_mem>>, %arg26: memref<!tpu.dma_semaphore, #tpu.memory_space<semaphore_mem>>, %arg27: memref<!tpu.dma_semaphore, #tpu.memory_space<semaphore_mem>>, %arg28: memref<!tpu.dma_semaphore, #tpu.memory_space<semaphore_mem>>) attributes {dimension_semantics = [#tpu.dimension_semantics<core_parallel>, #tpu.dimension_semantics<subcore_parallel>], iteration_bounds = array<i64: 2, 16>, scalar_prefetch = 0 : i64, scratch_operands = 24 : i64, tpu.core_type = #tpu.core_type<sc_vector_subcore>, window_params = [{transform_indices = #map}, {transform_indices = #map1}, {transform_indices = #map2}]} {
    %mul3A = arith.constant 2 : i32
    %mul3A_0 = arith.muli %arg1, %mul3A : i32
    %add3A = arith.addi %mul3A_0, %arg0 : i32
    %mul3A_1 = arith.constant 10000 : i32
    %mul3A_2 = arith.muli %add3A, %mul3A_1 : i32
    "tpu.region"() ({
      %run_scoped3A = tpu.sem_alloc : memref<!tpu.dma_semaphore, #tpu.memory_space<semaphore_mem>>
      %dma_start3A_233 = tpu.memref_slice %arg3[%mul3A_2] : memref<640000xi32, #tpu.memory_space<hbm>> -> memref<10000xi32, #tpu.memory_space<hbm>>
      %dma_start3A_234 = tpu.memref_slice %arg3[%mul3A_2] : memref<640000xi32, #tpu.memory_space<hbm>> -> memref<10000xi32, #tpu.memory_space<hbm>>
      tpu.enqueue_dma source(%dma_start3A_234 : memref<10000xi32, #tpu.memory_space<hbm>>) target(%arg5 : memref<10000xi32, #tpu.memory_space<vmem>>) target_semaphore(%run_scoped3A : memref<!tpu.dma_semaphore, #tpu.memory_space<semaphore_mem>>)
      %dma_wait3A_235 = tpu.memref_slice %arg3[%mul3A_2] : memref<640000xi32, #tpu.memory_space<hbm>> -> memref<10000xi32, #tpu.memory_space<hbm>>
      %dma_wait3A_236 = tpu.memref_slice %arg3[%mul3A_2] : memref<640000xi32, #tpu.memory_space<hbm>> -> memref<10000xi32, #tpu.memory_space<hbm>>
      tpu.wait_dma2 semaphore(%run_scoped3A : memref<!tpu.dma_semaphore, #tpu.memory_space<semaphore_mem>>) src(%dma_wait3A_236 : memref<10000xi32, #tpu.memory_space<hbm>>) dst(%arg5 : memref<10000xi32, #tpu.memory_space<vmem>>)
      tpu.yield
    }) : () -> ()
    %broadcast_in_dim3A = arith.constant 0.000000e+00 : f32
    %broadcast_in_dim3A_3 = vector.broadcast %broadcast_in_dim3A : f32 to vector<16xf32>
    %scan3A = arith.constant 0 : i32
    %scan3A_4 = arith.constant 0 : i32
    %scan3A_5 = arith.constant 40 : i32
    %scan3A_6 = arith.addi %scan3A_4, %scan3A_5 : i32
    %scan3A_7 = arith.constant 1 : i32
    scf.for %scan3A_233 = %scan3A_4 to %scan3A_6 step %scan3A_7  : i32 {
      %swap3A = arith.index_cast %scan3A_233 : i32 to index
      %swap3A_234 = arith.constant 0 : index
      %swap3A_235 = tpu.vector_load %arg6[%swap3A, %swap3A_234] {strides = array<i32>} : memref<40x128xf32, #tpu.memory_space<vmem>>, vector<16xf32>,
      tpu.vector_store %arg6[%swap3A, %swap3A_234], %broadcast_in_dim3A_3 {strides = array<i32>} : memref<40x128xf32, #tpu.memory_space<vmem>>, vector<16xf32>,
      %swap3A_236 = arith.index_cast %scan3A_233 : i32 to index
      %swap3A_237 = arith.constant 16 : index
      %swap3A_238 = tpu.vector_load %arg6[%swap3A_236, %swap3A_237] {strides = array<i32>} : memref<40x128xf32, #tpu.memory_space<vmem>>, vector<16xf32>,
      tpu.vector_store %arg6[%swap3A_236, %swap3A_237], %broadcast_in_dim3A_3 {strides = array<i32>} : memref<40x128xf32, #tpu.memory_space<vmem>>, vector<16xf32>,
      %swap3A_239 = arith.index_cast %scan3A_233 : i32 to index
      %swap3A_240 = arith.constant 32 : index
      %swap3A_241 = tpu.vector_load %arg6[%swap3A_239, %swap3A_240] {strides = array<i32>} : memref<40x128xf32, #tpu.memory_space<vmem>>, vector<16xf32>,
      tpu.vector_store %arg6[%swap3A_239, %swap3A_240], %broadcast_in_dim3A_3 {strides = array<i32>} : memref<40x128xf32, #tpu.memory_space<vmem>>, vector<16xf32>,
      %swap3A_242 = arith.index_cast %scan3A_233 : i32 to index
      %swap3A_243 = arith.constant 48 : index
      %swap3A_244 = tpu.vector_load %arg6[%swap3A_242, %swap3A_243] {strides = array<i32>} : memref<40x128xf32, #tpu.memory_space<vmem>>, vector<16xf32>,
      tpu.vector_store %arg6[%swap3A_242, %swap3A_243], %broadcast_in_dim3A_3 {strides = array<i32>} : memref<40x128xf32, #tpu.memory_space<vmem>>, vector<16xf32>,
      %swap3A_245 = arith.index_cast %scan3A_233 : i32 to index
      %swap3A_246 = arith.constant 64 : index
      %swap3A_247 = tpu.vector_load %arg6[%swap3A_245, %swap3A_246] {strides = array<i32>} : memref<40x128xf32, #tpu.memory_space<vmem>>, vector<16xf32>,
      tpu.vector_store %arg6[%swap3A_245, %swap3A_246], %broadcast_in_dim3A_3 {strides = array<i32>} : memref<40x128xf32, #tpu.memory_space<vmem>>, vector<16xf32>,
      %swap3A_248 = arith.index_cast %scan3A_233 : i32 to index
      %swap3A_249 = arith.constant 80 : index
      %swap3A_250 = tpu.vector_load %arg6[%swap3A_248, %swap3A_249] {strides = array<i32>} : memref<40x128xf32, #tpu.memory_space<vmem>>, vector<16xf32>,
      tpu.vector_store %arg6[%swap3A_248, %swap3A_249], %broadcast_in_dim3A_3 {strides = array<i32>} : memref<40x128xf32, #tpu.memory_space<vmem>>, vector<16xf32>,
      %swap3A_251 = arith.index_cast %scan3A_233 : i32 to index
      %swap3A_252 = arith.constant 96 : index
      %swap3A_253 = tpu.vector_load %arg6[%swap3A_251, %swap3A_252] {strides = array<i32>} : memref<40x128xf32, #tpu.memory_space<vmem>>, vector<16xf32>,
      tpu.vector_store %arg6[%swap3A_251, %swap3A_252], %broadcast_in_dim3A_3 {strides = array<i32>} : memref<40x128xf32, #tpu.memory_space<vmem>>, vector<16xf32>,
      %swap3A_254 = arith.index_cast %scan3A_233 : i32 to index
      %swap3A_255 = arith.constant 112 : index
      %swap3A_256 = tpu.vector_load %arg6[%swap3A_254, %swap3A_255] {strides = array<i32>} : memref<40x128xf32, #tpu.memory_space<vmem>>, vector<16xf32>,
      tpu.vector_store %arg6[%swap3A_254, %swap3A_255], %broadcast_in_dim3A_3 {strides = array<i32>} : memref<40x128xf32, #tpu.memory_space<vmem>>, vector<16xf32>,
    }
    %scan3A_8 = arith.constant 40 : i32
    %mul3A_9 = arith.constant 640 : i32
    %mul3A_10 = arith.muli %arg1, %mul3A_9 : i32
    %add3A_11 = arith.constant 0 : i32
    %add3A_12 = arith.addi %mul3A_10, %add3A_11 : i32
    "tpu.region"() ({
      %run_scoped3A = tpu.sem_alloc : memref<!tpu.dma_semaphore, #tpu.memory_space<semaphore_mem>>
      %dma_start3A_233 = arith.constant 0 : i32
      %dma_start3A_234 = arith.constant 0 : i32
      %dma_start3A_235 = tpu.memref_slice %arg6[%dma_start3A_233, %dma_start3A_234] : memref<40x128xf32, #tpu.memory_space<vmem>> -> memref<40x128xf32, #tpu.memory_space<vmem>>
      %dma_start3A_236 = arith.constant 0 : i32
      %dma_start3A_237 = tpu.memref_slice %arg21[%add3A_12, %dma_start3A_236] : memref<10240x128xf32, #tpu.memory_space<vmem_shared>> -> memref<40x128xf32, #tpu.memory_space<vmem_shared>>
      %dma_start3A_238 = arith.constant 0 : i32
      %dma_start3A_239 = tpu.memref_slice %arg21[%add3A_12, %dma_start3A_238] : memref<10240x128xf32, #tpu.memory_space<vmem_shared>> -> memref<40x128xf32, #tpu.memory_space<vmem_shared>>
      %dma_start3A_240 = arith.constant 0 : i32
      %dma_start3A_241 = arith.constant 0 : i32
      %dma_start3A_242 = tpu.memref_slice %arg6[%dma_start3A_240, %dma_start3A_241] : memref<40x128xf32, #tpu.memory_space<vmem>> -> memref<40x128xf32, #tpu.memory_space<vmem>>
      tpu.enqueue_dma source(%dma_start3A_242 : memref<40x128xf32, #tpu.memory_space<vmem>>) target(%dma_start3A_239 : memref<40x128xf32, #tpu.memory_space<vmem_shared>>) target_semaphore(%run_scoped3A : memref<!tpu.dma_semaphore, #tpu.memory_space<semaphore_mem>>)
      %dma_wait3A_243 = arith.constant 0 : i32
      %dma_wait3A_244 = arith.constant 0 : i32
      %dma_wait3A_245 = tpu.memref_slice %arg6[%dma_wait3A_243, %dma_wait3A_244] : memref<40x128xf32, #tpu.memory_space<vmem>> -> memref<40x128xf32, #tpu.memory_space<vmem>>
      %dma_wait3A_246 = arith.constant 0 : i32
      %dma_wait3A_247 = tpu.memref_slice %arg21[%add3A_12, %dma_wait3A_246] : memref<10240x128xf32, #tpu.memory_space<vmem_shared>> -> memref<40x128xf32, #tpu.memory_space<vmem_shared>>
      %dma_wait3A_248 = arith.constant 0 : i32
      %dma_wait3A_249 = tpu.memref_slice %arg21[%add3A_12, %dma_wait3A_248] : memref<10240x128xf32, #tpu.memory_space<vmem_shared>> -> memref<40x128xf32, #tpu.memory_space<vmem_shared>>
      %dma_wait3A_250 = arith.constant 0 : i32
      %dma_wait3A_251 = arith.constant 0 : i32
      %dma_wait3A_252 = tpu.memref_slice %arg6[%dma_wait3A_250, %dma_wait3A_251] : memref<40x128xf32, #tpu.memory_space<vmem>> -> memref<40x128xf32, #tpu.memory_space<vmem>>
      tpu.wait_dma2 semaphore(%run_scoped3A : memref<!tpu.dma_semaphore, #tpu.memory_space<semaphore_mem>>) src(%dma_wait3A_252 : memref<40x128xf32, #tpu.memory_space<vmem>>) dst(%dma_wait3A_249 : memref<40x128xf32, #tpu.memory_space<vmem_shared>>)
      tpu.yield
    }) : () -> ()
    %add3A_13 = arith.constant 40 : i32
    %add3A_14 = arith.addi %mul3A_10, %add3A_13 : i32
    "tpu.region"() ({
      %run_scoped3A = tpu.sem_alloc : memref<!tpu.dma_semaphore, #tpu.memory_space<semaphore_mem>>
      %dma_start3A_233 = arith.constant 0 : i32
      %dma_start3A_234 = arith.constant 0 : i32
      %dma_start3A_235 = tpu.memref_slice %arg6[%dma_start3A_233, %dma_start3A_234] : memref<40x128xf32, #tpu.memory_space<vmem>> -> memref<40x128xf32, #tpu.memory_space<vmem>>
      %dma_start3A_236 = arith.constant 0 : i32
      %dma_start3A_237 = tpu.memref_slice %arg21[%add3A_14, %dma_start3A_236] : memref<10240x128xf32, #tpu.memory_space<vmem_shared>> -> memref<40x128xf32, #tpu.memory_space<vmem_shared>>
      %dma_start3A_238 = arith.constant 0 : i32
      %dma_start3A_239 = tpu.memref_slice %arg21[%add3A_14, %dma_start3A_238] : memref<10240x128xf32, #tpu.memory_space<vmem_shared>> -> memref<40x128xf32, #tpu.memory_space<vmem_shared>>
      %dma_start3A_240 = arith.constant 0 : i32
      %dma_start3A_241 = arith.constant 0 : i32
      %dma_start3A_242 = tpu.memref_slice %arg6[%dma_start3A_240, %dma_start3A_241] : memref<40x128xf32, #tpu.memory_space<vmem>> -> memref<40x128xf32, #tpu.memory_space<vmem>>
      tpu.enqueue_dma source(%dma_start3A_242 : memref<40x128xf32, #tpu.memory_space<vmem>>) target(%dma_start3A_239 : memref<40x128xf32, #tpu.memory_space<vmem_shared>>) target_semaphore(%run_scoped3A : memref<!tpu.dma_semaphore, #tpu.memory_space<semaphore_mem>>)
      %dma_wait3A_243 = arith.constant 0 : i32
      %dma_wait3A_244 = arith.constant 0 : i32
      %dma_wait3A_245 = tpu.memref_slice %arg6[%dma_wait3A_243, %dma_wait3A_244] : memref<40x128xf32, #tpu.memory_space<vmem>> -> memref<40x128xf32, #tpu.memory_space<vmem>>
      %dma_wait3A_246 = arith.constant 0 : i32
      %dma_wait3A_247 = tpu.memref_slice %arg21[%add3A_14, %dma_wait3A_246] : memref<10240x128xf32, #tpu.memory_space<vmem_shared>> -> memref<40x128xf32, #tpu.memory_space<vmem_shared>>
      %dma_wait3A_248 = arith.constant 0 : i32
      %dma_wait3A_249 = tpu.memref_slice %arg21[%add3A_14, %dma_wait3A_248] : memref<10240x128xf32, #tpu.memory_space<vmem_shared>> -> memref<40x128xf32, #tpu.memory_space<vmem_shared>>
      %dma_wait3A_250 = arith.constant 0 : i32
      %dma_wait3A_251 = arith.constant 0 : i32
      %dma_wait3A_252 = tpu.memref_slice %arg6[%dma_wait3A_250, %dma_wait3A_251] : memref<40x128xf32, #tpu.memory_space<vmem>> -> memref<40x128xf32, #tpu.memory_space<vmem>>
      tpu.wait_dma2 semaphore(%run_scoped3A : memref<!tpu.dma_semaphore, #tpu.memory_space<semaphore_mem>>) src(%dma_wait3A_252 : memref<40x128xf32, #tpu.memory_space<vmem>>) dst(%dma_wait3A_249 : memref<40x128xf32, #tpu.memory_space<vmem_shared>>)
      tpu.yield
    }) : () -> ()
    %add3A_15 = arith.constant 80 : i32
    %add3A_16 = arith.addi %mul3A_10, %add3A_15 : i32
    "tpu.region"() ({
      %run_scoped3A = tpu.sem_alloc : memref<!tpu.dma_semaphore, #tpu.memory_space<semaphore_mem>>
      %dma_start3A_233 = arith.constant 0 : i32
      %dma_start3A_234 = arith.constant 0 : i32
      %dma_start3A_235 = tpu.memref_slice %arg6[%dma_start3A_233, %dma_start3A_234] : memref<40x128xf32, #tpu.memory_space<vmem>> -> memref<40x128xf32, #tpu.memory_space<vmem>>
      %dma_start3A_236 = arith.constant 0 : i32
      %dma_start3A_237 = tpu.memref_slice %arg21[%add3A_16, %dma_start3A_236] : memref<10240x128xf32, #tpu.memory_space<vmem_shared>> -> memref<40x128xf32, #tpu.memory_space<vmem_shared>>
      %dma_start3A_238 = arith.constant 0 : i32
      %dma_start3A_239 = tpu.memref_slice %arg21[%add3A_16, %dma_start3A_238] : memref<10240x128xf32, #tpu.memory_space<vmem_shared>> -> memref<40x128xf32, #tpu.memory_space<vmem_shared>>
      %dma_start3A_240 = arith.constant 0 : i32
      %dma_start3A_241 = arith.constant 0 : i32
      %dma_start3A_242 = tpu.memref_slice %arg6[%dma_start3A_240, %dma_start3A_241] : memref<40x128xf32, #tpu.memory_space<vmem>> -> memref<40x128xf32, #tpu.memory_space<vmem>>
      tpu.enqueue_dma source(%dma_start3A_242 : memref<40x128xf32, #tpu.memory_space<vmem>>) target(%dma_start3A_239 : memref<40x128xf32, #tpu.memory_space<vmem_shared>>) target_semaphore(%run_scoped3A : memref<!tpu.dma_semaphore, #tpu.memory_space<semaphore_mem>>)
      %dma_wait3A_243 = arith.constant 0 : i32
      %dma_wait3A_244 = arith.constant 0 : i32
      %dma_wait3A_245 = tpu.memref_slice %arg6[%dma_wait3A_243, %dma_wait3A_244] : memref<40x128xf32, #tpu.memory_space<vmem>> -> memref<40x128xf32, #tpu.memory_space<vmem>>
      %dma_wait3A_246 = arith.constant 0 : i32
      %dma_wait3A_247 = tpu.memref_slice %arg21[%add3A_16, %dma_wait3A_246] : memref<10240x128xf32, #tpu.memory_space<vmem_shared>> -> memref<40x128xf32, #tpu.memory_space<vmem_shared>>
      %dma_wait3A_248 = arith.constant 0 : i32
      %dma_wait3A_249 = tpu.memref_slice %arg21[%add3A_16, %dma_wait3A_248] : memref<10240x128xf32, #tpu.memory_space<vmem_shared>> -> memref<40x128xf32, #tpu.memory_space<vmem_shared>>
      %dma_wait3A_250 = arith.constant 0 : i32
      %dma_wait3A_251 = arith.constant 0 : i32
      %dma_wait3A_252 = tpu.memref_slice %arg6[%dma_wait3A_250, %dma_wait3A_251] : memref<40x128xf32, #tpu.memory_space<vmem>> -> memref<40x128xf32, #tpu.memory_space<vmem>>
      tpu.wait_dma2 semaphore(%run_scoped3A : memref<!tpu.dma_semaphore, #tpu.memory_space<semaphore_mem>>) src(%dma_wait3A_252 : memref<40x128xf32, #tpu.memory_space<vmem>>) dst(%dma_wait3A_249 : memref<40x128xf32, #tpu.memory_space<vmem_shared>>)
      tpu.yield
    }) : () -> ()
    %add3A_17 = arith.constant 120 : i32
    %add3A_18 = arith.addi %mul3A_10, %add3A_17 : i32
    "tpu.region"() ({
      %run_scoped3A = tpu.sem_alloc : memref<!tpu.dma_semaphore, #tpu.memory_space<semaphore_mem>>
      %dma_start3A_233 = arith.constant 0 : i32
      %dma_start3A_234 = arith.constant 0 : i32
      %dma_start3A_235 = tpu.memref_slice %arg6[%dma_start3A_233, %dma_start3A_234] : memref<40x128xf32, #tpu.memory_space<vmem>> -> memref<40x128xf32, #tpu.memory_space<vmem>>
      %dma_start3A_236 = arith.constant 0 : i32
      %dma_start3A_237 = tpu.memref_slice %arg21[%add3A_18, %dma_start3A_236] : memref<10240x128xf32, #tpu.memory_space<vmem_shared>> -> memref<40x128xf32, #tpu.memory_space<vmem_shared>>
      %dma_start3A_238 = arith.constant 0 : i32
      %dma_start3A_239 = tpu.memref_slice %arg21[%add3A_18, %dma_start3A_238] : memref<10240x128xf32, #tpu.memory_space<vmem_shared>> -> memref<40x128xf32, #tpu.memory_space<vmem_shared>>
      %dma_start3A_240 = arith.constant 0 : i32
      %dma_start3A_241 = arith.constant 0 : i32
      %dma_start3A_242 = tpu.memref_slice %arg6[%dma_start3A_240, %dma_start3A_241] : memref<40x128xf32, #tpu.memory_space<vmem>> -> memref<40x128xf32, #tpu.memory_space<vmem>>
      tpu.enqueue_dma source(%dma_start3A_242 : memref<40x128xf32, #tpu.memory_space<vmem>>) target(%dma_start3A_239 : memref<40x128xf32, #tpu.memory_space<vmem_shared>>) target_semaphore(%run_scoped3A : memref<!tpu.dma_semaphore, #tpu.memory_space<semaphore_mem>>)
      %dma_wait3A_243 = arith.constant 0 : i32
      %dma_wait3A_244 = arith.constant 0 : i32
      %dma_wait3A_245 = tpu.memref_slice %arg6[%dma_wait3A_243, %dma_wait3A_244] : memref<40x128xf32, #tpu.memory_space<vmem>> -> memref<40x128xf32, #tpu.memory_space<vmem>>
      %dma_wait3A_246 = arith.constant 0 : i32
      %dma_wait3A_247 = tpu.memref_slice %arg21[%add3A_18, %dma_wait3A_246] : memref<10240x128xf32, #tpu.memory_space<vmem_shared>> -> memref<40x128xf32, #tpu.memory_space<vmem_shared>>
      %dma_wait3A_248 = arith.constant 0 : i32
      %dma_wait3A_249 = tpu.memref_slice %arg21[%add3A_18, %dma_wait3A_248] : memref<10240x128xf32, #tpu.memory_space<vmem_shared>> -> memref<40x128xf32, #tpu.memory_space<vmem_shared>>
      %dma_wait3A_250 = arith.constant 0 : i32
      %dma_wait3A_251 = arith.constant 0 : i32
      %dma_wait3A_252 = tpu.memref_slice %arg6[%dma_wait3A_250, %dma_wait3A_251] : memref<40x128xf32, #tpu.memory_space<vmem>> -> memref<40x128xf32, #tpu.memory_space<vmem>>
      tpu.wait_dma2 semaphore(%run_scoped3A : memref<!tpu.dma_semaphore, #tpu.memory_space<semaphore_mem>>) src(%dma_wait3A_252 : memref<40x128xf32, #tpu.memory_space<vmem>>) dst(%dma_wait3A_249 : memref<40x128xf32, #tpu.memory_space<vmem_shared>>)
      tpu.yield
    }) : () -> ()
    %add3A_19 = arith.constant 160 : i32
    %add3A_20 = arith.addi %mul3A_10, %add3A_19 : i32
    "tpu.region"() ({
      %run_scoped3A = tpu.sem_alloc : memref<!tpu.dma_semaphore, #tpu.memory_space<semaphore_mem>>
      %dma_start3A_233 = arith.constant 0 : i32
      %dma_start3A_234 = arith.constant 0 : i32
      %dma_start3A_235 = tpu.memref_slice %arg6[%dma_start3A_233, %dma_start3A_234] : memref<40x128xf32, #tpu.memory_space<vmem>> -> memref<40x128xf32, #tpu.memory_space<vmem>>
      %dma_start3A_236 = arith.constant 0 : i32
      %dma_start3A_237 = tpu.memref_slice %arg21[%add3A_20, %dma_start3A_236] : memref<10240x128xf32, #tpu.memory_space<vmem_shared>> -> memref<40x128xf32, #tpu.memory_space<vmem_shared>>
      %dma_start3A_238 = arith.constant 0 : i32
      %dma_start3A_239 = tpu.memref_slice %arg21[%add3A_20, %dma_start3A_238] : memref<10240x128xf32, #tpu.memory_space<vmem_shared>> -> memref<40x128xf32, #tpu.memory_space<vmem_shared>>
      %dma_start3A_240 = arith.constant 0 : i32
      %dma_start3A_241 = arith.constant 0 : i32
      %dma_start3A_242 = tpu.memref_slice %arg6[%dma_start3A_240, %dma_start3A_241] : memref<40x128xf32, #tpu.memory_space<vmem>> -> memref<40x128xf32, #tpu.memory_space<vmem>>
      tpu.enqueue_dma source(%dma_start3A_242 : memref<40x128xf32, #tpu.memory_space<vmem>>) target(%dma_start3A_239 : memref<40x128xf32, #tpu.memory_space<vmem_shared>>) target_semaphore(%run_scoped3A : memref<!tpu.dma_semaphore, #tpu.memory_space<semaphore_mem>>)
      %dma_wait3A_243 = arith.constant 0 : i32
      %dma_wait3A_244 = arith.constant 0 : i32
      %dma_wait3A_245 = tpu.memref_slice %arg6[%dma_wait3A_243, %dma_wait3A_244] : memref<40x128xf32, #tpu.memory_space<vmem>> -> memref<40x128xf32, #tpu.memory_space<vmem>>
      %dma_wait3A_246 = arith.constant 0 : i32
      %dma_wait3A_247 = tpu.memref_slice %arg21[%add3A_20, %dma_wait3A_246] : memref<10240x128xf32, #tpu.memory_space<vmem_shared>> -> memref<40x128xf32, #tpu.memory_space<vmem_shared>>
      %dma_wait3A_248 = arith.constant 0 : i32
      %dma_wait3A_249 = tpu.memref_slice %arg21[%add3A_20, %dma_wait3A_248] : memref<10240x128xf32, #tpu.memory_space<vmem_shared>> -> memref<40x128xf32, #tpu.memory_space<vmem_shared>>
      %dma_wait3A_250 = arith.constant 0 : i32
      %dma_wait3A_251 = arith.constant 0 : i32
      %dma_wait3A_252 = tpu.memref_slice %arg6[%dma_wait3A_250, %dma_wait3A_251] : memref<40x128xf32, #tpu.memory_space<vmem>> -> memref<40x128xf32, #tpu.memory_space<vmem>>
      tpu.wait_dma2 semaphore(%run_scoped3A : memref<!tpu.dma_semaphore, #tpu.memory_space<semaphore_mem>>) src(%dma_wait3A_252 : memref<40x128xf32, #tpu.memory_space<vmem>>) dst(%dma_wait3A_249 : memref<40x128xf32, #tpu.memory_space<vmem_shared>>)
      tpu.yield
    }) : () -> ()
    %add3A_21 = arith.constant 200 : i32
    %add3A_22 = arith.addi %mul3A_10, %add3A_21 : i32
    "tpu.region"() ({
      %run_scoped3A = tpu.sem_alloc : memref<!tpu.dma_semaphore, #tpu.memory_space<semaphore_mem>>
      %dma_start3A_233 = arith.constant 0 : i32
      %dma_start3A_234 = arith.constant 0 : i32
      %dma_start3A_235 = tpu.memref_slice %arg6[%dma_start3A_233, %dma_start3A_234] : memref<40x128xf32, #tpu.memory_space<vmem>> -> memref<40x128xf32, #tpu.memory_space<vmem>>
      %dma_start3A_236 = arith.constant 0 : i32
      %dma_start3A_237 = tpu.memref_slice %arg21[%add3A_22, %dma_start3A_236] : memref<10240x128xf32, #tpu.memory_space<vmem_shared>> -> memref<40x128xf32, #tpu.memory_space<vmem_shared>>
      %dma_start3A_238 = arith.constant 0 : i32
      %dma_start3A_239 = tpu.memref_slice %arg21[%add3A_22, %dma_start3A_238] : memref<10240x128xf32, #tpu.memory_space<vmem_shared>> -> memref<40x128xf32, #tpu.memory_space<vmem_shared>>
      %dma_start3A_240 = arith.constant 0 : i32
      %dma_start3A_241 = arith.constant 0 : i32
      %dma_start3A_242 = tpu.memref_slice %arg6[%dma_start3A_240, %dma_start3A_241] : memref<40x128xf32, #tpu.memory_space<vmem>> -> memref<40x128xf32, #tpu.memory_space<vmem>>
      tpu.enqueue_dma source(%dma_start3A_242 : memref<40x128xf32, #tpu.memory_space<vmem>>) target(%dma_start3A_239 : memref<40x128xf32, #tpu.memory_space<vmem_shared>>) target_semaphore(%run_scoped3A : memref<!tpu.dma_semaphore, #tpu.memory_space<semaphore_mem>>)
      %dma_wait3A_243 = arith.constant 0 : i32
      %dma_wait3A_244 = arith.constant 0 : i32
      %dma_wait3A_245 = tpu.memref_slice %arg6[%dma_wait3A_243, %dma_wait3A_244] : memref<40x128xf32, #tpu.memory_space<vmem>> -> memref<40x128xf32, #tpu.memory_space<vmem>>
      %dma_wait3A_246 = arith.constant 0 : i32
      %dma_wait3A_247 = tpu.memref_slice %arg21[%add3A_22, %dma_wait3A_246] : memref<10240x128xf32, #tpu.memory_space<vmem_shared>> -> memref<40x128xf32, #tpu.memory_space<vmem_shared>>
      %dma_wait3A_248 = arith.constant 0 : i32
      %dma_wait3A_249 = tpu.memref_slice %arg21[%add3A_22, %dma_wait3A_248] : memref<10240x128xf32, #tpu.memory_space<vmem_shared>> -> memref<40x128xf32, #tpu.memory_space<vmem_shared>>
      %dma_wait3A_250 = arith.constant 0 : i32
      %dma_wait3A_251 = arith.constant 0 : i32
      %dma_wait3A_252 = tpu.memref_slice %arg6[%dma_wait3A_250, %dma_wait3A_251] : memref<40x128xf32, #tpu.memory_space<vmem>> -> memref<40x128xf32, #tpu.memory_space<vmem>>
      tpu.wait_dma2 semaphore(%run_scoped3A : memref<!tpu.dma_semaphore, #tpu.memory_space<semaphore_mem>>) src(%dma_wait3A_252 : memref<40x128xf32, #tpu.memory_space<vmem>>) dst(%dma_wait3A_249 : memref<40x128xf32, #tpu.memory_space<vmem_shared>>)
      tpu.yield
    }) : () -> ()
    %add3A_23 = arith.constant 240 : i32
    %add3A_24 = arith.addi %mul3A_10, %add3A_23 : i32
    "tpu.region"() ({
      %run_scoped3A = tpu.sem_alloc : memref<!tpu.dma_semaphore, #tpu.memory_space<semaphore_mem>>
      %dma_start3A_233 = arith.constant 0 : i32
      %dma_start3A_234 = arith.constant 0 : i32
      %dma_start3A_235 = tpu.memref_slice %arg6[%dma_start3A_233, %dma_start3A_234] : memref<40x128xf32, #tpu.memory_space<vmem>> -> memref<40x128xf32, #tpu.memory_space<vmem>>
      %dma_start3A_236 = arith.constant 0 : i32
      %dma_start3A_237 = tpu.memref_slice %arg21[%add3A_24, %dma_start3A_236] : memref<10240x128xf32, #tpu.memory_space<vmem_shared>> -> memref<40x128xf32, #tpu.memory_space<vmem_shared>>
      %dma_start3A_238 = arith.constant 0 : i32
      %dma_start3A_239 = tpu.memref_slice %arg21[%add3A_24, %dma_start3A_238] : memref<10240x128xf32, #tpu.memory_space<vmem_shared>> -> memref<40x128xf32, #tpu.memory_space<vmem_shared>>
      %dma_start3A_240 = arith.constant 0 : i32
      %dma_start3A_241 = arith.constant 0 : i32
      %dma_start3A_242 = tpu.memref_slice %arg6[%dma_start3A_240, %dma_start3A_241] : memref<40x128xf32, #tpu.memory_space<vmem>> -> memref<40x128xf32, #tpu.memory_space<vmem>>
      tpu.enqueue_dma source(%dma_start3A_242 : memref<40x128xf32, #tpu.memory_space<vmem>>) target(%dma_start3A_239 : memref<40x128xf32, #tpu.memory_space<vmem_shared>>) target_semaphore(%run_scoped3A : memref<!tpu.dma_semaphore, #tpu.memory_space<semaphore_mem>>)
      %dma_wait3A_243 = arith.constant 0 : i32
      %dma_wait3A_244 = arith.constant 0 : i32
      %dma_wait3A_245 = tpu.memref_slice %arg6[%dma_wait3A_243, %dma_wait3A_244] : memref<40x128xf32, #tpu.memory_space<vmem>> -> memref<40x128xf32, #tpu.memory_space<vmem>>
      %dma_wait3A_246 = arith.constant 0 : i32
      %dma_wait3A_247 = tpu.memref_slice %arg21[%add3A_24, %dma_wait3A_246] : memref<10240x128xf32, #tpu.memory_space<vmem_shared>> -> memref<40x128xf32, #tpu.memory_space<vmem_shared>>
      %dma_wait3A_248 = arith.constant 0 : i32
      %dma_wait3A_249 = tpu.memref_slice %arg21[%add3A_24, %dma_wait3A_248] : memref<10240x128xf32, #tpu.memory_space<vmem_shared>> -> memref<40x128xf32, #tpu.memory_space<vmem_shared>>
      %dma_wait3A_250 = arith.constant 0 : i32
      %dma_wait3A_251 = arith.constant 0 : i32
      %dma_wait3A_252 = tpu.memref_slice %arg6[%dma_wait3A_250, %dma_wait3A_251] : memref<40x128xf32, #tpu.memory_space<vmem>> -> memref<40x128xf32, #tpu.memory_space<vmem>>
      tpu.wait_dma2 semaphore(%run_scoped3A : memref<!tpu.dma_semaphore, #tpu.memory_space<semaphore_mem>>) src(%dma_wait3A_252 : memref<40x128xf32, #tpu.memory_space<vmem>>) dst(%dma_wait3A_249 : memref<40x128xf32, #tpu.memory_space<vmem_shared>>)
      tpu.yield
    }) : () -> ()
    %add3A_25 = arith.constant 280 : i32
    %add3A_26 = arith.addi %mul3A_10, %add3A_25 : i32
    "tpu.region"() ({
      %run_scoped3A = tpu.sem_alloc : memref<!tpu.dma_semaphore, #tpu.memory_space<semaphore_mem>>
      %dma_start3A_233 = arith.constant 0 : i32
      %dma_start3A_234 = arith.constant 0 : i32
      %dma_start3A_235 = tpu.memref_slice %arg6[%dma_start3A_233, %dma_start3A_234] : memref<40x128xf32, #tpu.memory_space<vmem>> -> memref<40x128xf32, #tpu.memory_space<vmem>>
      %dma_start3A_236 = arith.constant 0 : i32
      %dma_start3A_237 = tpu.memref_slice %arg21[%add3A_26, %dma_start3A_236] : memref<10240x128xf32, #tpu.memory_space<vmem_shared>> -> memref<40x128xf32, #tpu.memory_space<vmem_shared>>
      %dma_start3A_238 = arith.constant 0 : i32
      %dma_start3A_239 = tpu.memref_slice %arg21[%add3A_26, %dma_start3A_238] : memref<10240x128xf32, #tpu.memory_space<vmem_shared>> -> memref<40x128xf32, #tpu.memory_space<vmem_shared>>
      %dma_start3A_240 = arith.constant 0 : i32
      %dma_start3A_241 = arith.constant 0 : i32
      %dma_start3A_242 = tpu.memref_slice %arg6[%dma_start3A_240, %dma_start3A_241] : memref<40x128xf32, #tpu.memory_space<vmem>> -> memref<40x128xf32, #tpu.memory_space<vmem>>
      tpu.enqueue_dma source(%dma_start3A_242 : memref<40x128xf32, #tpu.memory_space<vmem>>) target(%dma_start3A_239 : memref<40x128xf32, #tpu.memory_space<vmem_shared>>) target_semaphore(%run_scoped3A : memref<!tpu.dma_semaphore, #tpu.memory_space<semaphore_mem>>)
      %dma_wait3A_243 = arith.constant 0 : i32
      %dma_wait3A_244 = arith.constant 0 : i32
      %dma_wait3A_245 = tpu.memref_slice %arg6[%dma_wait3A_243, %dma_wait3A_244] : memref<40x128xf32, #tpu.memory_space<vmem>> -> memref<40x128xf32, #tpu.memory_space<vmem>>
      %dma_wait3A_246 = arith.constant 0 : i32
      %dma_wait3A_247 = tpu.memref_slice %arg21[%add3A_26, %dma_wait3A_246] : memref<10240x128xf32, #tpu.memory_space<vmem_shared>> -> memref<40x128xf32, #tpu.memory_space<vmem_shared>>
      %dma_wait3A_248 = arith.constant 0 : i32
      %dma_wait3A_249 = tpu.memref_slice %arg21[%add3A_26, %dma_wait3A_248] : memref<10240x128xf32, #tpu.memory_space<vmem_shared>> -> memref<40x128xf32, #tpu.memory_space<vmem_shared>>
      %dma_wait3A_250 = arith.constant 0 : i32
      %dma_wait3A_251 = arith.constant 0 : i32
      %dma_wait3A_252 = tpu.memref_slice %arg6[%dma_wait3A_250, %dma_wait3A_251] : memref<40x128xf32, #tpu.memory_space<vmem>> -> memref<40x128xf32, #tpu.memory_space<vmem>>
      tpu.wait_dma2 semaphore(%run_scoped3A : memref<!tpu.dma_semaphore, #tpu.memory_space<semaphore_mem>>) src(%dma_wait3A_252 : memref<40x128xf32, #tpu.memory_space<vmem>>) dst(%dma_wait3A_249 : memref<40x128xf32, #tpu.memory_space<vmem_shared>>)
      tpu.yield
    }) : () -> ()
    %add3A_27 = arith.constant 320 : i32
    %add3A_28 = arith.addi %mul3A_10, %add3A_27 : i32
    "tpu.region"() ({
      %run_scoped3A = tpu.sem_alloc : memref<!tpu.dma_semaphore, #tpu.memory_space<semaphore_mem>>
      %dma_start3A_233 = arith.constant 0 : i32
      %dma_start3A_234 = arith.constant 0 : i32
      %dma_start3A_235 = tpu.memref_slice %arg6[%dma_start3A_233, %dma_start3A_234] : memref<40x128xf32, #tpu.memory_space<vmem>> -> memref<40x128xf32, #tpu.memory_space<vmem>>
      %dma_start3A_236 = arith.constant 0 : i32
      %dma_start3A_237 = tpu.memref_slice %arg21[%add3A_28, %dma_start3A_236] : memref<10240x128xf32, #tpu.memory_space<vmem_shared>> -> memref<40x128xf32, #tpu.memory_space<vmem_shared>>
      %dma_start3A_238 = arith.constant 0 : i32
      %dma_start3A_239 = tpu.memref_slice %arg21[%add3A_28, %dma_start3A_238] : memref<10240x128xf32, #tpu.memory_space<vmem_shared>> -> memref<40x128xf32, #tpu.memory_space<vmem_shared>>
      %dma_start3A_240 = arith.constant 0 : i32
      %dma_start3A_241 = arith.constant 0 : i32
      %dma_start3A_242 = tpu.memref_slice %arg6[%dma_start3A_240, %dma_start3A_241] : memref<40x128xf32, #tpu.memory_space<vmem>> -> memref<40x128xf32, #tpu.memory_space<vmem>>
      tpu.enqueue_dma source(%dma_start3A_242 : memref<40x128xf32, #tpu.memory_space<vmem>>) target(%dma_start3A_239 : memref<40x128xf32, #tpu.memory_space<vmem_shared>>) target_semaphore(%run_scoped3A : memref<!tpu.dma_semaphore, #tpu.memory_space<semaphore_mem>>)
      %dma_wait3A_243 = arith.constant 0 : i32
      %dma_wait3A_244 = arith.constant 0 : i32
      %dma_wait3A_245 = tpu.memref_slice %arg6[%dma_wait3A_243, %dma_wait3A_244] : memref<40x128xf32, #tpu.memory_space<vmem>> -> memref<40x128xf32, #tpu.memory_space<vmem>>
      %dma_wait3A_246 = arith.constant 0 : i32
      %dma_wait3A_247 = tpu.memref_slice %arg21[%add3A_28, %dma_wait3A_246] : memref<10240x128xf32, #tpu.memory_space<vmem_shared>> -> memref<40x128xf32, #tpu.memory_space<vmem_shared>>
      %dma_wait3A_248 = arith.constant 0 : i32
      %dma_wait3A_249 = tpu.memref_slice %arg21[%add3A_28, %dma_wait3A_248] : memref<10240x128xf32, #tpu.memory_space<vmem_shared>> -> memref<40x128xf32, #tpu.memory_space<vmem_shared>>
      %dma_wait3A_250 = arith.constant 0 : i32
      %dma_wait3A_251 = arith.constant 0 : i32
      %dma_wait3A_252 = tpu.memref_slice %arg6[%dma_wait3A_250, %dma_wait3A_251] : memref<40x128xf32, #tpu.memory_space<vmem>> -> memref<40x128xf32, #tpu.memory_space<vmem>>
      tpu.wait_dma2 semaphore(%run_scoped3A : memref<!tpu.dma_semaphore, #tpu.memory_space<semaphore_mem>>) src(%dma_wait3A_252 : memref<40x128xf32, #tpu.memory_space<vmem>>) dst(%dma_wait3A_249 : memref<40x128xf32, #tpu.memory_space<vmem_shared>>)
      tpu.yield
    }) : () -> ()
    %add3A_29 = arith.constant 360 : i32
    %add3A_30 = arith.addi %mul3A_10, %add3A_29 : i32
    "tpu.region"() ({
      %run_scoped3A = tpu.sem_alloc : memref<!tpu.dma_semaphore, #tpu.memory_space<semaphore_mem>>
      %dma_start3A_233 = arith.constant 0 : i32
      %dma_start3A_234 = arith.constant 0 : i32
      %dma_start3A_235 = tpu.memref_slice %arg6[%dma_start3A_233, %dma_start3A_234] : memref<40x128xf32, #tpu.memory_space<vmem>> -> memref<40x128xf32, #tpu.memory_space<vmem>>
      %dma_start3A_236 = arith.constant 0 : i32
      %dma_start3A_237 = tpu.memref_slice %arg21[%add3A_30, %dma_start3A_236] : memref<10240x128xf32, #tpu.memory_space<vmem_shared>> -> memref<40x128xf32, #tpu.memory_space<vmem_shared>>
      %dma_start3A_238 = arith.constant 0 : i32
      %dma_start3A_239 = tpu.memref_slice %arg21[%add3A_30, %dma_start3A_238] : memref<10240x128xf32, #tpu.memory_space<vmem_shared>> -> memref<40x128xf32, #tpu.memory_space<vmem_shared>>
      %dma_start3A_240 = arith.constant 0 : i32
      %dma_start3A_241 = arith.constant 0 : i32
      %dma_start3A_242 = tpu.memref_slice %arg6[%dma_start3A_240, %dma_start3A_241] : memref<40x128xf32, #tpu.memory_space<vmem>> -> memref<40x128xf32, #tpu.memory_space<vmem>>
      tpu.enqueue_dma source(%dma_start3A_242 : memref<40x128xf32, #tpu.memory_space<vmem>>) target(%dma_start3A_239 : memref<40x128xf32, #tpu.memory_space<vmem_shared>>) target_semaphore(%run_scoped3A : memref<!tpu.dma_semaphore, #tpu.memory_space<semaphore_mem>>)
      %dma_wait3A_243 = arith.constant 0 : i32
      %dma_wait3A_244 = arith.constant 0 : i32
      %dma_wait3A_245 = tpu.memref_slice %arg6[%dma_wait3A_243, %dma_wait3A_244] : memref<40x128xf32, #tpu.memory_space<vmem>> -> memref<40x128xf32, #tpu.memory_space<vmem>>
      %dma_wait3A_246 = arith.constant 0 : i32
      %dma_wait3A_247 = tpu.memref_slice %arg21[%add3A_30, %dma_wait3A_246] : memref<10240x128xf32, #tpu.memory_space<vmem_shared>> -> memref<40x128xf32, #tpu.memory_space<vmem_shared>>
      %dma_wait3A_248 = arith.constant 0 : i32
      %dma_wait3A_249 = tpu.memref_slice %arg21[%add3A_30, %dma_wait3A_248] : memref<10240x128xf32, #tpu.memory_space<vmem_shared>> -> memref<40x128xf32, #tpu.memory_space<vmem_shared>>
      %dma_wait3A_250 = arith.constant 0 : i32
      %dma_wait3A_251 = arith.constant 0 : i32
      %dma_wait3A_252 = tpu.memref_slice %arg6[%dma_wait3A_250, %dma_wait3A_251] : memref<40x128xf32, #tpu.memory_space<vmem>> -> memref<40x128xf32, #tpu.memory_space<vmem>>
      tpu.wait_dma2 semaphore(%run_scoped3A : memref<!tpu.dma_semaphore, #tpu.memory_space<semaphore_mem>>) src(%dma_wait3A_252 : memref<40x128xf32, #tpu.memory_space<vmem>>) dst(%dma_wait3A_249 : memref<40x128xf32, #tpu.memory_space<vmem_shared>>)
      tpu.yield
    }) : () -> ()
    %add3A_31 = arith.constant 400 : i32
    %add3A_32 = arith.addi %mul3A_10, %add3A_31 : i32
    "tpu.region"() ({
      %run_scoped3A = tpu.sem_alloc : memref<!tpu.dma_semaphore, #tpu.memory_space<semaphore_mem>>
      %dma_start3A_233 = arith.constant 0 : i32
      %dma_start3A_234 = arith.constant 0 : i32
      %dma_start3A_235 = tpu.memref_slice %arg6[%dma_start3A_233, %dma_start3A_234] : memref<40x128xf32, #tpu.memory_space<vmem>> -> memref<40x128xf32, #tpu.memory_space<vmem>>
      %dma_start3A_236 = arith.constant 0 : i32
      %dma_start3A_237 = tpu.memref_slice %arg21[%add3A_32, %dma_start3A_236] : memref<10240x128xf32, #tpu.memory_space<vmem_shared>> -> memref<40x128xf32, #tpu.memory_space<vmem_shared>>
      %dma_start3A_238 = arith.constant 0 : i32
      %dma_start3A_239 = tpu.memref_slice %arg21[%add3A_32, %dma_start3A_238] : memref<10240x128xf32, #tpu.memory_space<vmem_shared>> -> memref<40x128xf32, #tpu.memory_space<vmem_shared>>
      %dma_start3A_240 = arith.constant 0 : i32
      %dma_start3A_241 = arith.constant 0 : i32
      %dma_start3A_242 = tpu.memref_slice %arg6[%dma_start3A_240, %dma_start3A_241] : memref<40x128xf32, #tpu.memory_space<vmem>> -> memref<40x128xf32, #tpu.memory_space<vmem>>
      tpu.enqueue_dma source(%dma_start3A_242 : memref<40x128xf32, #tpu.memory_space<vmem>>) target(%dma_start3A_239 : memref<40x128xf32, #tpu.memory_space<vmem_shared>>) target_semaphore(%run_scoped3A : memref<!tpu.dma_semaphore, #tpu.memory_space<semaphore_mem>>)
      %dma_wait3A_243 = arith.constant 0 : i32
      %dma_wait3A_244 = arith.constant 0 : i32
      %dma_wait3A_245 = tpu.memref_slice %arg6[%dma_wait3A_243, %dma_wait3A_244] : memref<40x128xf32, #tpu.memory_space<vmem>> -> memref<40x128xf32, #tpu.memory_space<vmem>>
      %dma_wait3A_246 = arith.constant 0 : i32
      %dma_wait3A_247 = tpu.memref_slice %arg21[%add3A_32, %dma_wait3A_246] : memref<10240x128xf32, #tpu.memory_space<vmem_shared>> -> memref<40x128xf32, #tpu.memory_space<vmem_shared>>
      %dma_wait3A_248 = arith.constant 0 : i32
      %dma_wait3A_249 = tpu.memref_slice %arg21[%add3A_32, %dma_wait3A_248] : memref<10240x128xf32, #tpu.memory_space<vmem_shared>> -> memref<40x128xf32, #tpu.memory_space<vmem_shared>>
      %dma_wait3A_250 = arith.constant 0 : i32
      %dma_wait3A_251 = arith.constant 0 : i32
      %dma_wait3A_252 = tpu.memref_slice %arg6[%dma_wait3A_250, %dma_wait3A_251] : memref<40x128xf32, #tpu.memory_space<vmem>> -> memref<40x128xf32, #tpu.memory_space<vmem>>
      tpu.wait_dma2 semaphore(%run_scoped3A : memref<!tpu.dma_semaphore, #tpu.memory_space<semaphore_mem>>) src(%dma_wait3A_252 : memref<40x128xf32, #tpu.memory_space<vmem>>) dst(%dma_wait3A_249 : memref<40x128xf32, #tpu.memory_space<vmem_shared>>)
      tpu.yield
    }) : () -> ()
    %add3A_33 = arith.constant 440 : i32
    %add3A_34 = arith.addi %mul3A_10, %add3A_33 : i32
    "tpu.region"() ({
      %run_scoped3A = tpu.sem_alloc : memref<!tpu.dma_semaphore, #tpu.memory_space<semaphore_mem>>
      %dma_start3A_233 = arith.constant 0 : i32
      %dma_start3A_234 = arith.constant 0 : i32
      %dma_start3A_235 = tpu.memref_slice %arg6[%dma_start3A_233, %dma_start3A_234] : memref<40x128xf32, #tpu.memory_space<vmem>> -> memref<40x128xf32, #tpu.memory_space<vmem>>
      %dma_start3A_236 = arith.constant 0 : i32
      %dma_start3A_237 = tpu.memref_slice %arg21[%add3A_34, %dma_start3A_236] : memref<10240x128xf32, #tpu.memory_space<vmem_shared>> -> memref<40x128xf32, #tpu.memory_space<vmem_shared>>
      %dma_start3A_238 = arith.constant 0 : i32
      %dma_start3A_239 = tpu.memref_slice %arg21[%add3A_34, %dma_start3A_238] : memref<10240x128xf32, #tpu.memory_space<vmem_shared>> -> memref<40x128xf32, #tpu.memory_space<vmem_shared>>
      %dma_start3A_240 = arith.constant 0 : i32
      %dma_start3A_241 = arith.constant 0 : i32
      %dma_start3A_242 = tpu.memref_slice %arg6[%dma_start3A_240, %dma_start3A_241] : memref<40x128xf32, #tpu.memory_space<vmem>> -> memref<40x128xf32, #tpu.memory_space<vmem>>
      tpu.enqueue_dma source(%dma_start3A_242 : memref<40x128xf32, #tpu.memory_space<vmem>>) target(%dma_start3A_239 : memref<40x128xf32, #tpu.memory_space<vmem_shared>>) target_semaphore(%run_scoped3A : memref<!tpu.dma_semaphore, #tpu.memory_space<semaphore_mem>>)
      %dma_wait3A_243 = arith.constant 0 : i32
      %dma_wait3A_244 = arith.constant 0 : i32
      %dma_wait3A_245 = tpu.memref_slice %arg6[%dma_wait3A_243, %dma_wait3A_244] : memref<40x128xf32, #tpu.memory_space<vmem>> -> memref<40x128xf32, #tpu.memory_space<vmem>>
      %dma_wait3A_246 = arith.constant 0 : i32
      %dma_wait3A_247 = tpu.memref_slice %arg21[%add3A_34, %dma_wait3A_246] : memref<10240x128xf32, #tpu.memory_space<vmem_shared>> -> memref<40x128xf32, #tpu.memory_space<vmem_shared>>
      %dma_wait3A_248 = arith.constant 0 : i32
      %dma_wait3A_249 = tpu.memref_slice %arg21[%add3A_34, %dma_wait3A_248] : memref<10240x128xf32, #tpu.memory_space<vmem_shared>> -> memref<40x128xf32, #tpu.memory_space<vmem_shared>>
      %dma_wait3A_250 = arith.constant 0 : i32
      %dma_wait3A_251 = arith.constant 0 : i32
      %dma_wait3A_252 = tpu.memref_slice %arg6[%dma_wait3A_250, %dma_wait3A_251] : memref<40x128xf32, #tpu.memory_space<vmem>> -> memref<40x128xf32, #tpu.memory_space<vmem>>
      tpu.wait_dma2 semaphore(%run_scoped3A : memref<!tpu.dma_semaphore, #tpu.memory_space<semaphore_mem>>) src(%dma_wait3A_252 : memref<40x128xf32, #tpu.memory_space<vmem>>) dst(%dma_wait3A_249 : memref<40x128xf32, #tpu.memory_space<vmem_shared>>)
      tpu.yield
    }) : () -> ()
    %add3A_35 = arith.constant 480 : i32
    %add3A_36 = arith.addi %mul3A_10, %add3A_35 : i32
    "tpu.region"() ({
      %run_scoped3A = tpu.sem_alloc : memref<!tpu.dma_semaphore, #tpu.memory_space<semaphore_mem>>
      %dma_start3A_233 = arith.constant 0 : i32
      %dma_start3A_234 = arith.constant 0 : i32
      %dma_start3A_235 = tpu.memref_slice %arg6[%dma_start3A_233, %dma_start3A_234] : memref<40x128xf32, #tpu.memory_space<vmem>> -> memref<40x128xf32, #tpu.memory_space<vmem>>
      %dma_start3A_236 = arith.constant 0 : i32
      %dma_start3A_237 = tpu.memref_slice %arg21[%add3A_36, %dma_start3A_236] : memref<10240x128xf32, #tpu.memory_space<vmem_shared>> -> memref<40x128xf32, #tpu.memory_space<vmem_shared>>
      %dma_start3A_238 = arith.constant 0 : i32
      %dma_start3A_239 = tpu.memref_slice %arg21[%add3A_36, %dma_start3A_238] : memref<10240x128xf32, #tpu.memory_space<vmem_shared>> -> memref<40x128xf32, #tpu.memory_space<vmem_shared>>
      %dma_start3A_240 = arith.constant 0 : i32
      %dma_start3A_241 = arith.constant 0 : i32
      %dma_start3A_242 = tpu.memref_slice %arg6[%dma_start3A_240, %dma_start3A_241] : memref<40x128xf32, #tpu.memory_space<vmem>> -> memref<40x128xf32, #tpu.memory_space<vmem>>
      tpu.enqueue_dma source(%dma_start3A_242 : memref<40x128xf32, #tpu.memory_space<vmem>>) target(%dma_start3A_239 : memref<40x128xf32, #tpu.memory_space<vmem_shared>>) target_semaphore(%run_scoped3A : memref<!tpu.dma_semaphore, #tpu.memory_space<semaphore_mem>>)
      %dma_wait3A_243 = arith.constant 0 : i32
      %dma_wait3A_244 = arith.constant 0 : i32
      %dma_wait3A_245 = tpu.memref_slice %arg6[%dma_wait3A_243, %dma_wait3A_244] : memref<40x128xf32, #tpu.memory_space<vmem>> -> memref<40x128xf32, #tpu.memory_space<vmem>>
      %dma_wait3A_246 = arith.constant 0 : i32
      %dma_wait3A_247 = tpu.memref_slice %arg21[%add3A_36, %dma_wait3A_246] : memref<10240x128xf32, #tpu.memory_space<vmem_shared>> -> memref<40x128xf32, #tpu.memory_space<vmem_shared>>
      %dma_wait3A_248 = arith.constant 0 : i32
      %dma_wait3A_249 = tpu.memref_slice %arg21[%add3A_36, %dma_wait3A_248] : memref<10240x128xf32, #tpu.memory_space<vmem_shared>> -> memref<40x128xf32, #tpu.memory_space<vmem_shared>>
      %dma_wait3A_250 = arith.constant 0 : i32
      %dma_wait3A_251 = arith.constant 0 : i32
      %dma_wait3A_252 = tpu.memref_slice %arg6[%dma_wait3A_250, %dma_wait3A_251] : memref<40x128xf32, #tpu.memory_space<vmem>> -> memref<40x128xf32, #tpu.memory_space<vmem>>
      tpu.wait_dma2 semaphore(%run_scoped3A : memref<!tpu.dma_semaphore, #tpu.memory_space<semaphore_mem>>) src(%dma_wait3A_252 : memref<40x128xf32, #tpu.memory_space<vmem>>) dst(%dma_wait3A_249 : memref<40x128xf32, #tpu.memory_space<vmem_shared>>)
      tpu.yield
    }) : () -> ()
    %add3A_37 = arith.constant 520 : i32
    %add3A_38 = arith.addi %mul3A_10, %add3A_37 : i32
    "tpu.region"() ({
      %run_scoped3A = tpu.sem_alloc : memref<!tpu.dma_semaphore, #tpu.memory_space<semaphore_mem>>
      %dma_start3A_233 = arith.constant 0 : i32
      %dma_start3A_234 = arith.constant 0 : i32
      %dma_start3A_235 = tpu.memref_slice %arg6[%dma_start3A_233, %dma_start3A_234] : memref<40x128xf32, #tpu.memory_space<vmem>> -> memref<40x128xf32, #tpu.memory_space<vmem>>
      %dma_start3A_236 = arith.constant 0 : i32
      %dma_start3A_237 = tpu.memref_slice %arg21[%add3A_38, %dma_start3A_236] : memref<10240x128xf32, #tpu.memory_space<vmem_shared>> -> memref<40x128xf32, #tpu.memory_space<vmem_shared>>
      %dma_start3A_238 = arith.constant 0 : i32
      %dma_start3A_239 = tpu.memref_slice %arg21[%add3A_38, %dma_start3A_238] : memref<10240x128xf32, #tpu.memory_space<vmem_shared>> -> memref<40x128xf32, #tpu.memory_space<vmem_shared>>
      %dma_start3A_240 = arith.constant 0 : i32
      %dma_start3A_241 = arith.constant 0 : i32
      %dma_start3A_242 = tpu.memref_slice %arg6[%dma_start3A_240, %dma_start3A_241] : memref<40x128xf32, #tpu.memory_space<vmem>> -> memref<40x128xf32, #tpu.memory_space<vmem>>
      tpu.enqueue_dma source(%dma_start3A_242 : memref<40x128xf32, #tpu.memory_space<vmem>>) target(%dma_start3A_239 : memref<40x128xf32, #tpu.memory_space<vmem_shared>>) target_semaphore(%run_scoped3A : memref<!tpu.dma_semaphore, #tpu.memory_space<semaphore_mem>>)
      %dma_wait3A_243 = arith.constant 0 : i32
      %dma_wait3A_244 = arith.constant 0 : i32
      %dma_wait3A_245 = tpu.memref_slice %arg6[%dma_wait3A_243, %dma_wait3A_244] : memref<40x128xf32, #tpu.memory_space<vmem>> -> memref<40x128xf32, #tpu.memory_space<vmem>>
      %dma_wait3A_246 = arith.constant 0 : i32
      %dma_wait3A_247 = tpu.memref_slice %arg21[%add3A_38, %dma_wait3A_246] : memref<10240x128xf32, #tpu.memory_space<vmem_shared>> -> memref<40x128xf32, #tpu.memory_space<vmem_shared>>
      %dma_wait3A_248 = arith.constant 0 : i32
      %dma_wait3A_249 = tpu.memref_slice %arg21[%add3A_38, %dma_wait3A_248] : memref<10240x128xf32, #tpu.memory_space<vmem_shared>> -> memref<40x128xf32, #tpu.memory_space<vmem_shared>>
      %dma_wait3A_250 = arith.constant 0 : i32
      %dma_wait3A_251 = arith.constant 0 : i32
      %dma_wait3A_252 = tpu.memref_slice %arg6[%dma_wait3A_250, %dma_wait3A_251] : memref<40x128xf32, #tpu.memory_space<vmem>> -> memref<40x128xf32, #tpu.memory_space<vmem>>
      tpu.wait_dma2 semaphore(%run_scoped3A : memref<!tpu.dma_semaphore, #tpu.memory_space<semaphore_mem>>) src(%dma_wait3A_252 : memref<40x128xf32, #tpu.memory_space<vmem>>) dst(%dma_wait3A_249 : memref<40x128xf32, #tpu.memory_space<vmem_shared>>)
      tpu.yield
    }) : () -> ()
    %add3A_39 = arith.constant 560 : i32
    %add3A_40 = arith.addi %mul3A_10, %add3A_39 : i32
    "tpu.region"() ({
      %run_scoped3A = tpu.sem_alloc : memref<!tpu.dma_semaphore, #tpu.memory_space<semaphore_mem>>
      %dma_start3A_233 = arith.constant 0 : i32
      %dma_start3A_234 = arith.constant 0 : i32
      %dma_start3A_235 = tpu.memref_slice %arg6[%dma_start3A_233, %dma_start3A_234] : memref<40x128xf32, #tpu.memory_space<vmem>> -> memref<40x128xf32, #tpu.memory_space<vmem>>
      %dma_start3A_236 = arith.constant 0 : i32
      %dma_start3A_237 = tpu.memref_slice %arg21[%add3A_40, %dma_start3A_236] : memref<10240x128xf32, #tpu.memory_space<vmem_shared>> -> memref<40x128xf32, #tpu.memory_space<vmem_shared>>
      %dma_start3A_238 = arith.constant 0 : i32
      %dma_start3A_239 = tpu.memref_slice %arg21[%add3A_40, %dma_start3A_238] : memref<10240x128xf32, #tpu.memory_space<vmem_shared>> -> memref<40x128xf32, #tpu.memory_space<vmem_shared>>
      %dma_start3A_240 = arith.constant 0 : i32
      %dma_start3A_241 = arith.constant 0 : i32
      %dma_start3A_242 = tpu.memref_slice %arg6[%dma_start3A_240, %dma_start3A_241] : memref<40x128xf32, #tpu.memory_space<vmem>> -> memref<40x128xf32, #tpu.memory_space<vmem>>
      tpu.enqueue_dma source(%dma_start3A_242 : memref<40x128xf32, #tpu.memory_space<vmem>>) target(%dma_start3A_239 : memref<40x128xf32, #tpu.memory_space<vmem_shared>>) target_semaphore(%run_scoped3A : memref<!tpu.dma_semaphore, #tpu.memory_space<semaphore_mem>>)
      %dma_wait3A_243 = arith.constant 0 : i32
      %dma_wait3A_244 = arith.constant 0 : i32
      %dma_wait3A_245 = tpu.memref_slice %arg6[%dma_wait3A_243, %dma_wait3A_244] : memref<40x128xf32, #tpu.memory_space<vmem>> -> memref<40x128xf32, #tpu.memory_space<vmem>>
      %dma_wait3A_246 = arith.constant 0 : i32
      %dma_wait3A_247 = tpu.memref_slice %arg21[%add3A_40, %dma_wait3A_246] : memref<10240x128xf32, #tpu.memory_space<vmem_shared>> -> memref<40x128xf32, #tpu.memory_space<vmem_shared>>
      %dma_wait3A_248 = arith.constant 0 : i32
      %dma_wait3A_249 = tpu.memref_slice %arg21[%add3A_40, %dma_wait3A_248] : memref<10240x128xf32, #tpu.memory_space<vmem_shared>> -> memref<40x128xf32, #tpu.memory_space<vmem_shared>>
      %dma_wait3A_250 = arith.constant 0 : i32
      %dma_wait3A_251 = arith.constant 0 : i32
      %dma_wait3A_252 = tpu.memref_slice %arg6[%dma_wait3A_250, %dma_wait3A_251] : memref<40x128xf32, #tpu.memory_space<vmem>> -> memref<40x128xf32, #tpu.memory_space<vmem>>
      tpu.wait_dma2 semaphore(%run_scoped3A : memref<!tpu.dma_semaphore, #tpu.memory_space<semaphore_mem>>) src(%dma_wait3A_252 : memref<40x128xf32, #tpu.memory_space<vmem>>) dst(%dma_wait3A_249 : memref<40x128xf32, #tpu.memory_space<vmem_shared>>)
      tpu.yield
    }) : () -> ()
    %add3A_41 = arith.constant 600 : i32
    %add3A_42 = arith.addi %mul3A_10, %add3A_41 : i32
    "tpu.region"() ({
      %run_scoped3A = tpu.sem_alloc : memref<!tpu.dma_semaphore, #tpu.memory_space<semaphore_mem>>
      %dma_start3A_233 = arith.constant 0 : i32
      %dma_start3A_234 = arith.constant 0 : i32
      %dma_start3A_235 = tpu.memref_slice %arg6[%dma_start3A_233, %dma_start3A_234] : memref<40x128xf32, #tpu.memory_space<vmem>> -> memref<40x128xf32, #tpu.memory_space<vmem>>
      %dma_start3A_236 = arith.constant 0 : i32
      %dma_start3A_237 = tpu.memref_slice %arg21[%add3A_42, %dma_start3A_236] : memref<10240x128xf32, #tpu.memory_space<vmem_shared>> -> memref<40x128xf32, #tpu.memory_space<vmem_shared>>
      %dma_start3A_238 = arith.constant 0 : i32
      %dma_start3A_239 = tpu.memref_slice %arg21[%add3A_42, %dma_start3A_238] : memref<10240x128xf32, #tpu.memory_space<vmem_shared>> -> memref<40x128xf32, #tpu.memory_space<vmem_shared>>
      %dma_start3A_240 = arith.constant 0 : i32
      %dma_start3A_241 = arith.constant 0 : i32
      %dma_start3A_242 = tpu.memref_slice %arg6[%dma_start3A_240, %dma_start3A_241] : memref<40x128xf32, #tpu.memory_space<vmem>> -> memref<40x128xf32, #tpu.memory_space<vmem>>
      tpu.enqueue_dma source(%dma_start3A_242 : memref<40x128xf32, #tpu.memory_space<vmem>>) target(%dma_start3A_239 : memref<40x128xf32, #tpu.memory_space<vmem_shared>>) target_semaphore(%run_scoped3A : memref<!tpu.dma_semaphore, #tpu.memory_space<semaphore_mem>>)
      %dma_wait3A_243 = arith.constant 0 : i32
      %dma_wait3A_244 = arith.constant 0 : i32
      %dma_wait3A_245 = tpu.memref_slice %arg6[%dma_wait3A_243, %dma_wait3A_244] : memref<40x128xf32, #tpu.memory_space<vmem>> -> memref<40x128xf32, #tpu.memory_space<vmem>>
      %dma_wait3A_246 = arith.constant 0 : i32
      %dma_wait3A_247 = tpu.memref_slice %arg21[%add3A_42, %dma_wait3A_246] : memref<10240x128xf32, #tpu.memory_space<vmem_shared>> -> memref<40x128xf32, #tpu.memory_space<vmem_shared>>
      %dma_wait3A_248 = arith.constant 0 : i32
      %dma_wait3A_249 = tpu.memref_slice %arg21[%add3A_42, %dma_wait3A_248] : memref<10240x128xf32, #tpu.memory_space<vmem_shared>> -> memref<40x128xf32, #tpu.memory_space<vmem_shared>>
      %dma_wait3A_250 = arith.constant 0 : i32
      %dma_wait3A_251 = arith.constant 0 : i32
      %dma_wait3A_252 = tpu.memref_slice %arg6[%dma_wait3A_250, %dma_wait3A_251] : memref<40x128xf32, #tpu.memory_space<vmem>> -> memref<40x128xf32, #tpu.memory_space<vmem>>
      tpu.wait_dma2 semaphore(%run_scoped3A : memref<!tpu.dma_semaphore, #tpu.memory_space<semaphore_mem>>) src(%dma_wait3A_252 : memref<40x128xf32, #tpu.memory_space<vmem>>) dst(%dma_wait3A_249 : memref<40x128xf32, #tpu.memory_space<vmem_shared>>)
      tpu.yield
    }) : () -> ()
    %barrier3A = arith.constant 0 : index
    tpu.barrier barrier_id(%barrier3A)
    %dma_start3A = arith.constant 0 : i32
    %dma_start3A_43 = tpu.memref_slice %arg5[%dma_start3A] : memref<10000xi32, #tpu.memory_space<vmem>> -> memref<40xi32, #tpu.memory_space<vmem>>
    %dma_start3A_44 = arith.constant 0 : i32
    %dma_start3A_45 = arith.constant 0 : i32
    %dma_start3A_46 = tpu.memref_slice %arg2[%dma_start3A_44, %dma_start3A_45] : memref<10240x128xf32, #tpu.memory_space<hbm>> -> memref<10240x128xf32, #tpu.memory_space<hbm>>
    tpu.enqueue_indirect_dma source(%dma_start3A_46 : memref<10240x128xf32, #tpu.memory_space<hbm>>) target(%arg6 : memref<40x128xf32, #tpu.memory_space<vmem>>) offsets(%dma_start3A_43 : memref<40xi32, #tpu.memory_space<vmem>>) semaphore(%arg22 : memref<!tpu.dma_semaphore, #tpu.memory_space<semaphore_mem>>)
    %add3A_47 = arith.constant 320000 : i32
    %add3A_48 = arith.addi %add3A_47, %mul3A_2 : i32
    %add3A_49 = arith.constant 0 : i32
    %add3A_50 = arith.addi %add3A_48, %add3A_49 : i32
    %dma_start3A_51 = tpu.memref_slice %arg3[%add3A_50] : memref<640000xi32, #tpu.memory_space<hbm>> -> memref<40xi32, #tpu.memory_space<hbm>>
    %dma_start3A_52 = tpu.memref_slice %arg3[%add3A_50] : memref<640000xi32, #tpu.memory_space<hbm>> -> memref<40xi32, #tpu.memory_space<hbm>>
    tpu.enqueue_dma source(%dma_start3A_52 : memref<40xi32, #tpu.memory_space<hbm>>) target(%arg13 : memref<40xi32, #tpu.memory_space<vmem>>) target_semaphore(%arg22 : memref<!tpu.dma_semaphore, #tpu.memory_space<semaphore_mem>>)
    %dma_start3A_53 = arith.constant 40 : i32
    %dma_start3A_54 = tpu.memref_slice %arg5[%dma_start3A_53] : memref<10000xi32, #tpu.memory_space<vmem>> -> memref<40xi32, #tpu.memory_space<vmem>>
    %dma_start3A_55 = arith.constant 0 : i32
    %dma_start3A_56 = arith.constant 0 : i32
    %dma_start3A_57 = tpu.memref_slice %arg2[%dma_start3A_55, %dma_start3A_56] : memref<10240x128xf32, #tpu.memory_space<hbm>> -> memref<10240x128xf32, #tpu.memory_space<hbm>>
    tpu.enqueue_indirect_dma source(%dma_start3A_57 : memref<10240x128xf32, #tpu.memory_space<hbm>>) target(%arg7 : memref<40x128xf32, #tpu.memory_space<vmem>>) offsets(%dma_start3A_54 : memref<40xi32, #tpu.memory_space<vmem>>) semaphore(%arg23 : memref<!tpu.dma_semaphore, #tpu.memory_space<semaphore_mem>>)
    %add3A_58 = arith.constant 320000 : i32
    %add3A_59 = arith.addi %add3A_58, %mul3A_2 : i32
    %add3A_60 = arith.constant 40 : i32
    %add3A_61 = arith.addi %add3A_59, %add3A_60 : i32
    %dma_start3A_62 = tpu.memref_slice %arg3[%add3A_61] : memref<640000xi32, #tpu.memory_space<hbm>> -> memref<40xi32, #tpu.memory_space<hbm>>
    %dma_start3A_63 = tpu.memref_slice %arg3[%add3A_61] : memref<640000xi32, #tpu.memory_space<hbm>> -> memref<40xi32, #tpu.memory_space<hbm>>
    tpu.enqueue_dma source(%dma_start3A_63 : memref<40xi32, #tpu.memory_space<hbm>>) target(%arg14 : memref<40xi32, #tpu.memory_space<vmem>>) target_semaphore(%arg23 : memref<!tpu.dma_semaphore, #tpu.memory_space<semaphore_mem>>)
    %dma_start3A_64 = arith.constant 80 : i32
    %dma_start3A_65 = tpu.memref_slice %arg5[%dma_start3A_64] : memref<10000xi32, #tpu.memory_space<vmem>> -> memref<40xi32, #tpu.memory_space<vmem>>
    %dma_start3A_66 = arith.constant 0 : i32
    %dma_start3A_67 = arith.constant 0 : i32
    %dma_start3A_68 = tpu.memref_slice %arg2[%dma_start3A_66, %dma_start3A_67] : memref<10240x128xf32, #tpu.memory_space<hbm>> -> memref<10240x128xf32, #tpu.memory_space<hbm>>
    tpu.enqueue_indirect_dma source(%dma_start3A_68 : memref<10240x128xf32, #tpu.memory_space<hbm>>) target(%arg8 : memref<40x128xf32, #tpu.memory_space<vmem>>) offsets(%dma_start3A_65 : memref<40xi32, #tpu.memory_space<vmem>>) semaphore(%arg24 : memref<!tpu.dma_semaphore, #tpu.memory_space<semaphore_mem>>)
    %add3A_69 = arith.constant 320000 : i32
    %add3A_70 = arith.addi %add3A_69, %mul3A_2 : i32
    %add3A_71 = arith.constant 80 : i32
    %add3A_72 = arith.addi %add3A_70, %add3A_71 : i32
    %dma_start3A_73 = tpu.memref_slice %arg3[%add3A_72] : memref<640000xi32, #tpu.memory_space<hbm>> -> memref<40xi32, #tpu.memory_space<hbm>>
    %dma_start3A_74 = tpu.memref_slice %arg3[%add3A_72] : memref<640000xi32, #tpu.memory_space<hbm>> -> memref<40xi32, #tpu.memory_space<hbm>>
    tpu.enqueue_dma source(%dma_start3A_74 : memref<40xi32, #tpu.memory_space<hbm>>) target(%arg15 : memref<40xi32, #tpu.memory_space<vmem>>) target_semaphore(%arg24 : memref<!tpu.dma_semaphore, #tpu.memory_space<semaphore_mem>>)
    %dma_start3A_75 = arith.constant 120 : i32
    %dma_start3A_76 = tpu.memref_slice %arg5[%dma_start3A_75] : memref<10000xi32, #tpu.memory_space<vmem>> -> memref<40xi32, #tpu.memory_space<vmem>>
    %dma_start3A_77 = arith.constant 0 : i32
    %dma_start3A_78 = arith.constant 0 : i32
    %dma_start3A_79 = tpu.memref_slice %arg2[%dma_start3A_77, %dma_start3A_78] : memref<10240x128xf32, #tpu.memory_space<hbm>> -> memref<10240x128xf32, #tpu.memory_space<hbm>>
    tpu.enqueue_indirect_dma source(%dma_start3A_79 : memref<10240x128xf32, #tpu.memory_space<hbm>>) target(%arg9 : memref<40x128xf32, #tpu.memory_space<vmem>>) offsets(%dma_start3A_76 : memref<40xi32, #tpu.memory_space<vmem>>) semaphore(%arg25 : memref<!tpu.dma_semaphore, #tpu.memory_space<semaphore_mem>>)
    %add3A_80 = arith.constant 320000 : i32
    %add3A_81 = arith.addi %add3A_80, %mul3A_2 : i32
    %add3A_82 = arith.constant 120 : i32
    %add3A_83 = arith.addi %add3A_81, %add3A_82 : i32
    %dma_start3A_84 = tpu.memref_slice %arg3[%add3A_83] : memref<640000xi32, #tpu.memory_space<hbm>> -> memref<40xi32, #tpu.memory_space<hbm>>
    %dma_start3A_85 = tpu.memref_slice %arg3[%add3A_83] : memref<640000xi32, #tpu.memory_space<hbm>> -> memref<40xi32, #tpu.memory_space<hbm>>
    tpu.enqueue_dma source(%dma_start3A_85 : memref<40xi32, #tpu.memory_space<hbm>>) target(%arg16 : memref<40xi32, #tpu.memory_space<vmem>>) target_semaphore(%arg25 : memref<!tpu.dma_semaphore, #tpu.memory_space<semaphore_mem>>)
    %dma_start3A_86 = arith.constant 160 : i32
    %dma_start3A_87 = tpu.memref_slice %arg5[%dma_start3A_86] : memref<10000xi32, #tpu.memory_space<vmem>> -> memref<40xi32, #tpu.memory_space<vmem>>
    %dma_start3A_88 = arith.constant 0 : i32
    %dma_start3A_89 = arith.constant 0 : i32
    %dma_start3A_90 = tpu.memref_slice %arg2[%dma_start3A_88, %dma_start3A_89] : memref<10240x128xf32, #tpu.memory_space<hbm>> -> memref<10240x128xf32, #tpu.memory_space<hbm>>
    tpu.enqueue_indirect_dma source(%dma_start3A_90 : memref<10240x128xf32, #tpu.memory_space<hbm>>) target(%arg10 : memref<40x128xf32, #tpu.memory_space<vmem>>) offsets(%dma_start3A_87 : memref<40xi32, #tpu.memory_space<vmem>>) semaphore(%arg26 : memref<!tpu.dma_semaphore, #tpu.memory_space<semaphore_mem>>)
    %add3A_91 = arith.constant 320000 : i32
    %add3A_92 = arith.addi %add3A_91, %mul3A_2 : i32
    %add3A_93 = arith.constant 160 : i32
    %add3A_94 = arith.addi %add3A_92, %add3A_93 : i32
    %dma_start3A_95 = tpu.memref_slice %arg3[%add3A_94] : memref<640000xi32, #tpu.memory_space<hbm>> -> memref<40xi32, #tpu.memory_space<hbm>>
    %dma_start3A_96 = tpu.memref_slice %arg3[%add3A_94] : memref<640000xi32, #tpu.memory_space<hbm>> -> memref<40xi32, #tpu.memory_space<hbm>>
    tpu.enqueue_dma source(%dma_start3A_96 : memref<40xi32, #tpu.memory_space<hbm>>) target(%arg17 : memref<40xi32, #tpu.memory_space<vmem>>) target_semaphore(%arg26 : memref<!tpu.dma_semaphore, #tpu.memory_space<semaphore_mem>>)
    %dma_start3A_97 = arith.constant 200 : i32
    %dma_start3A_98 = tpu.memref_slice %arg5[%dma_start3A_97] : memref<10000xi32, #tpu.memory_space<vmem>> -> memref<40xi32, #tpu.memory_space<vmem>>
    %dma_start3A_99 = arith.constant 0 : i32
    %dma_start3A_100 = arith.constant 0 : i32
    %dma_start3A_101 = tpu.memref_slice %arg2[%dma_start3A_99, %dma_start3A_100] : memref<10240x128xf32, #tpu.memory_space<hbm>> -> memref<10240x128xf32, #tpu.memory_space<hbm>>
    tpu.enqueue_indirect_dma source(%dma_start3A_101 : memref<10240x128xf32, #tpu.memory_space<hbm>>) target(%arg11 : memref<40x128xf32, #tpu.memory_space<vmem>>) offsets(%dma_start3A_98 : memref<40xi32, #tpu.memory_space<vmem>>) semaphore(%arg27 : memref<!tpu.dma_semaphore, #tpu.memory_space<semaphore_mem>>)
    %add3A_102 = arith.constant 320000 : i32
    %add3A_103 = arith.addi %add3A_102, %mul3A_2 : i32
    %add3A_104 = arith.constant 200 : i32
    %add3A_105 = arith.addi %add3A_103, %add3A_104 : i32
    %dma_start3A_106 = tpu.memref_slice %arg3[%add3A_105] : memref<640000xi32, #tpu.memory_space<hbm>> -> memref<40xi32, #tpu.memory_space<hbm>>
    %dma_start3A_107 = tpu.memref_slice %arg3[%add3A_105] : memref<640000xi32, #tpu.memory_space<hbm>> -> memref<40xi32, #tpu.memory_space<hbm>>
    tpu.enqueue_dma source(%dma_start3A_107 : memref<40xi32, #tpu.memory_space<hbm>>) target(%arg18 : memref<40xi32, #tpu.memory_space<vmem>>) target_semaphore(%arg27 : memref<!tpu.dma_semaphore, #tpu.memory_space<semaphore_mem>>)
    %scan3A_108 = arith.constant 0 : i32
    %scan3A_109 = arith.constant 0 : i32
    %scan3A_110 = arith.constant 35 : i32
    %scan3A_111 = arith.addi %scan3A_109, %scan3A_110 : i32
    %scan3A_112 = arith.constant 1 : i32
    scf.for %scan3A_233 = %scan3A_109 to %scan3A_111 step %scan3A_112  : i32 {
      %mul3A_234 = arith.constant 7 : i32
      %mul3A_235 = arith.muli %scan3A_233, %mul3A_234 : i32
      %add3A_236 = arith.constant 0 : i32
      %add3A_237 = arith.addi %mul3A_235, %add3A_236 : i32
      %mul3A_238 = arith.constant 40 : i32
      %mul3A_239 = arith.muli %add3A_237, %mul3A_238 : i32
      %dma_wait3A_240 = tpu.memref_slice %arg5[%mul3A_239] : memref<10000xi32, #tpu.memory_space<vmem>> -> memref<40xi32, #tpu.memory_space<vmem>>
      %dma_wait3A_241 = arith.constant 0 : i32
      %dma_wait3A_242 = arith.constant 0 : i32
      %dma_wait3A_243 = tpu.memref_slice %arg2[%dma_wait3A_241, %dma_wait3A_242] : memref<10240x128xf32, #tpu.memory_space<hbm>> -> memref<10240x128xf32, #tpu.memory_space<hbm>>
      tpu.wait_indirect_dma semaphore(%arg22 : memref<!tpu.dma_semaphore, #tpu.memory_space<semaphore_mem>>) src(%dma_wait3A_243 : memref<10240x128xf32, #tpu.memory_space<hbm>>) dst(%arg6 : memref<40x128xf32, #tpu.memory_space<vmem>>)
      %add3A_244 = arith.constant 320000 : i32
      %add3A_245 = arith.addi %add3A_244, %mul3A_2 : i32
      %mul3A_246 = arith.constant 40 : i32
      %mul3A_247 = arith.muli %add3A_237, %mul3A_246 : i32
      %add3A_248 = arith.addi %add3A_245, %mul3A_247 : i32
      %dma_wait3A_249 = tpu.memref_slice %arg3[%add3A_248] : memref<640000xi32, #tpu.memory_space<hbm>> -> memref<40xi32, #tpu.memory_space<hbm>>
      %dma_wait3A_250 = tpu.memref_slice %arg3[%add3A_248] : memref<640000xi32, #tpu.memory_space<hbm>> -> memref<40xi32, #tpu.memory_space<hbm>>
      tpu.wait_dma2 semaphore(%arg22 : memref<!tpu.dma_semaphore, #tpu.memory_space<semaphore_mem>>) src(%dma_wait3A_250 : memref<40xi32, #tpu.memory_space<hbm>>) dst(%arg13 : memref<40xi32, #tpu.memory_space<vmem>>)
      "tpu.region"() ({
        %run_scoped3A = tpu.sem_alloc : memref<!tpu.dma_semaphore, #tpu.memory_space<semaphore_mem>>
        %dma_start3A_400 = arith.constant 0 : i32
        %dma_start3A_401 = arith.constant 0 : i32
        %dma_start3A_402 = tpu.memref_slice %arg21[%dma_start3A_400, %dma_start3A_401] : memref<10240x128xf32, #tpu.memory_space<vmem_shared>> -> memref<10240x128xf32, #tpu.memory_space<vmem_shared>>
        tpu.enqueue_indirect_dma source(%arg6 : memref<40x128xf32, #tpu.memory_space<vmem>>) target(%dma_start3A_402 : memref<10240x128xf32, #tpu.memory_space<vmem_shared>>) offsets(%arg13 : memref<40xi32, #tpu.memory_space<vmem>>) semaphore(%run_scoped3A : memref<!tpu.dma_semaphore, #tpu.memory_space<semaphore_mem>>) {add = true}
        %dma_wait3A_403 = arith.constant 0 : i32
        %dma_wait3A_404 = arith.constant 0 : i32
        %dma_wait3A_405 = tpu.memref_slice %arg21[%dma_wait3A_403, %dma_wait3A_404] : memref<10240x128xf32, #tpu.memory_space<vmem_shared>> -> memref<10240x128xf32, #tpu.memory_space<vmem_shared>>
        tpu.wait_indirect_dma semaphore(%run_scoped3A : memref<!tpu.dma_semaphore, #tpu.memory_space<semaphore_mem>>) src(%arg6 : memref<40x128xf32, #tpu.memory_space<vmem>>) dst(%dma_wait3A_405 : memref<10240x128xf32, #tpu.memory_space<vmem_shared>>)
        tpu.yield
      }) : () -> ()
      %add3A_251 = arith.constant 7 : i32
      %add3A_252 = arith.addi %add3A_237, %add3A_251 : i32
      %sub3A = arith.constant 1 : i32
      %sub3A_253 = arith.subi %add3A_252, %sub3A : i32
      %lt3A = arith.constant 250 : i32
      %lt3A_254 = arith.cmpi slt, %sub3A_253, %lt3A : i32
      %convert_element_type3A = arith.extui %lt3A_254 : i1 to i32
      %cond3A = arith.constant 0 : i32
      %cond3A_255 = arith.cmpi ne, %convert_element_type3A, %cond3A : i32
      scf.if %cond3A_255 {
        %mul3A_400 = arith.constant 40 : i32
        %mul3A_401 = arith.muli %sub3A_253, %mul3A_400 : i32
        %dma_start3A_402 = tpu.memref_slice %arg5[%mul3A_401] : memref<10000xi32, #tpu.memory_space<vmem>> -> memref<40xi32, #tpu.memory_space<vmem>>
        %dma_start3A_403 = arith.constant 0 : i32
        %dma_start3A_404 = arith.constant 0 : i32
        %dma_start3A_405 = tpu.memref_slice %arg2[%dma_start3A_403, %dma_start3A_404] : memref<10240x128xf32, #tpu.memory_space<hbm>> -> memref<10240x128xf32, #tpu.memory_space<hbm>>
        tpu.enqueue_indirect_dma source(%dma_start3A_405 : memref<10240x128xf32, #tpu.memory_space<hbm>>) target(%arg12 : memref<40x128xf32, #tpu.memory_space<vmem>>) offsets(%dma_start3A_402 : memref<40xi32, #tpu.memory_space<vmem>>) semaphore(%arg28 : memref<!tpu.dma_semaphore, #tpu.memory_space<semaphore_mem>>)
        %add3A_406 = arith.constant 320000 : i32
        %add3A_407 = arith.addi %add3A_406, %mul3A_2 : i32
        %mul3A_408 = arith.constant 40 : i32
        %mul3A_409 = arith.muli %sub3A_253, %mul3A_408 : i32
        %add3A_410 = arith.addi %add3A_407, %mul3A_409 : i32
        %dma_start3A_411 = tpu.memref_slice %arg3[%add3A_410] : memref<640000xi32, #tpu.memory_space<hbm>> -> memref<40xi32, #tpu.memory_space<hbm>>
        %dma_start3A_412 = tpu.memref_slice %arg3[%add3A_410] : memref<640000xi32, #tpu.memory_space<hbm>> -> memref<40xi32, #tpu.memory_space<hbm>>
        tpu.enqueue_dma source(%dma_start3A_412 : memref<40xi32, #tpu.memory_space<hbm>>) target(%arg19 : memref<40xi32, #tpu.memory_space<vmem>>) target_semaphore(%arg28 : memref<!tpu.dma_semaphore, #tpu.memory_space<semaphore_mem>>)
      } else {
      }
      %add3A_256 = arith.constant 1 : i32
      %add3A_257 = arith.addi %mul3A_235, %add3A_256 : i32
      %mul3A_258 = arith.constant 40 : i32
      %mul3A_259 = arith.muli %add3A_257, %mul3A_258 : i32
      %dma_wait3A_260 = tpu.memref_slice %arg5[%mul3A_259] : memref<10000xi32, #tpu.memory_space<vmem>> -> memref<40xi32, #tpu.memory_space<vmem>>
      %dma_wait3A_261 = arith.constant 0 : i32
      %dma_wait3A_262 = arith.constant 0 : i32
      %dma_wait3A_263 = tpu.memref_slice %arg2[%dma_wait3A_261, %dma_wait3A_262] : memref<10240x128xf32, #tpu.memory_space<hbm>> -> memref<10240x128xf32, #tpu.memory_space<hbm>>
      tpu.wait_indirect_dma semaphore(%arg23 : memref<!tpu.dma_semaphore, #tpu.memory_space<semaphore_mem>>) src(%dma_wait3A_263 : memref<10240x128xf32, #tpu.memory_space<hbm>>) dst(%arg7 : memref<40x128xf32, #tpu.memory_space<vmem>>)
      %add3A_264 = arith.constant 320000 : i32
      %add3A_265 = arith.addi %add3A_264, %mul3A_2 : i32
      %mul3A_266 = arith.constant 40 : i32
      %mul3A_267 = arith.muli %add3A_257, %mul3A_266 : i32
      %add3A_268 = arith.addi %add3A_265, %mul3A_267 : i32
      %dma_wait3A_269 = tpu.memref_slice %arg3[%add3A_268] : memref<640000xi32, #tpu.memory_space<hbm>> -> memref<40xi32, #tpu.memory_space<hbm>>
      %dma_wait3A_270 = tpu.memref_slice %arg3[%add3A_268] : memref<640000xi32, #tpu.memory_space<hbm>> -> memref<40xi32, #tpu.memory_space<hbm>>
      tpu.wait_dma2 semaphore(%arg23 : memref<!tpu.dma_semaphore, #tpu.memory_space<semaphore_mem>>) src(%dma_wait3A_270 : memref<40xi32, #tpu.memory_space<hbm>>) dst(%arg14 : memref<40xi32, #tpu.memory_space<vmem>>)
      "tpu.region"() ({
        %run_scoped3A = tpu.sem_alloc : memref<!tpu.dma_semaphore, #tpu.memory_space<semaphore_mem>>
        %dma_start3A_400 = arith.constant 0 : i32
        %dma_start3A_401 = arith.constant 0 : i32
        %dma_start3A_402 = tpu.memref_slice %arg21[%dma_start3A_400, %dma_start3A_401] : memref<10240x128xf32, #tpu.memory_space<vmem_shared>> -> memref<10240x128xf32, #tpu.memory_space<vmem_shared>>
        tpu.enqueue_indirect_dma source(%arg7 : memref<40x128xf32, #tpu.memory_space<vmem>>) target(%dma_start3A_402 : memref<10240x128xf32, #tpu.memory_space<vmem_shared>>) offsets(%arg14 : memref<40xi32, #tpu.memory_space<vmem>>) semaphore(%run_scoped3A : memref<!tpu.dma_semaphore, #tpu.memory_space<semaphore_mem>>) {add = true}
        %dma_wait3A_403 = arith.constant 0 : i32
        %dma_wait3A_404 = arith.constant 0 : i32
        %dma_wait3A_405 = tpu.memref_slice %arg21[%dma_wait3A_403, %dma_wait3A_404] : memref<10240x128xf32, #tpu.memory_space<vmem_shared>> -> memref<10240x128xf32, #tpu.memory_space<vmem_shared>>
        tpu.wait_indirect_dma semaphore(%run_scoped3A : memref<!tpu.dma_semaphore, #tpu.memory_space<semaphore_mem>>) src(%arg7 : memref<40x128xf32, #tpu.memory_space<vmem>>) dst(%dma_wait3A_405 : memref<10240x128xf32, #tpu.memory_space<vmem_shared>>)
        tpu.yield
      }) : () -> ()
      %add3A_271 = arith.constant 7 : i32
      %add3A_272 = arith.addi %add3A_257, %add3A_271 : i32
      %sub3A_273 = arith.constant 1 : i32
      %sub3A_274 = arith.subi %add3A_272, %sub3A_273 : i32
      %lt3A_275 = arith.constant 250 : i32
      %lt3A_276 = arith.cmpi slt, %sub3A_274, %lt3A_275 : i32
      %convert_element_type3A_277 = arith.extui %lt3A_276 : i1 to i32
      %cond3A_278 = arith.constant 0 : i32
      %cond3A_279 = arith.cmpi ne, %convert_element_type3A_277, %cond3A_278 : i32
      scf.if %cond3A_279 {
        %mul3A_400 = arith.constant 40 : i32
        %mul3A_401 = arith.muli %sub3A_274, %mul3A_400 : i32
        %dma_start3A_402 = tpu.memref_slice %arg5[%mul3A_401] : memref<10000xi32, #tpu.memory_space<vmem>> -> memref<40xi32, #tpu.memory_space<vmem>>
        %dma_start3A_403 = arith.constant 0 : i32
        %dma_start3A_404 = arith.constant 0 : i32
        %dma_start3A_405 = tpu.memref_slice %arg2[%dma_start3A_403, %dma_start3A_404] : memref<10240x128xf32, #tpu.memory_space<hbm>> -> memref<10240x128xf32, #tpu.memory_space<hbm>>
        tpu.enqueue_indirect_dma source(%dma_start3A_405 : memref<10240x128xf32, #tpu.memory_space<hbm>>) target(%arg6 : memref<40x128xf32, #tpu.memory_space<vmem>>) offsets(%dma_start3A_402 : memref<40xi32, #tpu.memory_space<vmem>>) semaphore(%arg22 : memref<!tpu.dma_semaphore, #tpu.memory_space<semaphore_mem>>)
        %add3A_406 = arith.constant 320000 : i32
        %add3A_407 = arith.addi %add3A_406, %mul3A_2 : i32
        %mul3A_408 = arith.constant 40 : i32
        %mul3A_409 = arith.muli %sub3A_274, %mul3A_408 : i32
        %add3A_410 = arith.addi %add3A_407, %mul3A_409 : i32
        %dma_start3A_411 = tpu.memref_slice %arg3[%add3A_410] : memref<640000xi32, #tpu.memory_space<hbm>> -> memref<40xi32, #tpu.memory_space<hbm>>
        %dma_start3A_412 = tpu.memref_slice %arg3[%add3A_410] : memref<640000xi32, #tpu.memory_space<hbm>> -> memref<40xi32, #tpu.memory_space<hbm>>
        tpu.enqueue_dma source(%dma_start3A_412 : memref<40xi32, #tpu.memory_space<hbm>>) target(%arg13 : memref<40xi32, #tpu.memory_space<vmem>>) target_semaphore(%arg22 : memref<!tpu.dma_semaphore, #tpu.memory_space<semaphore_mem>>)
      } else {
      }
      %add3A_280 = arith.constant 2 : i32
      %add3A_281 = arith.addi %mul3A_235, %add3A_280 : i32
      %mul3A_282 = arith.constant 40 : i32
      %mul3A_283 = arith.muli %add3A_281, %mul3A_282 : i32
      %dma_wait3A_284 = tpu.memref_slice %arg5[%mul3A_283] : memref<10000xi32, #tpu.memory_space<vmem>> -> memref<40xi32, #tpu.memory_space<vmem>>
      %dma_wait3A_285 = arith.constant 0 : i32
      %dma_wait3A_286 = arith.constant 0 : i32
      %dma_wait3A_287 = tpu.memref_slice %arg2[%dma_wait3A_285, %dma_wait3A_286] : memref<10240x128xf32, #tpu.memory_space<hbm>> -> memref<10240x128xf32, #tpu.memory_space<hbm>>
      tpu.wait_indirect_dma semaphore(%arg24 : memref<!tpu.dma_semaphore, #tpu.memory_space<semaphore_mem>>) src(%dma_wait3A_287 : memref<10240x128xf32, #tpu.memory_space<hbm>>) dst(%arg8 : memref<40x128xf32, #tpu.memory_space<vmem>>)
      %add3A_288 = arith.constant 320000 : i32
      %add3A_289 = arith.addi %add3A_288, %mul3A_2 : i32
      %mul3A_290 = arith.constant 40 : i32
      %mul3A_291 = arith.muli %add3A_281, %mul3A_290 : i32
      %add3A_292 = arith.addi %add3A_289, %mul3A_291 : i32
      %dma_wait3A_293 = tpu.memref_slice %arg3[%add3A_292] : memref<640000xi32, #tpu.memory_space<hbm>> -> memref<40xi32, #tpu.memory_space<hbm>>
      %dma_wait3A_294 = tpu.memref_slice %arg3[%add3A_292] : memref<640000xi32, #tpu.memory_space<hbm>> -> memref<40xi32, #tpu.memory_space<hbm>>
      tpu.wait_dma2 semaphore(%arg24 : memref<!tpu.dma_semaphore, #tpu.memory_space<semaphore_mem>>) src(%dma_wait3A_294 : memref<40xi32, #tpu.memory_space<hbm>>) dst(%arg15 : memref<40xi32, #tpu.memory_space<vmem>>)
      "tpu.region"() ({
        %run_scoped3A = tpu.sem_alloc : memref<!tpu.dma_semaphore, #tpu.memory_space<semaphore_mem>>
        %dma_start3A_400 = arith.constant 0 : i32
        %dma_start3A_401 = arith.constant 0 : i32
        %dma_start3A_402 = tpu.memref_slice %arg21[%dma_start3A_400, %dma_start3A_401] : memref<10240x128xf32, #tpu.memory_space<vmem_shared>> -> memref<10240x128xf32, #tpu.memory_space<vmem_shared>>
        tpu.enqueue_indirect_dma source(%arg8 : memref<40x128xf32, #tpu.memory_space<vmem>>) target(%dma_start3A_402 : memref<10240x128xf32, #tpu.memory_space<vmem_shared>>) offsets(%arg15 : memref<40xi32, #tpu.memory_space<vmem>>) semaphore(%run_scoped3A : memref<!tpu.dma_semaphore, #tpu.memory_space<semaphore_mem>>) {add = true}
        %dma_wait3A_403 = arith.constant 0 : i32
        %dma_wait3A_404 = arith.constant 0 : i32
        %dma_wait3A_405 = tpu.memref_slice %arg21[%dma_wait3A_403, %dma_wait3A_404] : memref<10240x128xf32, #tpu.memory_space<vmem_shared>> -> memref<10240x128xf32, #tpu.memory_space<vmem_shared>>
        tpu.wait_indirect_dma semaphore(%run_scoped3A : memref<!tpu.dma_semaphore, #tpu.memory_space<semaphore_mem>>) src(%arg8 : memref<40x128xf32, #tpu.memory_space<vmem>>) dst(%dma_wait3A_405 : memref<10240x128xf32, #tpu.memory_space<vmem_shared>>)
        tpu.yield
      }) : () -> ()
      %add3A_295 = arith.constant 7 : i32
      %add3A_296 = arith.addi %add3A_281, %add3A_295 : i32
      %sub3A_297 = arith.constant 1 : i32
      %sub3A_298 = arith.subi %add3A_296, %sub3A_297 : i32
      %lt3A_299 = arith.constant 250 : i32
      %lt3A_300 = arith.cmpi slt, %sub3A_298, %lt3A_299 : i32
      %convert_element_type3A_301 = arith.extui %lt3A_300 : i1 to i32
      %cond3A_302 = arith.constant 0 : i32
      %cond3A_303 = arith.cmpi ne, %convert_element_type3A_301, %cond3A_302 : i32
      scf.if %cond3A_303 {
        %mul3A_400 = arith.constant 40 : i32
        %mul3A_401 = arith.muli %sub3A_298, %mul3A_400 : i32
        %dma_start3A_402 = tpu.memref_slice %arg5[%mul3A_401] : memref<10000xi32, #tpu.memory_space<vmem>> -> memref<40xi32, #tpu.memory_space<vmem>>
        %dma_start3A_403 = arith.constant 0 : i32
        %dma_start3A_404 = arith.constant 0 : i32
        %dma_start3A_405 = tpu.memref_slice %arg2[%dma_start3A_403, %dma_start3A_404] : memref<10240x128xf32, #tpu.memory_space<hbm>> -> memref<10240x128xf32, #tpu.memory_space<hbm>>
        tpu.enqueue_indirect_dma source(%dma_start3A_405 : memref<10240x128xf32, #tpu.memory_space<hbm>>) target(%arg7 : memref<40x128xf32, #tpu.memory_space<vmem>>) offsets(%dma_start3A_402 : memref<40xi32, #tpu.memory_space<vmem>>) semaphore(%arg23 : memref<!tpu.dma_semaphore, #tpu.memory_space<semaphore_mem>>)
        %add3A_406 = arith.constant 320000 : i32
        %add3A_407 = arith.addi %add3A_406, %mul3A_2 : i32
        %mul3A_408 = arith.constant 40 : i32
        %mul3A_409 = arith.muli %sub3A_298, %mul3A_408 : i32
        %add3A_410 = arith.addi %add3A_407, %mul3A_409 : i32
        %dma_start3A_411 = tpu.memref_slice %arg3[%add3A_410] : memref<640000xi32, #tpu.memory_space<hbm>> -> memref<40xi32, #tpu.memory_space<hbm>>
        %dma_start3A_412 = tpu.memref_slice %arg3[%add3A_410] : memref<640000xi32, #tpu.memory_space<hbm>> -> memref<40xi32, #tpu.memory_space<hbm>>
        tpu.enqueue_dma source(%dma_start3A_412 : memref<40xi32, #tpu.memory_space<hbm>>) target(%arg14 : memref<40xi32, #tpu.memory_space<vmem>>) target_semaphore(%arg23 : memref<!tpu.dma_semaphore, #tpu.memory_space<semaphore_mem>>)
      } else {
      }
      %add3A_304 = arith.constant 3 : i32
      %add3A_305 = arith.addi %mul3A_235, %add3A_304 : i32
      %mul3A_306 = arith.constant 40 : i32
      %mul3A_307 = arith.muli %add3A_305, %mul3A_306 : i32
      %dma_wait3A_308 = tpu.memref_slice %arg5[%mul3A_307] : memref<10000xi32, #tpu.memory_space<vmem>> -> memref<40xi32, #tpu.memory_space<vmem>>
      %dma_wait3A_309 = arith.constant 0 : i32
      %dma_wait3A_310 = arith.constant 0 : i32
      %dma_wait3A_311 = tpu.memref_slice %arg2[%dma_wait3A_309, %dma_wait3A_310] : memref<10240x128xf32, #tpu.memory_space<hbm>> -> memref<10240x128xf32, #tpu.memory_space<hbm>>
      tpu.wait_indirect_dma semaphore(%arg25 : memref<!tpu.dma_semaphore, #tpu.memory_space<semaphore_mem>>) src(%dma_wait3A_311 : memref<10240x128xf32, #tpu.memory_space<hbm>>) dst(%arg9 : memref<40x128xf32, #tpu.memory_space<vmem>>)
      %add3A_312 = arith.constant 320000 : i32
      %add3A_313 = arith.addi %add3A_312, %mul3A_2 : i32
      %mul3A_314 = arith.constant 40 : i32
      %mul3A_315 = arith.muli %add3A_305, %mul3A_314 : i32
      %add3A_316 = arith.addi %add3A_313, %mul3A_315 : i32
      %dma_wait3A_317 = tpu.memref_slice %arg3[%add3A_316] : memref<640000xi32, #tpu.memory_space<hbm>> -> memref<40xi32, #tpu.memory_space<hbm>>
      %dma_wait3A_318 = tpu.memref_slice %arg3[%add3A_316] : memref<640000xi32, #tpu.memory_space<hbm>> -> memref<40xi32, #tpu.memory_space<hbm>>
      tpu.wait_dma2 semaphore(%arg25 : memref<!tpu.dma_semaphore, #tpu.memory_space<semaphore_mem>>) src(%dma_wait3A_318 : memref<40xi32, #tpu.memory_space<hbm>>) dst(%arg16 : memref<40xi32, #tpu.memory_space<vmem>>)
      "tpu.region"() ({
        %run_scoped3A = tpu.sem_alloc : memref<!tpu.dma_semaphore, #tpu.memory_space<semaphore_mem>>
        %dma_start3A_400 = arith.constant 0 : i32
        %dma_start3A_401 = arith.constant 0 : i32
        %dma_start3A_402 = tpu.memref_slice %arg21[%dma_start3A_400, %dma_start3A_401] : memref<10240x128xf32, #tpu.memory_space<vmem_shared>> -> memref<10240x128xf32, #tpu.memory_space<vmem_shared>>
        tpu.enqueue_indirect_dma source(%arg9 : memref<40x128xf32, #tpu.memory_space<vmem>>) target(%dma_start3A_402 : memref<10240x128xf32, #tpu.memory_space<vmem_shared>>) offsets(%arg16 : memref<40xi32, #tpu.memory_space<vmem>>) semaphore(%run_scoped3A : memref<!tpu.dma_semaphore, #tpu.memory_space<semaphore_mem>>) {add = true}
        %dma_wait3A_403 = arith.constant 0 : i32
        %dma_wait3A_404 = arith.constant 0 : i32
        %dma_wait3A_405 = tpu.memref_slice %arg21[%dma_wait3A_403, %dma_wait3A_404] : memref<10240x128xf32, #tpu.memory_space<vmem_shared>> -> memref<10240x128xf32, #tpu.memory_space<vmem_shared>>
        tpu.wait_indirect_dma semaphore(%run_scoped3A : memref<!tpu.dma_semaphore, #tpu.memory_space<semaphore_mem>>) src(%arg9 : memref<40x128xf32, #tpu.memory_space<vmem>>) dst(%dma_wait3A_405 : memref<10240x128xf32, #tpu.memory_space<vmem_shared>>)
        tpu.yield
      }) : () -> ()
      %add3A_319 = arith.constant 7 : i32
      %add3A_320 = arith.addi %add3A_305, %add3A_319 : i32
      %sub3A_321 = arith.constant 1 : i32
      %sub3A_322 = arith.subi %add3A_320, %sub3A_321 : i32
      %lt3A_323 = arith.constant 250 : i32
      %lt3A_324 = arith.cmpi slt, %sub3A_322, %lt3A_323 : i32
      %convert_element_type3A_325 = arith.extui %lt3A_324 : i1 to i32
      %cond3A_326 = arith.constant 0 : i32
      %cond3A_327 = arith.cmpi ne, %convert_element_type3A_325, %cond3A_326 : i32
      scf.if %cond3A_327 {
        %mul3A_400 = arith.constant 40 : i32
        %mul3A_401 = arith.muli %sub3A_322, %mul3A_400 : i32
        %dma_start3A_402 = tpu.memref_slice %arg5[%mul3A_401] : memref<10000xi32, #tpu.memory_space<vmem>> -> memref<40xi32, #tpu.memory_space<vmem>>
        %dma_start3A_403 = arith.constant 0 : i32
        %dma_start3A_404 = arith.constant 0 : i32
        %dma_start3A_405 = tpu.memref_slice %arg2[%dma_start3A_403, %dma_start3A_404] : memref<10240x128xf32, #tpu.memory_space<hbm>> -> memref<10240x128xf32, #tpu.memory_space<hbm>>
        tpu.enqueue_indirect_dma source(%dma_start3A_405 : memref<10240x128xf32, #tpu.memory_space<hbm>>) target(%arg8 : memref<40x128xf32, #tpu.memory_space<vmem>>) offsets(%dma_start3A_402 : memref<40xi32, #tpu.memory_space<vmem>>) semaphore(%arg24 : memref<!tpu.dma_semaphore, #tpu.memory_space<semaphore_mem>>)
        %add3A_406 = arith.constant 320000 : i32
        %add3A_407 = arith.addi %add3A_406, %mul3A_2 : i32
        %mul3A_408 = arith.constant 40 : i32
        %mul3A_409 = arith.muli %sub3A_322, %mul3A_408 : i32
        %add3A_410 = arith.addi %add3A_407, %mul3A_409 : i32
        %dma_start3A_411 = tpu.memref_slice %arg3[%add3A_410] : memref<640000xi32, #tpu.memory_space<hbm>> -> memref<40xi32, #tpu.memory_space<hbm>>
        %dma_start3A_412 = tpu.memref_slice %arg3[%add3A_410] : memref<640000xi32, #tpu.memory_space<hbm>> -> memref<40xi32, #tpu.memory_space<hbm>>
        tpu.enqueue_dma source(%dma_start3A_412 : memref<40xi32, #tpu.memory_space<hbm>>) target(%arg15 : memref<40xi32, #tpu.memory_space<vmem>>) target_semaphore(%arg24 : memref<!tpu.dma_semaphore, #tpu.memory_space<semaphore_mem>>)
      } else {
      }
      %add3A_328 = arith.constant 4 : i32
      %add3A_329 = arith.addi %mul3A_235, %add3A_328 : i32
      %mul3A_330 = arith.constant 40 : i32
      %mul3A_331 = arith.muli %add3A_329, %mul3A_330 : i32
      %dma_wait3A_332 = tpu.memref_slice %arg5[%mul3A_331] : memref<10000xi32, #tpu.memory_space<vmem>> -> memref<40xi32, #tpu.memory_space<vmem>>
      %dma_wait3A_333 = arith.constant 0 : i32
      %dma_wait3A_334 = arith.constant 0 : i32
      %dma_wait3A_335 = tpu.memref_slice %arg2[%dma_wait3A_333, %dma_wait3A_334] : memref<10240x128xf32, #tpu.memory_space<hbm>> -> memref<10240x128xf32, #tpu.memory_space<hbm>>
      tpu.wait_indirect_dma semaphore(%arg26 : memref<!tpu.dma_semaphore, #tpu.memory_space<semaphore_mem>>) src(%dma_wait3A_335 : memref<10240x128xf32, #tpu.memory_space<hbm>>) dst(%arg10 : memref<40x128xf32, #tpu.memory_space<vmem>>)
      %add3A_336 = arith.constant 320000 : i32
      %add3A_337 = arith.addi %add3A_336, %mul3A_2 : i32
      %mul3A_338 = arith.constant 40 : i32
      %mul3A_339 = arith.muli %add3A_329, %mul3A_338 : i32
      %add3A_340 = arith.addi %add3A_337, %mul3A_339 : i32
      %dma_wait3A_341 = tpu.memref_slice %arg3[%add3A_340] : memref<640000xi32, #tpu.memory_space<hbm>> -> memref<40xi32, #tpu.memory_space<hbm>>
      %dma_wait3A_342 = tpu.memref_slice %arg3[%add3A_340] : memref<640000xi32, #tpu.memory_space<hbm>> -> memref<40xi32, #tpu.memory_space<hbm>>
      tpu.wait_dma2 semaphore(%arg26 : memref<!tpu.dma_semaphore, #tpu.memory_space<semaphore_mem>>) src(%dma_wait3A_342 : memref<40xi32, #tpu.memory_space<hbm>>) dst(%arg17 : memref<40xi32, #tpu.memory_space<vmem>>)
      "tpu.region"() ({
        %run_scoped3A = tpu.sem_alloc : memref<!tpu.dma_semaphore, #tpu.memory_space<semaphore_mem>>
        %dma_start3A_400 = arith.constant 0 : i32
        %dma_start3A_401 = arith.constant 0 : i32
        %dma_start3A_402 = tpu.memref_slice %arg21[%dma_start3A_400, %dma_start3A_401] : memref<10240x128xf32, #tpu.memory_space<vmem_shared>> -> memref<10240x128xf32, #tpu.memory_space<vmem_shared>>
        tpu.enqueue_indirect_dma source(%arg10 : memref<40x128xf32, #tpu.memory_space<vmem>>) target(%dma_start3A_402 : memref<10240x128xf32, #tpu.memory_space<vmem_shared>>) offsets(%arg17 : memref<40xi32, #tpu.memory_space<vmem>>) semaphore(%run_scoped3A : memref<!tpu.dma_semaphore, #tpu.memory_space<semaphore_mem>>) {add = true}
        %dma_wait3A_403 = arith.constant 0 : i32
        %dma_wait3A_404 = arith.constant 0 : i32
        %dma_wait3A_405 = tpu.memref_slice %arg21[%dma_wait3A_403, %dma_wait3A_404] : memref<10240x128xf32, #tpu.memory_space<vmem_shared>> -> memref<10240x128xf32, #tpu.memory_space<vmem_shared>>
        tpu.wait_indirect_dma semaphore(%run_scoped3A : memref<!tpu.dma_semaphore, #tpu.memory_space<semaphore_mem>>) src(%arg10 : memref<40x128xf32, #tpu.memory_space<vmem>>) dst(%dma_wait3A_405 : memref<10240x128xf32, #tpu.memory_space<vmem_shared>>)
        tpu.yield
      }) : () -> ()
      %add3A_343 = arith.constant 7 : i32
      %add3A_344 = arith.addi %add3A_329, %add3A_343 : i32
      %sub3A_345 = arith.constant 1 : i32
      %sub3A_346 = arith.subi %add3A_344, %sub3A_345 : i32
      %lt3A_347 = arith.constant 250 : i32
      %lt3A_348 = arith.cmpi slt, %sub3A_346, %lt3A_347 : i32
      %convert_element_type3A_349 = arith.extui %lt3A_348 : i1 to i32
      %cond3A_350 = arith.constant 0 : i32
      %cond3A_351 = arith.cmpi ne, %convert_element_type3A_349, %cond3A_350 : i32
      scf.if %cond3A_351 {
        %mul3A_400 = arith.constant 40 : i32
        %mul3A_401 = arith.muli %sub3A_346, %mul3A_400 : i32
        %dma_start3A_402 = tpu.memref_slice %arg5[%mul3A_401] : memref<10000xi32, #tpu.memory_space<vmem>> -> memref<40xi32, #tpu.memory_space<vmem>>
        %dma_start3A_403 = arith.constant 0 : i32
        %dma_start3A_404 = arith.constant 0 : i32
        %dma_start3A_405 = tpu.memref_slice %arg2[%dma_start3A_403, %dma_start3A_404] : memref<10240x128xf32, #tpu.memory_space<hbm>> -> memref<10240x128xf32, #tpu.memory_space<hbm>>
        tpu.enqueue_indirect_dma source(%dma_start3A_405 : memref<10240x128xf32, #tpu.memory_space<hbm>>) target(%arg9 : memref<40x128xf32, #tpu.memory_space<vmem>>) offsets(%dma_start3A_402 : memref<40xi32, #tpu.memory_space<vmem>>) semaphore(%arg25 : memref<!tpu.dma_semaphore, #tpu.memory_space<semaphore_mem>>)
        %add3A_406 = arith.constant 320000 : i32
        %add3A_407 = arith.addi %add3A_406, %mul3A_2 : i32
        %mul3A_408 = arith.constant 40 : i32
        %mul3A_409 = arith.muli %sub3A_346, %mul3A_408 : i32
        %add3A_410 = arith.addi %add3A_407, %mul3A_409 : i32
        %dma_start3A_411 = tpu.memref_slice %arg3[%add3A_410] : memref<640000xi32, #tpu.memory_space<hbm>> -> memref<40xi32, #tpu.memory_space<hbm>>
        %dma_start3A_412 = tpu.memref_slice %arg3[%add3A_410] : memref<640000xi32, #tpu.memory_space<hbm>> -> memref<40xi32, #tpu.memory_space<hbm>>
        tpu.enqueue_dma source(%dma_start3A_412 : memref<40xi32, #tpu.memory_space<hbm>>) target(%arg16 : memref<40xi32, #tpu.memory_space<vmem>>) target_semaphore(%arg25 : memref<!tpu.dma_semaphore, #tpu.memory_space<semaphore_mem>>)
      } else {
      }
      %add3A_352 = arith.constant 5 : i32
      %add3A_353 = arith.addi %mul3A_235, %add3A_352 : i32
      %mul3A_354 = arith.constant 40 : i32
      %mul3A_355 = arith.muli %add3A_353, %mul3A_354 : i32
      %dma_wait3A_356 = tpu.memref_slice %arg5[%mul3A_355] : memref<10000xi32, #tpu.memory_space<vmem>> -> memref<40xi32, #tpu.memory_space<vmem>>
      %dma_wait3A_357 = arith.constant 0 : i32
      %dma_wait3A_358 = arith.constant 0 : i32
      %dma_wait3A_359 = tpu.memref_slice %arg2[%dma_wait3A_357, %dma_wait3A_358] : memref<10240x128xf32, #tpu.memory_space<hbm>> -> memref<10240x128xf32, #tpu.memory_space<hbm>>
      tpu.wait_indirect_dma semaphore(%arg27 : memref<!tpu.dma_semaphore, #tpu.memory_space<semaphore_mem>>) src(%dma_wait3A_359 : memref<10240x128xf32, #tpu.memory_space<hbm>>) dst(%arg11 : memref<40x128xf32, #tpu.memory_space<vmem>>)
      %add3A_360 = arith.constant 320000 : i32
      %add3A_361 = arith.addi %add3A_360, %mul3A_2 : i32
      %mul3A_362 = arith.constant 40 : i32
      %mul3A_363 = arith.muli %add3A_353, %mul3A_362 : i32
      %add3A_364 = arith.addi %add3A_361, %mul3A_363 : i32
      %dma_wait3A_365 = tpu.memref_slice %arg3[%add3A_364] : memref<640000xi32, #tpu.memory_space<hbm>> -> memref<40xi32, #tpu.memory_space<hbm>>
      %dma_wait3A_366 = tpu.memref_slice %arg3[%add3A_364] : memref<640000xi32, #tpu.memory_space<hbm>> -> memref<40xi32, #tpu.memory_space<hbm>>
      tpu.wait_dma2 semaphore(%arg27 : memref<!tpu.dma_semaphore, #tpu.memory_space<semaphore_mem>>) src(%dma_wait3A_366 : memref<40xi32, #tpu.memory_space<hbm>>) dst(%arg18 : memref<40xi32, #tpu.memory_space<vmem>>)
      "tpu.region"() ({
        %run_scoped3A = tpu.sem_alloc : memref<!tpu.dma_semaphore, #tpu.memory_space<semaphore_mem>>
        %dma_start3A_400 = arith.constant 0 : i32
        %dma_start3A_401 = arith.constant 0 : i32
        %dma_start3A_402 = tpu.memref_slice %arg21[%dma_start3A_400, %dma_start3A_401] : memref<10240x128xf32, #tpu.memory_space<vmem_shared>> -> memref<10240x128xf32, #tpu.memory_space<vmem_shared>>
        tpu.enqueue_indirect_dma source(%arg11 : memref<40x128xf32, #tpu.memory_space<vmem>>) target(%dma_start3A_402 : memref<10240x128xf32, #tpu.memory_space<vmem_shared>>) offsets(%arg18 : memref<40xi32, #tpu.memory_space<vmem>>) semaphore(%run_scoped3A : memref<!tpu.dma_semaphore, #tpu.memory_space<semaphore_mem>>) {add = true}
        %dma_wait3A_403 = arith.constant 0 : i32
        %dma_wait3A_404 = arith.constant 0 : i32
        %dma_wait3A_405 = tpu.memref_slice %arg21[%dma_wait3A_403, %dma_wait3A_404] : memref<10240x128xf32, #tpu.memory_space<vmem_shared>> -> memref<10240x128xf32, #tpu.memory_space<vmem_shared>>
        tpu.wait_indirect_dma semaphore(%run_scoped3A : memref<!tpu.dma_semaphore, #tpu.memory_space<semaphore_mem>>) src(%arg11 : memref<40x128xf32, #tpu.memory_space<vmem>>) dst(%dma_wait3A_405 : memref<10240x128xf32, #tpu.memory_space<vmem_shared>>)
        tpu.yield
      }) : () -> ()
      %add3A_367 = arith.constant 7 : i32
      %add3A_368 = arith.addi %add3A_353, %add3A_367 : i32
      %sub3A_369 = arith.constant 1 : i32
      %sub3A_370 = arith.subi %add3A_368, %sub3A_369 : i32
      %lt3A_371 = arith.constant 250 : i32
      %lt3A_372 = arith.cmpi slt, %sub3A_370, %lt3A_371 : i32
      %convert_element_type3A_373 = arith.extui %lt3A_372 : i1 to i32
      %cond3A_374 = arith.constant 0 : i32
      %cond3A_375 = arith.cmpi ne, %convert_element_type3A_373, %cond3A_374 : i32
      scf.if %cond3A_375 {
        %mul3A_400 = arith.constant 40 : i32
        %mul3A_401 = arith.muli %sub3A_370, %mul3A_400 : i32
        %dma_start3A_402 = tpu.memref_slice %arg5[%mul3A_401] : memref<10000xi32, #tpu.memory_space<vmem>> -> memref<40xi32, #tpu.memory_space<vmem>>
        %dma_start3A_403 = arith.constant 0 : i32
        %dma_start3A_404 = arith.constant 0 : i32
        %dma_start3A_405 = tpu.memref_slice %arg2[%dma_start3A_403, %dma_start3A_404] : memref<10240x128xf32, #tpu.memory_space<hbm>> -> memref<10240x128xf32, #tpu.memory_space<hbm>>
        tpu.enqueue_indirect_dma source(%dma_start3A_405 : memref<10240x128xf32, #tpu.memory_space<hbm>>) target(%arg10 : memref<40x128xf32, #tpu.memory_space<vmem>>) offsets(%dma_start3A_402 : memref<40xi32, #tpu.memory_space<vmem>>) semaphore(%arg26 : memref<!tpu.dma_semaphore, #tpu.memory_space<semaphore_mem>>)
        %add3A_406 = arith.constant 320000 : i32
        %add3A_407 = arith.addi %add3A_406, %mul3A_2 : i32
        %mul3A_408 = arith.constant 40 : i32
        %mul3A_409 = arith.muli %sub3A_370, %mul3A_408 : i32
        %add3A_410 = arith.addi %add3A_407, %mul3A_409 : i32
        %dma_start3A_411 = tpu.memref_slice %arg3[%add3A_410] : memref<640000xi32, #tpu.memory_space<hbm>> -> memref<40xi32, #tpu.memory_space<hbm>>
        %dma_start3A_412 = tpu.memref_slice %arg3[%add3A_410] : memref<640000xi32, #tpu.memory_space<hbm>> -> memref<40xi32, #tpu.memory_space<hbm>>
        tpu.enqueue_dma source(%dma_start3A_412 : memref<40xi32, #tpu.memory_space<hbm>>) target(%arg17 : memref<40xi32, #tpu.memory_space<vmem>>) target_semaphore(%arg26 : memref<!tpu.dma_semaphore, #tpu.memory_space<semaphore_mem>>)
      } else {
      }
      %add3A_376 = arith.constant 6 : i32
      %add3A_377 = arith.addi %mul3A_235, %add3A_376 : i32
      %mul3A_378 = arith.constant 40 : i32
      %mul3A_379 = arith.muli %add3A_377, %mul3A_378 : i32
      %dma_wait3A_380 = tpu.memref_slice %arg5[%mul3A_379] : memref<10000xi32, #tpu.memory_space<vmem>> -> memref<40xi32, #tpu.memory_space<vmem>>
      %dma_wait3A_381 = arith.constant 0 : i32
      %dma_wait3A_382 = arith.constant 0 : i32
      %dma_wait3A_383 = tpu.memref_slice %arg2[%dma_wait3A_381, %dma_wait3A_382] : memref<10240x128xf32, #tpu.memory_space<hbm>> -> memref<10240x128xf32, #tpu.memory_space<hbm>>
      tpu.wait_indirect_dma semaphore(%arg28 : memref<!tpu.dma_semaphore, #tpu.memory_space<semaphore_mem>>) src(%dma_wait3A_383 : memref<10240x128xf32, #tpu.memory_space<hbm>>) dst(%arg12 : memref<40x128xf32, #tpu.memory_space<vmem>>)
      %add3A_384 = arith.constant 320000 : i32
      %add3A_385 = arith.addi %add3A_384, %mul3A_2 : i32
      %mul3A_386 = arith.constant 40 : i32
      %mul3A_387 = arith.muli %add3A_377, %mul3A_386 : i32
      %add3A_388 = arith.addi %add3A_385, %mul3A_387 : i32
      %dma_wait3A_389 = tpu.memref_slice %arg3[%add3A_388] : memref<640000xi32, #tpu.memory_space<hbm>> -> memref<40xi32, #tpu.memory_space<hbm>>
      %dma_wait3A_390 = tpu.memref_slice %arg3[%add3A_388] : memref<640000xi32, #tpu.memory_space<hbm>> -> memref<40xi32, #tpu.memory_space<hbm>>
      tpu.wait_dma2 semaphore(%arg28 : memref<!tpu.dma_semaphore, #tpu.memory_space<semaphore_mem>>) src(%dma_wait3A_390 : memref<40xi32, #tpu.memory_space<hbm>>) dst(%arg19 : memref<40xi32, #tpu.memory_space<vmem>>)
      "tpu.region"() ({
        %run_scoped3A = tpu.sem_alloc : memref<!tpu.dma_semaphore, #tpu.memory_space<semaphore_mem>>
        %dma_start3A_400 = arith.constant 0 : i32
        %dma_start3A_401 = arith.constant 0 : i32
        %dma_start3A_402 = tpu.memref_slice %arg21[%dma_start3A_400, %dma_start3A_401] : memref<10240x128xf32, #tpu.memory_space<vmem_shared>> -> memref<10240x128xf32, #tpu.memory_space<vmem_shared>>
        tpu.enqueue_indirect_dma source(%arg12 : memref<40x128xf32, #tpu.memory_space<vmem>>) target(%dma_start3A_402 : memref<10240x128xf32, #tpu.memory_space<vmem_shared>>) offsets(%arg19 : memref<40xi32, #tpu.memory_space<vmem>>) semaphore(%run_scoped3A : memref<!tpu.dma_semaphore, #tpu.memory_space<semaphore_mem>>) {add = true}
        %dma_wait3A_403 = arith.constant 0 : i32
        %dma_wait3A_404 = arith.constant 0 : i32
        %dma_wait3A_405 = tpu.memref_slice %arg21[%dma_wait3A_403, %dma_wait3A_404] : memref<10240x128xf32, #tpu.memory_space<vmem_shared>> -> memref<10240x128xf32, #tpu.memory_space<vmem_shared>>
        tpu.wait_indirect_dma semaphore(%run_scoped3A : memref<!tpu.dma_semaphore, #tpu.memory_space<semaphore_mem>>) src(%arg12 : memref<40x128xf32, #tpu.memory_space<vmem>>) dst(%dma_wait3A_405 : memref<10240x128xf32, #tpu.memory_space<vmem_shared>>)
        tpu.yield
      }) : () -> ()
      %add3A_391 = arith.constant 7 : i32
      %add3A_392 = arith.addi %add3A_377, %add3A_391 : i32
      %sub3A_393 = arith.constant 1 : i32
      %sub3A_394 = arith.subi %add3A_392, %sub3A_393 : i32
      %lt3A_395 = arith.constant 250 : i32
      %lt3A_396 = arith.cmpi slt, %sub3A_394, %lt3A_395 : i32
      %convert_element_type3A_397 = arith.extui %lt3A_396 : i1 to i32
      %cond3A_398 = arith.constant 0 : i32
      %cond3A_399 = arith.cmpi ne, %convert_element_type3A_397, %cond3A_398 : i32
      scf.if %cond3A_399 {
        %mul3A_400 = arith.constant 40 : i32
        %mul3A_401 = arith.muli %sub3A_394, %mul3A_400 : i32
        %dma_start3A_402 = tpu.memref_slice %arg5[%mul3A_401] : memref<10000xi32, #tpu.memory_space<vmem>> -> memref<40xi32, #tpu.memory_space<vmem>>
        %dma_start3A_403 = arith.constant 0 : i32
        %dma_start3A_404 = arith.constant 0 : i32
        %dma_start3A_405 = tpu.memref_slice %arg2[%dma_start3A_403, %dma_start3A_404] : memref<10240x128xf32, #tpu.memory_space<hbm>> -> memref<10240x128xf32, #tpu.memory_space<hbm>>
        tpu.enqueue_indirect_dma source(%dma_start3A_405 : memref<10240x128xf32, #tpu.memory_space<hbm>>) target(%arg11 : memref<40x128xf32, #tpu.memory_space<vmem>>) offsets(%dma_start3A_402 : memref<40xi32, #tpu.memory_space<vmem>>) semaphore(%arg27 : memref<!tpu.dma_semaphore, #tpu.memory_space<semaphore_mem>>)
        %add3A_406 = arith.constant 320000 : i32
        %add3A_407 = arith.addi %add3A_406, %mul3A_2 : i32
        %mul3A_408 = arith.constant 40 : i32
        %mul3A_409 = arith.muli %sub3A_394, %mul3A_408 : i32
        %add3A_410 = arith.addi %add3A_407, %mul3A_409 : i32
        %dma_start3A_411 = tpu.memref_slice %arg3[%add3A_410] : memref<640000xi32, #tpu.memory_space<hbm>> -> memref<40xi32, #tpu.memory_space<hbm>>
        %dma_start3A_412 = tpu.memref_slice %arg3[%add3A_410] : memref<640000xi32, #tpu.memory_space<hbm>> -> memref<40xi32, #tpu.memory_space<hbm>>
        tpu.enqueue_dma source(%dma_start3A_412 : memref<40xi32, #tpu.memory_space<hbm>>) target(%arg18 : memref<40xi32, #tpu.memory_space<vmem>>) target_semaphore(%arg27 : memref<!tpu.dma_semaphore, #tpu.memory_space<semaphore_mem>>)
      } else {
      }
    }
    %scan3A_113 = arith.constant 35 : i32
    %dma_wait3A = arith.constant 9800 : i32
    %dma_wait3A_114 = tpu.memref_slice %arg5[%dma_wait3A] : memref<10000xi32, #tpu.memory_space<vmem>> -> memref<40xi32, #tpu.memory_space<vmem>>
    %dma_wait3A_115 = arith.constant 0 : i32
    %dma_wait3A_116 = arith.constant 0 : i32
    %dma_wait3A_117 = tpu.memref_slice %arg2[%dma_wait3A_115, %dma_wait3A_116] : memref<10240x128xf32, #tpu.memory_space<hbm>> -> memref<10240x128xf32, #tpu.memory_space<hbm>>
    tpu.wait_indirect_dma semaphore(%arg22 : memref<!tpu.dma_semaphore, #tpu.memory_space<semaphore_mem>>) src(%dma_wait3A_117 : memref<10240x128xf32, #tpu.memory_space<hbm>>) dst(%arg6 : memref<40x128xf32, #tpu.memory_space<vmem>>)
    %add3A_118 = arith.constant 320000 : i32
    %add3A_119 = arith.addi %add3A_118, %mul3A_2 : i32
    %add3A_120 = arith.constant 9800 : i32
    %add3A_121 = arith.addi %add3A_119, %add3A_120 : i32
    %dma_wait3A_122 = tpu.memref_slice %arg3[%add3A_121] : memref<640000xi32, #tpu.memory_space<hbm>> -> memref<40xi32, #tpu.memory_space<hbm>>
    %dma_wait3A_123 = tpu.memref_slice %arg3[%add3A_121] : memref<640000xi32, #tpu.memory_space<hbm>> -> memref<40xi32, #tpu.memory_space<hbm>>
    tpu.wait_dma2 semaphore(%arg22 : memref<!tpu.dma_semaphore, #tpu.memory_space<semaphore_mem>>) src(%dma_wait3A_123 : memref<40xi32, #tpu.memory_space<hbm>>) dst(%arg13 : memref<40xi32, #tpu.memory_space<vmem>>)
    "tpu.region"() ({
      %run_scoped3A = tpu.sem_alloc : memref<!tpu.dma_semaphore, #tpu.memory_space<semaphore_mem>>
      %dma_start3A_233 = arith.constant 0 : i32
      %dma_start3A_234 = arith.constant 0 : i32
      %dma_start3A_235 = tpu.memref_slice %arg21[%dma_start3A_233, %dma_start3A_234] : memref<10240x128xf32, #tpu.memory_space<vmem_shared>> -> memref<10240x128xf32, #tpu.memory_space<vmem_shared>>
      tpu.enqueue_indirect_dma source(%arg6 : memref<40x128xf32, #tpu.memory_space<vmem>>) target(%dma_start3A_235 : memref<10240x128xf32, #tpu.memory_space<vmem_shared>>) offsets(%arg13 : memref<40xi32, #tpu.memory_space<vmem>>) semaphore(%run_scoped3A : memref<!tpu.dma_semaphore, #tpu.memory_space<semaphore_mem>>) {add = true}
      %dma_wait3A_236 = arith.constant 0 : i32
      %dma_wait3A_237 = arith.constant 0 : i32
      %dma_wait3A_238 = tpu.memref_slice %arg21[%dma_wait3A_236, %dma_wait3A_237] : memref<10240x128xf32, #tpu.memory_space<vmem_shared>> -> memref<10240x128xf32, #tpu.memory_space<vmem_shared>>
      tpu.wait_indirect_dma semaphore(%run_scoped3A : memref<!tpu.dma_semaphore, #tpu.memory_space<semaphore_mem>>) src(%arg6 : memref<40x128xf32, #tpu.memory_space<vmem>>) dst(%dma_wait3A_238 : memref<10240x128xf32, #tpu.memory_space<vmem_shared>>)
      tpu.yield
    }) : () -> ()
    %dma_wait3A_124 = arith.constant 9840 : i32
    %dma_wait3A_125 = tpu.memref_slice %arg5[%dma_wait3A_124] : memref<10000xi32, #tpu.memory_space<vmem>> -> memref<40xi32, #tpu.memory_space<vmem>>
    %dma_wait3A_126 = arith.constant 0 : i32
    %dma_wait3A_127 = arith.constant 0 : i32
    %dma_wait3A_128 = tpu.memref_slice %arg2[%dma_wait3A_126, %dma_wait3A_127] : memref<10240x128xf32, #tpu.memory_space<hbm>> -> memref<10240x128xf32, #tpu.memory_space<hbm>>
    tpu.wait_indirect_dma semaphore(%arg23 : memref<!tpu.dma_semaphore, #tpu.memory_space<semaphore_mem>>) src(%dma_wait3A_128 : memref<10240x128xf32, #tpu.memory_space<hbm>>) dst(%arg7 : memref<40x128xf32, #tpu.memory_space<vmem>>)
    %add3A_129 = arith.constant 320000 : i32
    %add3A_130 = arith.addi %add3A_129, %mul3A_2 : i32
    %add3A_131 = arith.constant 9840 : i32
    %add3A_132 = arith.addi %add3A_130, %add3A_131 : i32
    %dma_wait3A_133 = tpu.memref_slice %arg3[%add3A_132] : memref<640000xi32, #tpu.memory_space<hbm>> -> memref<40xi32, #tpu.memory_space<hbm>>
    %dma_wait3A_134 = tpu.memref_slice %arg3[%add3A_132] : memref<640000xi32, #tpu.memory_space<hbm>> -> memref<40xi32, #tpu.memory_space<hbm>>
    tpu.wait_dma2 semaphore(%arg23 : memref<!tpu.dma_semaphore, #tpu.memory_space<semaphore_mem>>) src(%dma_wait3A_134 : memref<40xi32, #tpu.memory_space<hbm>>) dst(%arg14 : memref<40xi32, #tpu.memory_space<vmem>>)
    "tpu.region"() ({
      %run_scoped3A = tpu.sem_alloc : memref<!tpu.dma_semaphore, #tpu.memory_space<semaphore_mem>>
      %dma_start3A_233 = arith.constant 0 : i32
      %dma_start3A_234 = arith.constant 0 : i32
      %dma_start3A_235 = tpu.memref_slice %arg21[%dma_start3A_233, %dma_start3A_234] : memref<10240x128xf32, #tpu.memory_space<vmem_shared>> -> memref<10240x128xf32, #tpu.memory_space<vmem_shared>>
      tpu.enqueue_indirect_dma source(%arg7 : memref<40x128xf32, #tpu.memory_space<vmem>>) target(%dma_start3A_235 : memref<10240x128xf32, #tpu.memory_space<vmem_shared>>) offsets(%arg14 : memref<40xi32, #tpu.memory_space<vmem>>) semaphore(%run_scoped3A : memref<!tpu.dma_semaphore, #tpu.memory_space<semaphore_mem>>) {add = true}
      %dma_wait3A_236 = arith.constant 0 : i32
      %dma_wait3A_237 = arith.constant 0 : i32
      %dma_wait3A_238 = tpu.memref_slice %arg21[%dma_wait3A_236, %dma_wait3A_237] : memref<10240x128xf32, #tpu.memory_space<vmem_shared>> -> memref<10240x128xf32, #tpu.memory_space<vmem_shared>>
      tpu.wait_indirect_dma semaphore(%run_scoped3A : memref<!tpu.dma_semaphore, #tpu.memory_space<semaphore_mem>>) src(%arg7 : memref<40x128xf32, #tpu.memory_space<vmem>>) dst(%dma_wait3A_238 : memref<10240x128xf32, #tpu.memory_space<vmem_shared>>)
      tpu.yield
    }) : () -> ()
    %dma_wait3A_135 = arith.constant 9880 : i32
    %dma_wait3A_136 = tpu.memref_slice %arg5[%dma_wait3A_135] : memref<10000xi32, #tpu.memory_space<vmem>> -> memref<40xi32, #tpu.memory_space<vmem>>
    %dma_wait3A_137 = arith.constant 0 : i32
    %dma_wait3A_138 = arith.constant 0 : i32
    %dma_wait3A_139 = tpu.memref_slice %arg2[%dma_wait3A_137, %dma_wait3A_138] : memref<10240x128xf32, #tpu.memory_space<hbm>> -> memref<10240x128xf32, #tpu.memory_space<hbm>>
    tpu.wait_indirect_dma semaphore(%arg24 : memref<!tpu.dma_semaphore, #tpu.memory_space<semaphore_mem>>) src(%dma_wait3A_139 : memref<10240x128xf32, #tpu.memory_space<hbm>>) dst(%arg8 : memref<40x128xf32, #tpu.memory_space<vmem>>)
    %add3A_140 = arith.constant 320000 : i32
    %add3A_141 = arith.addi %add3A_140, %mul3A_2 : i32
    %add3A_142 = arith.constant 9880 : i32
    %add3A_143 = arith.addi %add3A_141, %add3A_142 : i32
    %dma_wait3A_144 = tpu.memref_slice %arg3[%add3A_143] : memref<640000xi32, #tpu.memory_space<hbm>> -> memref<40xi32, #tpu.memory_space<hbm>>
    %dma_wait3A_145 = tpu.memref_slice %arg3[%add3A_143] : memref<640000xi32, #tpu.memory_space<hbm>> -> memref<40xi32, #tpu.memory_space<hbm>>
    tpu.wait_dma2 semaphore(%arg24 : memref<!tpu.dma_semaphore, #tpu.memory_space<semaphore_mem>>) src(%dma_wait3A_145 : memref<40xi32, #tpu.memory_space<hbm>>) dst(%arg15 : memref<40xi32, #tpu.memory_space<vmem>>)
    "tpu.region"() ({
      %run_scoped3A = tpu.sem_alloc : memref<!tpu.dma_semaphore, #tpu.memory_space<semaphore_mem>>
      %dma_start3A_233 = arith.constant 0 : i32
      %dma_start3A_234 = arith.constant 0 : i32
      %dma_start3A_235 = tpu.memref_slice %arg21[%dma_start3A_233, %dma_start3A_234] : memref<10240x128xf32, #tpu.memory_space<vmem_shared>> -> memref<10240x128xf32, #tpu.memory_space<vmem_shared>>
      tpu.enqueue_indirect_dma source(%arg8 : memref<40x128xf32, #tpu.memory_space<vmem>>) target(%dma_start3A_235 : memref<10240x128xf32, #tpu.memory_space<vmem_shared>>) offsets(%arg15 : memref<40xi32, #tpu.memory_space<vmem>>) semaphore(%run_scoped3A : memref<!tpu.dma_semaphore, #tpu.memory_space<semaphore_mem>>) {add = true}
      %dma_wait3A_236 = arith.constant 0 : i32
      %dma_wait3A_237 = arith.constant 0 : i32
      %dma_wait3A_238 = tpu.memref_slice %arg21[%dma_wait3A_236, %dma_wait3A_237] : memref<10240x128xf32, #tpu.memory_space<vmem_shared>> -> memref<10240x128xf32, #tpu.memory_space<vmem_shared>>
      tpu.wait_indirect_dma semaphore(%run_scoped3A : memref<!tpu.dma_semaphore, #tpu.memory_space<semaphore_mem>>) src(%arg8 : memref<40x128xf32, #tpu.memory_space<vmem>>) dst(%dma_wait3A_238 : memref<10240x128xf32, #tpu.memory_space<vmem_shared>>)
      tpu.yield
    }) : () -> ()
    %dma_wait3A_146 = arith.constant 9920 : i32
    %dma_wait3A_147 = tpu.memref_slice %arg5[%dma_wait3A_146] : memref<10000xi32, #tpu.memory_space<vmem>> -> memref<40xi32, #tpu.memory_space<vmem>>
    %dma_wait3A_148 = arith.constant 0 : i32
    %dma_wait3A_149 = arith.constant 0 : i32
    %dma_wait3A_150 = tpu.memref_slice %arg2[%dma_wait3A_148, %dma_wait3A_149] : memref<10240x128xf32, #tpu.memory_space<hbm>> -> memref<10240x128xf32, #tpu.memory_space<hbm>>
    tpu.wait_indirect_dma semaphore(%arg25 : memref<!tpu.dma_semaphore, #tpu.memory_space<semaphore_mem>>) src(%dma_wait3A_150 : memref<10240x128xf32, #tpu.memory_space<hbm>>) dst(%arg9 : memref<40x128xf32, #tpu.memory_space<vmem>>)
    %add3A_151 = arith.constant 320000 : i32
    %add3A_152 = arith.addi %add3A_151, %mul3A_2 : i32
    %add3A_153 = arith.constant 9920 : i32
    %add3A_154 = arith.addi %add3A_152, %add3A_153 : i32
    %dma_wait3A_155 = tpu.memref_slice %arg3[%add3A_154] : memref<640000xi32, #tpu.memory_space<hbm>> -> memref<40xi32, #tpu.memory_space<hbm>>
    %dma_wait3A_156 = tpu.memref_slice %arg3[%add3A_154] : memref<640000xi32, #tpu.memory_space<hbm>> -> memref<40xi32, #tpu.memory_space<hbm>>
    tpu.wait_dma2 semaphore(%arg25 : memref<!tpu.dma_semaphore, #tpu.memory_space<semaphore_mem>>) src(%dma_wait3A_156 : memref<40xi32, #tpu.memory_space<hbm>>) dst(%arg16 : memref<40xi32, #tpu.memory_space<vmem>>)
    "tpu.region"() ({
      %run_scoped3A = tpu.sem_alloc : memref<!tpu.dma_semaphore, #tpu.memory_space<semaphore_mem>>
      %dma_start3A_233 = arith.constant 0 : i32
      %dma_start3A_234 = arith.constant 0 : i32
      %dma_start3A_235 = tpu.memref_slice %arg21[%dma_start3A_233, %dma_start3A_234] : memref<10240x128xf32, #tpu.memory_space<vmem_shared>> -> memref<10240x128xf32, #tpu.memory_space<vmem_shared>>
      tpu.enqueue_indirect_dma source(%arg9 : memref<40x128xf32, #tpu.memory_space<vmem>>) target(%dma_start3A_235 : memref<10240x128xf32, #tpu.memory_space<vmem_shared>>) offsets(%arg16 : memref<40xi32, #tpu.memory_space<vmem>>) semaphore(%run_scoped3A : memref<!tpu.dma_semaphore, #tpu.memory_space<semaphore_mem>>) {add = true}
      %dma_wait3A_236 = arith.constant 0 : i32
      %dma_wait3A_237 = arith.constant 0 : i32
      %dma_wait3A_238 = tpu.memref_slice %arg21[%dma_wait3A_236, %dma_wait3A_237] : memref<10240x128xf32, #tpu.memory_space<vmem_shared>> -> memref<10240x128xf32, #tpu.memory_space<vmem_shared>>
      tpu.wait_indirect_dma semaphore(%run_scoped3A : memref<!tpu.dma_semaphore, #tpu.memory_space<semaphore_mem>>) src(%arg9 : memref<40x128xf32, #tpu.memory_space<vmem>>) dst(%dma_wait3A_238 : memref<10240x128xf32, #tpu.memory_space<vmem_shared>>)
      tpu.yield
    }) : () -> ()
    %dma_wait3A_157 = arith.constant 9960 : i32
    %dma_wait3A_158 = tpu.memref_slice %arg5[%dma_wait3A_157] : memref<10000xi32, #tpu.memory_space<vmem>> -> memref<40xi32, #tpu.memory_space<vmem>>
    %dma_wait3A_159 = arith.constant 0 : i32
    %dma_wait3A_160 = arith.constant 0 : i32
    %dma_wait3A_161 = tpu.memref_slice %arg2[%dma_wait3A_159, %dma_wait3A_160] : memref<10240x128xf32, #tpu.memory_space<hbm>> -> memref<10240x128xf32, #tpu.memory_space<hbm>>
    tpu.wait_indirect_dma semaphore(%arg26 : memref<!tpu.dma_semaphore, #tpu.memory_space<semaphore_mem>>) src(%dma_wait3A_161 : memref<10240x128xf32, #tpu.memory_space<hbm>>) dst(%arg10 : memref<40x128xf32, #tpu.memory_space<vmem>>)
    %add3A_162 = arith.constant 320000 : i32
    %add3A_163 = arith.addi %add3A_162, %mul3A_2 : i32
    %add3A_164 = arith.constant 9960 : i32
    %add3A_165 = arith.addi %add3A_163, %add3A_164 : i32
    %dma_wait3A_166 = tpu.memref_slice %arg3[%add3A_165] : memref<640000xi32, #tpu.memory_space<hbm>> -> memref<40xi32, #tpu.memory_space<hbm>>
    %dma_wait3A_167 = tpu.memref_slice %arg3[%add3A_165] : memref<640000xi32, #tpu.memory_space<hbm>> -> memref<40xi32, #tpu.memory_space<hbm>>
    tpu.wait_dma2 semaphore(%arg26 : memref<!tpu.dma_semaphore, #tpu.memory_space<semaphore_mem>>) src(%dma_wait3A_167 : memref<40xi32, #tpu.memory_space<hbm>>) dst(%arg17 : memref<40xi32, #tpu.memory_space<vmem>>)
    "tpu.region"() ({
      %run_scoped3A = tpu.sem_alloc : memref<!tpu.dma_semaphore, #tpu.memory_space<semaphore_mem>>
      %dma_start3A_233 = arith.constant 0 : i32
      %dma_start3A_234 = arith.constant 0 : i32
      %dma_start3A_235 = tpu.memref_slice %arg21[%dma_start3A_233, %dma_start3A_234] : memref<10240x128xf32, #tpu.memory_space<vmem_shared>> -> memref<10240x128xf32, #tpu.memory_space<vmem_shared>>
      tpu.enqueue_indirect_dma source(%arg10 : memref<40x128xf32, #tpu.memory_space<vmem>>) target(%dma_start3A_235 : memref<10240x128xf32, #tpu.memory_space<vmem_shared>>) offsets(%arg17 : memref<40xi32, #tpu.memory_space<vmem>>) semaphore(%run_scoped3A : memref<!tpu.dma_semaphore, #tpu.memory_space<semaphore_mem>>) {add = true}
      %dma_wait3A_236 = arith.constant 0 : i32
      %dma_wait3A_237 = arith.constant 0 : i32
      %dma_wait3A_238 = tpu.memref_slice %arg21[%dma_wait3A_236, %dma_wait3A_237] : memref<10240x128xf32, #tpu.memory_space<vmem_shared>> -> memref<10240x128xf32, #tpu.memory_space<vmem_shared>>
      tpu.wait_indirect_dma semaphore(%run_scoped3A : memref<!tpu.dma_semaphore, #tpu.memory_space<semaphore_mem>>) src(%arg10 : memref<40x128xf32, #tpu.memory_space<vmem>>) dst(%dma_wait3A_238 : memref<10240x128xf32, #tpu.memory_space<vmem_shared>>)
      tpu.yield
    }) : () -> ()
    %barrier3A_168 = arith.constant 0 : index
    tpu.barrier barrier_id(%barrier3A_168)
    %add3A_169 = arith.constant 0 : i32
    %add3A_170 = arith.addi %mul3A_10, %add3A_169 : i32
    "tpu.region"() ({
      %run_scoped3A = tpu.sem_alloc : memref<!tpu.dma_semaphore, #tpu.memory_space<semaphore_mem>>
      %dma_start3A_233 = arith.constant 0 : i32
      %dma_start3A_234 = arith.constant 0 : i32
      %dma_start3A_235 = tpu.memref_slice %arg6[%dma_start3A_233, %dma_start3A_234] : memref<40x128xf32, #tpu.memory_space<vmem>> -> memref<40x128xf32, #tpu.memory_space<vmem>>
      %dma_start3A_236 = arith.constant 0 : i32
      %dma_start3A_237 = tpu.memref_slice %arg21[%add3A_170, %dma_start3A_236] : memref<10240x128xf32, #tpu.memory_space<vmem_shared>> -> memref<40x128xf32, #tpu.memory_space<vmem_shared>>
      %dma_start3A_238 = arith.constant 0 : i32
      %dma_start3A_239 = arith.constant 0 : i32
      %dma_start3A_240 = tpu.memref_slice %arg6[%dma_start3A_238, %dma_start3A_239] : memref<40x128xf32, #tpu.memory_space<vmem>> -> memref<40x128xf32, #tpu.memory_space<vmem>>
      %dma_start3A_241 = arith.constant 0 : i32
      %dma_start3A_242 = tpu.memref_slice %arg21[%add3A_170, %dma_start3A_241] : memref<10240x128xf32, #tpu.memory_space<vmem_shared>> -> memref<40x128xf32, #tpu.memory_space<vmem_shared>>
      tpu.enqueue_dma source(%dma_start3A_242 : memref<40x128xf32, #tpu.memory_space<vmem_shared>>) target(%dma_start3A_240 : memref<40x128xf32, #tpu.memory_space<vmem>>) target_semaphore(%run_scoped3A : memref<!tpu.dma_semaphore, #tpu.memory_space<semaphore_mem>>)
      %dma_wait3A_243 = arith.constant 0 : i32
      %dma_wait3A_244 = arith.constant 0 : i32
      %dma_wait3A_245 = tpu.memref_slice %arg6[%dma_wait3A_243, %dma_wait3A_244] : memref<40x128xf32, #tpu.memory_space<vmem>> -> memref<40x128xf32, #tpu.memory_space<vmem>>
      %dma_wait3A_246 = arith.constant 0 : i32
      %dma_wait3A_247 = tpu.memref_slice %arg21[%add3A_170, %dma_wait3A_246] : memref<10240x128xf32, #tpu.memory_space<vmem_shared>> -> memref<40x128xf32, #tpu.memory_space<vmem_shared>>
      %dma_wait3A_248 = arith.constant 0 : i32
      %dma_wait3A_249 = arith.constant 0 : i32
      %dma_wait3A_250 = tpu.memref_slice %arg6[%dma_wait3A_248, %dma_wait3A_249] : memref<40x128xf32, #tpu.memory_space<vmem>> -> memref<40x128xf32, #tpu.memory_space<vmem>>
      %dma_wait3A_251 = arith.constant 0 : i32
      %dma_wait3A_252 = tpu.memref_slice %arg21[%add3A_170, %dma_wait3A_251] : memref<10240x128xf32, #tpu.memory_space<vmem_shared>> -> memref<40x128xf32, #tpu.memory_space<vmem_shared>>
      tpu.wait_dma2 semaphore(%run_scoped3A : memref<!tpu.dma_semaphore, #tpu.memory_space<semaphore_mem>>) src(%dma_wait3A_252 : memref<40x128xf32, #tpu.memory_space<vmem_shared>>) dst(%dma_wait3A_250 : memref<40x128xf32, #tpu.memory_space<vmem>>)
      tpu.yield
    }) : () -> ()
    %add3A_171 = arith.constant 0 : i32
    %add3A_172 = arith.addi %mul3A_10, %add3A_171 : i32
    "tpu.region"() ({
      %run_scoped3A = tpu.sem_alloc : memref<!tpu.dma_semaphore, #tpu.memory_space<semaphore_mem>>
      %dma_start3A_233 = arith.constant 0 : i32
      %dma_start3A_234 = arith.constant 0 : i32
      %dma_start3A_235 = tpu.memref_slice %arg6[%dma_start3A_233, %dma_start3A_234] : memref<40x128xf32, #tpu.memory_space<vmem>> -> memref<40x128xf32, #tpu.memory_space<vmem>>
      %dma_start3A_236 = arith.constant 0 : i32
      %dma_start3A_237 = tpu.memref_slice %arg4[%arg0, %add3A_172, %dma_start3A_236] : memref<2x10240x128xf32, #tpu.memory_space<hbm>> -> memref<1x40x128xf32, #tpu.memory_space<hbm>>
      %dma_start3A_238 = tpu.memref_squeeze %dma_start3A_237 : memref<1x40x128xf32, #tpu.memory_space<hbm>> -> memref<40x128xf32, #tpu.memory_space<hbm>>
      %dma_start3A_239 = arith.constant 0 : i32
      %dma_start3A_240 = tpu.memref_slice %arg4[%arg0, %add3A_172, %dma_start3A_239] : memref<2x10240x128xf32, #tpu.memory_space<hbm>> -> memref<1x40x128xf32, #tpu.memory_space<hbm>>
      %dma_start3A_241 = tpu.memref_squeeze %dma_start3A_240 : memref<1x40x128xf32, #tpu.memory_space<hbm>> -> memref<40x128xf32, #tpu.memory_space<hbm>>
      %dma_start3A_242 = arith.constant 0 : i32
      %dma_start3A_243 = arith.constant 0 : i32
      %dma_start3A_244 = tpu.memref_slice %arg6[%dma_start3A_242, %dma_start3A_243] : memref<40x128xf32, #tpu.memory_space<vmem>> -> memref<40x128xf32, #tpu.memory_space<vmem>>
      tpu.enqueue_dma source(%dma_start3A_244 : memref<40x128xf32, #tpu.memory_space<vmem>>) target(%dma_start3A_241 : memref<40x128xf32, #tpu.memory_space<hbm>>) target_semaphore(%run_scoped3A : memref<!tpu.dma_semaphore, #tpu.memory_space<semaphore_mem>>)
      %dma_wait3A_245 = arith.constant 0 : i32
      %dma_wait3A_246 = arith.constant 0 : i32
      %dma_wait3A_247 = tpu.memref_slice %arg6[%dma_wait3A_245, %dma_wait3A_246] : memref<40x128xf32, #tpu.memory_space<vmem>> -> memref<40x128xf32, #tpu.memory_space<vmem>>
      %dma_wait3A_248 = arith.constant 0 : i32
      %dma_wait3A_249 = tpu.memref_slice %arg4[%arg0, %add3A_172, %dma_wait3A_248] : memref<2x10240x128xf32, #tpu.memory_space<hbm>> -> memref<1x40x128xf32, #tpu.memory_space<hbm>>
      %dma_wait3A_250 = tpu.memref_squeeze %dma_wait3A_249 : memref<1x40x128xf32, #tpu.memory_space<hbm>> -> memref<40x128xf32, #tpu.memory_space<hbm>>
      %dma_wait3A_251 = arith.constant 0 : i32
      %dma_wait3A_252 = tpu.memref_slice %arg4[%arg0, %add3A_172, %dma_wait3A_251] : memref<2x10240x128xf32, #tpu.memory_space<hbm>> -> memref<1x40x128xf32, #tpu.memory_space<hbm>>
      %dma_wait3A_253 = tpu.memref_squeeze %dma_wait3A_252 : memref<1x40x128xf32, #tpu.memory_space<hbm>> -> memref<40x128xf32, #tpu.memory_space<hbm>>
      %dma_wait3A_254 = arith.constant 0 : i32
      %dma_wait3A_255 = arith.constant 0 : i32
      %dma_wait3A_256 = tpu.memref_slice %arg6[%dma_wait3A_254, %dma_wait3A_255] : memref<40x128xf32, #tpu.memory_space<vmem>> -> memref<40x128xf32, #tpu.memory_space<vmem>>
      tpu.wait_dma2 semaphore(%run_scoped3A : memref<!tpu.dma_semaphore, #tpu.memory_space<semaphore_mem>>) src(%dma_wait3A_256 : memref<40x128xf32, #tpu.memory_space<vmem>>) dst(%dma_wait3A_253 : memref<40x128xf32, #tpu.memory_space<hbm>>)
      tpu.yield
    }) : () -> ()
    %add3A_173 = arith.constant 40 : i32
    %add3A_174 = arith.addi %mul3A_10, %add3A_173 : i32
    "tpu.region"() ({
      %run_scoped3A = tpu.sem_alloc : memref<!tpu.dma_semaphore, #tpu.memory_space<semaphore_mem>>
      %dma_start3A_233 = arith.constant 0 : i32
      %dma_start3A_234 = arith.constant 0 : i32
      %dma_start3A_235 = tpu.memref_slice %arg6[%dma_start3A_233, %dma_start3A_234] : memref<40x128xf32, #tpu.memory_space<vmem>> -> memref<40x128xf32, #tpu.memory_space<vmem>>
      %dma_start3A_236 = arith.constant 0 : i32
      %dma_start3A_237 = tpu.memref_slice %arg21[%add3A_174, %dma_start3A_236] : memref<10240x128xf32, #tpu.memory_space<vmem_shared>> -> memref<40x128xf32, #tpu.memory_space<vmem_shared>>
      %dma_start3A_238 = arith.constant 0 : i32
      %dma_start3A_239 = arith.constant 0 : i32
      %dma_start3A_240 = tpu.memref_slice %arg6[%dma_start3A_238, %dma_start3A_239] : memref<40x128xf32, #tpu.memory_space<vmem>> -> memref<40x128xf32, #tpu.memory_space<vmem>>
      %dma_start3A_241 = arith.constant 0 : i32
      %dma_start3A_242 = tpu.memref_slice %arg21[%add3A_174, %dma_start3A_241] : memref<10240x128xf32, #tpu.memory_space<vmem_shared>> -> memref<40x128xf32, #tpu.memory_space<vmem_shared>>
      tpu.enqueue_dma source(%dma_start3A_242 : memref<40x128xf32, #tpu.memory_space<vmem_shared>>) target(%dma_start3A_240 : memref<40x128xf32, #tpu.memory_space<vmem>>) target_semaphore(%run_scoped3A : memref<!tpu.dma_semaphore, #tpu.memory_space<semaphore_mem>>)
      %dma_wait3A_243 = arith.constant 0 : i32
      %dma_wait3A_244 = arith.constant 0 : i32
      %dma_wait3A_245 = tpu.memref_slice %arg6[%dma_wait3A_243, %dma_wait3A_244] : memref<40x128xf32, #tpu.memory_space<vmem>> -> memref<40x128xf32, #tpu.memory_space<vmem>>
      %dma_wait3A_246 = arith.constant 0 : i32
      %dma_wait3A_247 = tpu.memref_slice %arg21[%add3A_174, %dma_wait3A_246] : memref<10240x128xf32, #tpu.memory_space<vmem_shared>> -> memref<40x128xf32, #tpu.memory_space<vmem_shared>>
      %dma_wait3A_248 = arith.constant 0 : i32
      %dma_wait3A_249 = arith.constant 0 : i32
      %dma_wait3A_250 = tpu.memref_slice %arg6[%dma_wait3A_248, %dma_wait3A_249] : memref<40x128xf32, #tpu.memory_space<vmem>> -> memref<40x128xf32, #tpu.memory_space<vmem>>
      %dma_wait3A_251 = arith.constant 0 : i32
      %dma_wait3A_252 = tpu.memref_slice %arg21[%add3A_174, %dma_wait3A_251] : memref<10240x128xf32, #tpu.memory_space<vmem_shared>> -> memref<40x128xf32, #tpu.memory_space<vmem_shared>>
      tpu.wait_dma2 semaphore(%run_scoped3A : memref<!tpu.dma_semaphore, #tpu.memory_space<semaphore_mem>>) src(%dma_wait3A_252 : memref<40x128xf32, #tpu.memory_space<vmem_shared>>) dst(%dma_wait3A_250 : memref<40x128xf32, #tpu.memory_space<vmem>>)
      tpu.yield
    }) : () -> ()
    %add3A_175 = arith.constant 40 : i32
    %add3A_176 = arith.addi %mul3A_10, %add3A_175 : i32
    "tpu.region"() ({
      %run_scoped3A = tpu.sem_alloc : memref<!tpu.dma_semaphore, #tpu.memory_space<semaphore_mem>>
      %dma_start3A_233 = arith.constant 0 : i32
      %dma_start3A_234 = arith.constant 0 : i32
      %dma_start3A_235 = tpu.memref_slice %arg6[%dma_start3A_233, %dma_start3A_234] : memref<40x128xf32, #tpu.memory_space<vmem>> -> memref<40x128xf32, #tpu.memory_space<vmem>>
      %dma_start3A_236 = arith.constant 0 : i32
      %dma_start3A_237 = tpu.memref_slice %arg4[%arg0, %add3A_176, %dma_start3A_236] : memref<2x10240x128xf32, #tpu.memory_space<hbm>> -> memref<1x40x128xf32, #tpu.memory_space<hbm>>
      %dma_start3A_238 = tpu.memref_squeeze %dma_start3A_237 : memref<1x40x128xf32, #tpu.memory_space<hbm>> -> memref<40x128xf32, #tpu.memory_space<hbm>>
      %dma_start3A_239 = arith.constant 0 : i32
      %dma_start3A_240 = tpu.memref_slice %arg4[%arg0, %add3A_176, %dma_start3A_239] : memref<2x10240x128xf32, #tpu.memory_space<hbm>> -> memref<1x40x128xf32, #tpu.memory_space<hbm>>
      %dma_start3A_241 = tpu.memref_squeeze %dma_start3A_240 : memref<1x40x128xf32, #tpu.memory_space<hbm>> -> memref<40x128xf32, #tpu.memory_space<hbm>>
      %dma_start3A_242 = arith.constant 0 : i32
      %dma_start3A_243 = arith.constant 0 : i32
      %dma_start3A_244 = tpu.memref_slice %arg6[%dma_start3A_242, %dma_start3A_243] : memref<40x128xf32, #tpu.memory_space<vmem>> -> memref<40x128xf32, #tpu.memory_space<vmem>>
      tpu.enqueue_dma source(%dma_start3A_244 : memref<40x128xf32, #tpu.memory_space<vmem>>) target(%dma_start3A_241 : memref<40x128xf32, #tpu.memory_space<hbm>>) target_semaphore(%run_scoped3A : memref<!tpu.dma_semaphore, #tpu.memory_space<semaphore_mem>>)
      %dma_wait3A_245 = arith.constant 0 : i32
      %dma_wait3A_246 = arith.constant 0 : i32
      %dma_wait3A_247 = tpu.memref_slice %arg6[%dma_wait3A_245, %dma_wait3A_246] : memref<40x128xf32, #tpu.memory_space<vmem>> -> memref<40x128xf32, #tpu.memory_space<vmem>>
      %dma_wait3A_248 = arith.constant 0 : i32
      %dma_wait3A_249 = tpu.memref_slice %arg4[%arg0, %add3A_176, %dma_wait3A_248] : memref<2x10240x128xf32, #tpu.memory_space<hbm>> -> memref<1x40x128xf32, #tpu.memory_space<hbm>>
      %dma_wait3A_250 = tpu.memref_squeeze %dma_wait3A_249 : memref<1x40x128xf32, #tpu.memory_space<hbm>> -> memref<40x128xf32, #tpu.memory_space<hbm>>
      %dma_wait3A_251 = arith.constant 0 : i32
      %dma_wait3A_252 = tpu.memref_slice %arg4[%arg0, %add3A_176, %dma_wait3A_251] : memref<2x10240x128xf32, #tpu.memory_space<hbm>> -> memref<1x40x128xf32, #tpu.memory_space<hbm>>
      %dma_wait3A_253 = tpu.memref_squeeze %dma_wait3A_252 : memref<1x40x128xf32, #tpu.memory_space<hbm>> -> memref<40x128xf32, #tpu.memory_space<hbm>>
      %dma_wait3A_254 = arith.constant 0 : i32
      %dma_wait3A_255 = arith.constant 0 : i32
      %dma_wait3A_256 = tpu.memref_slice %arg6[%dma_wait3A_254, %dma_wait3A_255] : memref<40x128xf32, #tpu.memory_space<vmem>> -> memref<40x128xf32, #tpu.memory_space<vmem>>
      tpu.wait_dma2 semaphore(%run_scoped3A : memref<!tpu.dma_semaphore, #tpu.memory_space<semaphore_mem>>) src(%dma_wait3A_256 : memref<40x128xf32, #tpu.memory_space<vmem>>) dst(%dma_wait3A_253 : memref<40x128xf32, #tpu.memory_space<hbm>>)
      tpu.yield
    }) : () -> ()
    %add3A_177 = arith.constant 80 : i32
    %add3A_178 = arith.addi %mul3A_10, %add3A_177 : i32
    "tpu.region"() ({
      %run_scoped3A = tpu.sem_alloc : memref<!tpu.dma_semaphore, #tpu.memory_space<semaphore_mem>>
      %dma_start3A_233 = arith.constant 0 : i32
      %dma_start3A_234 = arith.constant 0 : i32
      %dma_start3A_235 = tpu.memref_slice %arg6[%dma_start3A_233, %dma_start3A_234] : memref<40x128xf32, #tpu.memory_space<vmem>> -> memref<40x128xf32, #tpu.memory_space<vmem>>
      %dma_start3A_236 = arith.constant 0 : i32
      %dma_start3A_237 = tpu.memref_slice %arg21[%add3A_178, %dma_start3A_236] : memref<10240x128xf32, #tpu.memory_space<vmem_shared>> -> memref<40x128xf32, #tpu.memory_space<vmem_shared>>
      %dma_start3A_238 = arith.constant 0 : i32
      %dma_start3A_239 = arith.constant 0 : i32
      %dma_start3A_240 = tpu.memref_slice %arg6[%dma_start3A_238, %dma_start3A_239] : memref<40x128xf32, #tpu.memory_space<vmem>> -> memref<40x128xf32, #tpu.memory_space<vmem>>
      %dma_start3A_241 = arith.constant 0 : i32
      %dma_start3A_242 = tpu.memref_slice %arg21[%add3A_178, %dma_start3A_241] : memref<10240x128xf32, #tpu.memory_space<vmem_shared>> -> memref<40x128xf32, #tpu.memory_space<vmem_shared>>
      tpu.enqueue_dma source(%dma_start3A_242 : memref<40x128xf32, #tpu.memory_space<vmem_shared>>) target(%dma_start3A_240 : memref<40x128xf32, #tpu.memory_space<vmem>>) target_semaphore(%run_scoped3A : memref<!tpu.dma_semaphore, #tpu.memory_space<semaphore_mem>>)
      %dma_wait3A_243 = arith.constant 0 : i32
      %dma_wait3A_244 = arith.constant 0 : i32
      %dma_wait3A_245 = tpu.memref_slice %arg6[%dma_wait3A_243, %dma_wait3A_244] : memref<40x128xf32, #tpu.memory_space<vmem>> -> memref<40x128xf32, #tpu.memory_space<vmem>>
      %dma_wait3A_246 = arith.constant 0 : i32
      %dma_wait3A_247 = tpu.memref_slice %arg21[%add3A_178, %dma_wait3A_246] : memref<10240x128xf32, #tpu.memory_space<vmem_shared>> -> memref<40x128xf32, #tpu.memory_space<vmem_shared>>
      %dma_wait3A_248 = arith.constant 0 : i32
      %dma_wait3A_249 = arith.constant 0 : i32
      %dma_wait3A_250 = tpu.memref_slice %arg6[%dma_wait3A_248, %dma_wait3A_249] : memref<40x128xf32, #tpu.memory_space<vmem>> -> memref<40x128xf32, #tpu.memory_space<vmem>>
      %dma_wait3A_251 = arith.constant 0 : i32
      %dma_wait3A_252 = tpu.memref_slice %arg21[%add3A_178, %dma_wait3A_251] : memref<10240x128xf32, #tpu.memory_space<vmem_shared>> -> memref<40x128xf32, #tpu.memory_space<vmem_shared>>
      tpu.wait_dma2 semaphore(%run_scoped3A : memref<!tpu.dma_semaphore, #tpu.memory_space<semaphore_mem>>) src(%dma_wait3A_252 : memref<40x128xf32, #tpu.memory_space<vmem_shared>>) dst(%dma_wait3A_250 : memref<40x128xf32, #tpu.memory_space<vmem>>)
      tpu.yield
    }) : () -> ()
    %add3A_179 = arith.constant 80 : i32
    %add3A_180 = arith.addi %mul3A_10, %add3A_179 : i32
    "tpu.region"() ({
      %run_scoped3A = tpu.sem_alloc : memref<!tpu.dma_semaphore, #tpu.memory_space<semaphore_mem>>
      %dma_start3A_233 = arith.constant 0 : i32
      %dma_start3A_234 = arith.constant 0 : i32
      %dma_start3A_235 = tpu.memref_slice %arg6[%dma_start3A_233, %dma_start3A_234] : memref<40x128xf32, #tpu.memory_space<vmem>> -> memref<40x128xf32, #tpu.memory_space<vmem>>
      %dma_start3A_236 = arith.constant 0 : i32
      %dma_start3A_237 = tpu.memref_slice %arg4[%arg0, %add3A_180, %dma_start3A_236] : memref<2x10240x128xf32, #tpu.memory_space<hbm>> -> memref<1x40x128xf32, #tpu.memory_space<hbm>>
      %dma_start3A_238 = tpu.memref_squeeze %dma_start3A_237 : memref<1x40x128xf32, #tpu.memory_space<hbm>> -> memref<40x128xf32, #tpu.memory_space<hbm>>
      %dma_start3A_239 = arith.constant 0 : i32
      %dma_start3A_240 = tpu.memref_slice %arg4[%arg0, %add3A_180, %dma_start3A_239] : memref<2x10240x128xf32, #tpu.memory_space<hbm>> -> memref<1x40x128xf32, #tpu.memory_space<hbm>>
      %dma_start3A_241 = tpu.memref_squeeze %dma_start3A_240 : memref<1x40x128xf32, #tpu.memory_space<hbm>> -> memref<40x128xf32, #tpu.memory_space<hbm>>
      %dma_start3A_242 = arith.constant 0 : i32
      %dma_start3A_243 = arith.constant 0 : i32
      %dma_start3A_244 = tpu.memref_slice %arg6[%dma_start3A_242, %dma_start3A_243] : memref<40x128xf32, #tpu.memory_space<vmem>> -> memref<40x128xf32, #tpu.memory_space<vmem>>
      tpu.enqueue_dma source(%dma_start3A_244 : memref<40x128xf32, #tpu.memory_space<vmem>>) target(%dma_start3A_241 : memref<40x128xf32, #tpu.memory_space<hbm>>) target_semaphore(%run_scoped3A : memref<!tpu.dma_semaphore, #tpu.memory_space<semaphore_mem>>)
      %dma_wait3A_245 = arith.constant 0 : i32
      %dma_wait3A_246 = arith.constant 0 : i32
      %dma_wait3A_247 = tpu.memref_slice %arg6[%dma_wait3A_245, %dma_wait3A_246] : memref<40x128xf32, #tpu.memory_space<vmem>> -> memref<40x128xf32, #tpu.memory_space<vmem>>
      %dma_wait3A_248 = arith.constant 0 : i32
      %dma_wait3A_249 = tpu.memref_slice %arg4[%arg0, %add3A_180, %dma_wait3A_248] : memref<2x10240x128xf32, #tpu.memory_space<hbm>> -> memref<1x40x128xf32, #tpu.memory_space<hbm>>
      %dma_wait3A_250 = tpu.memref_squeeze %dma_wait3A_249 : memref<1x40x128xf32, #tpu.memory_space<hbm>> -> memref<40x128xf32, #tpu.memory_space<hbm>>
      %dma_wait3A_251 = arith.constant 0 : i32
      %dma_wait3A_252 = tpu.memref_slice %arg4[%arg0, %add3A_180, %dma_wait3A_251] : memref<2x10240x128xf32, #tpu.memory_space<hbm>> -> memref<1x40x128xf32, #tpu.memory_space<hbm>>
      %dma_wait3A_253 = tpu.memref_squeeze %dma_wait3A_252 : memref<1x40x128xf32, #tpu.memory_space<hbm>> -> memref<40x128xf32, #tpu.memory_space<hbm>>
      %dma_wait3A_254 = arith.constant 0 : i32
      %dma_wait3A_255 = arith.constant 0 : i32
      %dma_wait3A_256 = tpu.memref_slice %arg6[%dma_wait3A_254, %dma_wait3A_255] : memref<40x128xf32, #tpu.memory_space<vmem>> -> memref<40x128xf32, #tpu.memory_space<vmem>>
      tpu.wait_dma2 semaphore(%run_scoped3A : memref<!tpu.dma_semaphore, #tpu.memory_space<semaphore_mem>>) src(%dma_wait3A_256 : memref<40x128xf32, #tpu.memory_space<vmem>>) dst(%dma_wait3A_253 : memref<40x128xf32, #tpu.memory_space<hbm>>)
      tpu.yield
    }) : () -> ()
    %add3A_181 = arith.constant 120 : i32
    %add3A_182 = arith.addi %mul3A_10, %add3A_181 : i32
    "tpu.region"() ({
      %run_scoped3A = tpu.sem_alloc : memref<!tpu.dma_semaphore, #tpu.memory_space<semaphore_mem>>
      %dma_start3A_233 = arith.constant 0 : i32
      %dma_start3A_234 = arith.constant 0 : i32
      %dma_start3A_235 = tpu.memref_slice %arg6[%dma_start3A_233, %dma_start3A_234] : memref<40x128xf32, #tpu.memory_space<vmem>> -> memref<40x128xf32, #tpu.memory_space<vmem>>
      %dma_start3A_236 = arith.constant 0 : i32
      %dma_start3A_237 = tpu.memref_slice %arg21[%add3A_182, %dma_start3A_236] : memref<10240x128xf32, #tpu.memory_space<vmem_shared>> -> memref<40x128xf32, #tpu.memory_space<vmem_shared>>
      %dma_start3A_238 = arith.constant 0 : i32
      %dma_start3A_239 = arith.constant 0 : i32
      %dma_start3A_240 = tpu.memref_slice %arg6[%dma_start3A_238, %dma_start3A_239] : memref<40x128xf32, #tpu.memory_space<vmem>> -> memref<40x128xf32, #tpu.memory_space<vmem>>
      %dma_start3A_241 = arith.constant 0 : i32
      %dma_start3A_242 = tpu.memref_slice %arg21[%add3A_182, %dma_start3A_241] : memref<10240x128xf32, #tpu.memory_space<vmem_shared>> -> memref<40x128xf32, #tpu.memory_space<vmem_shared>>
      tpu.enqueue_dma source(%dma_start3A_242 : memref<40x128xf32, #tpu.memory_space<vmem_shared>>) target(%dma_start3A_240 : memref<40x128xf32, #tpu.memory_space<vmem>>) target_semaphore(%run_scoped3A : memref<!tpu.dma_semaphore, #tpu.memory_space<semaphore_mem>>)
      %dma_wait3A_243 = arith.constant 0 : i32
      %dma_wait3A_244 = arith.constant 0 : i32
      %dma_wait3A_245 = tpu.memref_slice %arg6[%dma_wait3A_243, %dma_wait3A_244] : memref<40x128xf32, #tpu.memory_space<vmem>> -> memref<40x128xf32, #tpu.memory_space<vmem>>
      %dma_wait3A_246 = arith.constant 0 : i32
      %dma_wait3A_247 = tpu.memref_slice %arg21[%add3A_182, %dma_wait3A_246] : memref<10240x128xf32, #tpu.memory_space<vmem_shared>> -> memref<40x128xf32, #tpu.memory_space<vmem_shared>>
      %dma_wait3A_248 = arith.constant 0 : i32
      %dma_wait3A_249 = arith.constant 0 : i32
      %dma_wait3A_250 = tpu.memref_slice %arg6[%dma_wait3A_248, %dma_wait3A_249] : memref<40x128xf32, #tpu.memory_space<vmem>> -> memref<40x128xf32, #tpu.memory_space<vmem>>
      %dma_wait3A_251 = arith.constant 0 : i32
      %dma_wait3A_252 = tpu.memref_slice %arg21[%add3A_182, %dma_wait3A_251] : memref<10240x128xf32, #tpu.memory_space<vmem_shared>> -> memref<40x128xf32, #tpu.memory_space<vmem_shared>>
      tpu.wait_dma2 semaphore(%run_scoped3A : memref<!tpu.dma_semaphore, #tpu.memory_space<semaphore_mem>>) src(%dma_wait3A_252 : memref<40x128xf32, #tpu.memory_space<vmem_shared>>) dst(%dma_wait3A_250 : memref<40x128xf32, #tpu.memory_space<vmem>>)
      tpu.yield
    }) : () -> ()
    %add3A_183 = arith.constant 120 : i32
    %add3A_184 = arith.addi %mul3A_10, %add3A_183 : i32
    "tpu.region"() ({
      %run_scoped3A = tpu.sem_alloc : memref<!tpu.dma_semaphore, #tpu.memory_space<semaphore_mem>>
      %dma_start3A_233 = arith.constant 0 : i32
      %dma_start3A_234 = arith.constant 0 : i32
      %dma_start3A_235 = tpu.memref_slice %arg6[%dma_start3A_233, %dma_start3A_234] : memref<40x128xf32, #tpu.memory_space<vmem>> -> memref<40x128xf32, #tpu.memory_space<vmem>>
      %dma_start3A_236 = arith.constant 0 : i32
      %dma_start3A_237 = tpu.memref_slice %arg4[%arg0, %add3A_184, %dma_start3A_236] : memref<2x10240x128xf32, #tpu.memory_space<hbm>> -> memref<1x40x128xf32, #tpu.memory_space<hbm>>
      %dma_start3A_238 = tpu.memref_squeeze %dma_start3A_237 : memref<1x40x128xf32, #tpu.memory_space<hbm>> -> memref<40x128xf32, #tpu.memory_space<hbm>>
      %dma_start3A_239 = arith.constant 0 : i32
      %dma_start3A_240 = tpu.memref_slice %arg4[%arg0, %add3A_184, %dma_start3A_239] : memref<2x10240x128xf32, #tpu.memory_space<hbm>> -> memref<1x40x128xf32, #tpu.memory_space<hbm>>
      %dma_start3A_241 = tpu.memref_squeeze %dma_start3A_240 : memref<1x40x128xf32, #tpu.memory_space<hbm>> -> memref<40x128xf32, #tpu.memory_space<hbm>>
      %dma_start3A_242 = arith.constant 0 : i32
      %dma_start3A_243 = arith.constant 0 : i32
      %dma_start3A_244 = tpu.memref_slice %arg6[%dma_start3A_242, %dma_start3A_243] : memref<40x128xf32, #tpu.memory_space<vmem>> -> memref<40x128xf32, #tpu.memory_space<vmem>>
      tpu.enqueue_dma source(%dma_start3A_244 : memref<40x128xf32, #tpu.memory_space<vmem>>) target(%dma_start3A_241 : memref<40x128xf32, #tpu.memory_space<hbm>>) target_semaphore(%run_scoped3A : memref<!tpu.dma_semaphore, #tpu.memory_space<semaphore_mem>>)
      %dma_wait3A_245 = arith.constant 0 : i32
      %dma_wait3A_246 = arith.constant 0 : i32
      %dma_wait3A_247 = tpu.memref_slice %arg6[%dma_wait3A_245, %dma_wait3A_246] : memref<40x128xf32, #tpu.memory_space<vmem>> -> memref<40x128xf32, #tpu.memory_space<vmem>>
      %dma_wait3A_248 = arith.constant 0 : i32
      %dma_wait3A_249 = tpu.memref_slice %arg4[%arg0, %add3A_184, %dma_wait3A_248] : memref<2x10240x128xf32, #tpu.memory_space<hbm>> -> memref<1x40x128xf32, #tpu.memory_space<hbm>>
      %dma_wait3A_250 = tpu.memref_squeeze %dma_wait3A_249 : memref<1x40x128xf32, #tpu.memory_space<hbm>> -> memref<40x128xf32, #tpu.memory_space<hbm>>
      %dma_wait3A_251 = arith.constant 0 : i32
      %dma_wait3A_252 = tpu.memref_slice %arg4[%arg0, %add3A_184, %dma_wait3A_251] : memref<2x10240x128xf32, #tpu.memory_space<hbm>> -> memref<1x40x128xf32, #tpu.memory_space<hbm>>
      %dma_wait3A_253 = tpu.memref_squeeze %dma_wait3A_252 : memref<1x40x128xf32, #tpu.memory_space<hbm>> -> memref<40x128xf32, #tpu.memory_space<hbm>>
      %dma_wait3A_254 = arith.constant 0 : i32
      %dma_wait3A_255 = arith.constant 0 : i32
      %dma_wait3A_256 = tpu.memref_slice %arg6[%dma_wait3A_254, %dma_wait3A_255] : memref<40x128xf32, #tpu.memory_space<vmem>> -> memref<40x128xf32, #tpu.memory_space<vmem>>
      tpu.wait_dma2 semaphore(%run_scoped3A : memref<!tpu.dma_semaphore, #tpu.memory_space<semaphore_mem>>) src(%dma_wait3A_256 : memref<40x128xf32, #tpu.memory_space<vmem>>) dst(%dma_wait3A_253 : memref<40x128xf32, #tpu.memory_space<hbm>>)
      tpu.yield
    }) : () -> ()
    %add3A_185 = arith.constant 160 : i32
    %add3A_186 = arith.addi %mul3A_10, %add3A_185 : i32
    "tpu.region"() ({
      %run_scoped3A = tpu.sem_alloc : memref<!tpu.dma_semaphore, #tpu.memory_space<semaphore_mem>>
      %dma_start3A_233 = arith.constant 0 : i32
      %dma_start3A_234 = arith.constant 0 : i32
      %dma_start3A_235 = tpu.memref_slice %arg6[%dma_start3A_233, %dma_start3A_234] : memref<40x128xf32, #tpu.memory_space<vmem>> -> memref<40x128xf32, #tpu.memory_space<vmem>>
      %dma_start3A_236 = arith.constant 0 : i32
      %dma_start3A_237 = tpu.memref_slice %arg21[%add3A_186, %dma_start3A_236] : memref<10240x128xf32, #tpu.memory_space<vmem_shared>> -> memref<40x128xf32, #tpu.memory_space<vmem_shared>>
      %dma_start3A_238 = arith.constant 0 : i32
      %dma_start3A_239 = arith.constant 0 : i32
      %dma_start3A_240 = tpu.memref_slice %arg6[%dma_start3A_238, %dma_start3A_239] : memref<40x128xf32, #tpu.memory_space<vmem>> -> memref<40x128xf32, #tpu.memory_space<vmem>>
      %dma_start3A_241 = arith.constant 0 : i32
      %dma_start3A_242 = tpu.memref_slice %arg21[%add3A_186, %dma_start3A_241] : memref<10240x128xf32, #tpu.memory_space<vmem_shared>> -> memref<40x128xf32, #tpu.memory_space<vmem_shared>>
      tpu.enqueue_dma source(%dma_start3A_242 : memref<40x128xf32, #tpu.memory_space<vmem_shared>>) target(%dma_start3A_240 : memref<40x128xf32, #tpu.memory_space<vmem>>) target_semaphore(%run_scoped3A : memref<!tpu.dma_semaphore, #tpu.memory_space<semaphore_mem>>)
      %dma_wait3A_243 = arith.constant 0 : i32
      %dma_wait3A_244 = arith.constant 0 : i32
      %dma_wait3A_245 = tpu.memref_slice %arg6[%dma_wait3A_243, %dma_wait3A_244] : memref<40x128xf32, #tpu.memory_space<vmem>> -> memref<40x128xf32, #tpu.memory_space<vmem>>
      %dma_wait3A_246 = arith.constant 0 : i32
      %dma_wait3A_247 = tpu.memref_slice %arg21[%add3A_186, %dma_wait3A_246] : memref<10240x128xf32, #tpu.memory_space<vmem_shared>> -> memref<40x128xf32, #tpu.memory_space<vmem_shared>>
      %dma_wait3A_248 = arith.constant 0 : i32
      %dma_wait3A_249 = arith.constant 0 : i32
      %dma_wait3A_250 = tpu.memref_slice %arg6[%dma_wait3A_248, %dma_wait3A_249] : memref<40x128xf32, #tpu.memory_space<vmem>> -> memref<40x128xf32, #tpu.memory_space<vmem>>
      %dma_wait3A_251 = arith.constant 0 : i32
      %dma_wait3A_252 = tpu.memref_slice %arg21[%add3A_186, %dma_wait3A_251] : memref<10240x128xf32, #tpu.memory_space<vmem_shared>> -> memref<40x128xf32, #tpu.memory_space<vmem_shared>>
      tpu.wait_dma2 semaphore(%run_scoped3A : memref<!tpu.dma_semaphore, #tpu.memory_space<semaphore_mem>>) src(%dma_wait3A_252 : memref<40x128xf32, #tpu.memory_space<vmem_shared>>) dst(%dma_wait3A_250 : memref<40x128xf32, #tpu.memory_space<vmem>>)
      tpu.yield
    }) : () -> ()
    %add3A_187 = arith.constant 160 : i32
    %add3A_188 = arith.addi %mul3A_10, %add3A_187 : i32
    "tpu.region"() ({
      %run_scoped3A = tpu.sem_alloc : memref<!tpu.dma_semaphore, #tpu.memory_space<semaphore_mem>>
      %dma_start3A_233 = arith.constant 0 : i32
      %dma_start3A_234 = arith.constant 0 : i32
      %dma_start3A_235 = tpu.memref_slice %arg6[%dma_start3A_233, %dma_start3A_234] : memref<40x128xf32, #tpu.memory_space<vmem>> -> memref<40x128xf32, #tpu.memory_space<vmem>>
      %dma_start3A_236 = arith.constant 0 : i32
      %dma_start3A_237 = tpu.memref_slice %arg4[%arg0, %add3A_188, %dma_start3A_236] : memref<2x10240x128xf32, #tpu.memory_space<hbm>> -> memref<1x40x128xf32, #tpu.memory_space<hbm>>
      %dma_start3A_238 = tpu.memref_squeeze %dma_start3A_237 : memref<1x40x128xf32, #tpu.memory_space<hbm>> -> memref<40x128xf32, #tpu.memory_space<hbm>>
      %dma_start3A_239 = arith.constant 0 : i32
      %dma_start3A_240 = tpu.memref_slice %arg4[%arg0, %add3A_188, %dma_start3A_239] : memref<2x10240x128xf32, #tpu.memory_space<hbm>> -> memref<1x40x128xf32, #tpu.memory_space<hbm>>
      %dma_start3A_241 = tpu.memref_squeeze %dma_start3A_240 : memref<1x40x128xf32, #tpu.memory_space<hbm>> -> memref<40x128xf32, #tpu.memory_space<hbm>>
      %dma_start3A_242 = arith.constant 0 : i32
      %dma_start3A_243 = arith.constant 0 : i32
      %dma_start3A_244 = tpu.memref_slice %arg6[%dma_start3A_242, %dma_start3A_243] : memref<40x128xf32, #tpu.memory_space<vmem>> -> memref<40x128xf32, #tpu.memory_space<vmem>>
      tpu.enqueue_dma source(%dma_start3A_244 : memref<40x128xf32, #tpu.memory_space<vmem>>) target(%dma_start3A_241 : memref<40x128xf32, #tpu.memory_space<hbm>>) target_semaphore(%run_scoped3A : memref<!tpu.dma_semaphore, #tpu.memory_space<semaphore_mem>>)
      %dma_wait3A_245 = arith.constant 0 : i32
      %dma_wait3A_246 = arith.constant 0 : i32
      %dma_wait3A_247 = tpu.memref_slice %arg6[%dma_wait3A_245, %dma_wait3A_246] : memref<40x128xf32, #tpu.memory_space<vmem>> -> memref<40x128xf32, #tpu.memory_space<vmem>>
      %dma_wait3A_248 = arith.constant 0 : i32
      %dma_wait3A_249 = tpu.memref_slice %arg4[%arg0, %add3A_188, %dma_wait3A_248] : memref<2x10240x128xf32, #tpu.memory_space<hbm>> -> memref<1x40x128xf32, #tpu.memory_space<hbm>>
      %dma_wait3A_250 = tpu.memref_squeeze %dma_wait3A_249 : memref<1x40x128xf32, #tpu.memory_space<hbm>> -> memref<40x128xf32, #tpu.memory_space<hbm>>
      %dma_wait3A_251 = arith.constant 0 : i32
      %dma_wait3A_252 = tpu.memref_slice %arg4[%arg0, %add3A_188, %dma_wait3A_251] : memref<2x10240x128xf32, #tpu.memory_space<hbm>> -> memref<1x40x128xf32, #tpu.memory_space<hbm>>
      %dma_wait3A_253 = tpu.memref_squeeze %dma_wait3A_252 : memref<1x40x128xf32, #tpu.memory_space<hbm>> -> memref<40x128xf32, #tpu.memory_space<hbm>>
      %dma_wait3A_254 = arith.constant 0 : i32
      %dma_wait3A_255 = arith.constant 0 : i32
      %dma_wait3A_256 = tpu.memref_slice %arg6[%dma_wait3A_254, %dma_wait3A_255] : memref<40x128xf32, #tpu.memory_space<vmem>> -> memref<40x128xf32, #tpu.memory_space<vmem>>
      tpu.wait_dma2 semaphore(%run_scoped3A : memref<!tpu.dma_semaphore, #tpu.memory_space<semaphore_mem>>) src(%dma_wait3A_256 : memref<40x128xf32, #tpu.memory_space<vmem>>) dst(%dma_wait3A_253 : memref<40x128xf32, #tpu.memory_space<hbm>>)
      tpu.yield
    }) : () -> ()
    %add3A_189 = arith.constant 200 : i32
    %add3A_190 = arith.addi %mul3A_10, %add3A_189 : i32
    "tpu.region"() ({
      %run_scoped3A = tpu.sem_alloc : memref<!tpu.dma_semaphore, #tpu.memory_space<semaphore_mem>>
      %dma_start3A_233 = arith.constant 0 : i32
      %dma_start3A_234 = arith.constant 0 : i32
      %dma_start3A_235 = tpu.memref_slice %arg6[%dma_start3A_233, %dma_start3A_234] : memref<40x128xf32, #tpu.memory_space<vmem>> -> memref<40x128xf32, #tpu.memory_space<vmem>>
      %dma_start3A_236 = arith.constant 0 : i32
      %dma_start3A_237 = tpu.memref_slice %arg21[%add3A_190, %dma_start3A_236] : memref<10240x128xf32, #tpu.memory_space<vmem_shared>> -> memref<40x128xf32, #tpu.memory_space<vmem_shared>>
      %dma_start3A_238 = arith.constant 0 : i32
      %dma_start3A_239 = arith.constant 0 : i32
      %dma_start3A_240 = tpu.memref_slice %arg6[%dma_start3A_238, %dma_start3A_239] : memref<40x128xf32, #tpu.memory_space<vmem>> -> memref<40x128xf32, #tpu.memory_space<vmem>>
      %dma_start3A_241 = arith.constant 0 : i32
      %dma_start3A_242 = tpu.memref_slice %arg21[%add3A_190, %dma_start3A_241] : memref<10240x128xf32, #tpu.memory_space<vmem_shared>> -> memref<40x128xf32, #tpu.memory_space<vmem_shared>>
      tpu.enqueue_dma source(%dma_start3A_242 : memref<40x128xf32, #tpu.memory_space<vmem_shared>>) target(%dma_start3A_240 : memref<40x128xf32, #tpu.memory_space<vmem>>) target_semaphore(%run_scoped3A : memref<!tpu.dma_semaphore, #tpu.memory_space<semaphore_mem>>)
      %dma_wait3A_243 = arith.constant 0 : i32
      %dma_wait3A_244 = arith.constant 0 : i32
      %dma_wait3A_245 = tpu.memref_slice %arg6[%dma_wait3A_243, %dma_wait3A_244] : memref<40x128xf32, #tpu.memory_space<vmem>> -> memref<40x128xf32, #tpu.memory_space<vmem>>
      %dma_wait3A_246 = arith.constant 0 : i32
      %dma_wait3A_247 = tpu.memref_slice %arg21[%add3A_190, %dma_wait3A_246] : memref<10240x128xf32, #tpu.memory_space<vmem_shared>> -> memref<40x128xf32, #tpu.memory_space<vmem_shared>>
      %dma_wait3A_248 = arith.constant 0 : i32
      %dma_wait3A_249 = arith.constant 0 : i32
      %dma_wait3A_250 = tpu.memref_slice %arg6[%dma_wait3A_248, %dma_wait3A_249] : memref<40x128xf32, #tpu.memory_space<vmem>> -> memref<40x128xf32, #tpu.memory_space<vmem>>
      %dma_wait3A_251 = arith.constant 0 : i32
      %dma_wait3A_252 = tpu.memref_slice %arg21[%add3A_190, %dma_wait3A_251] : memref<10240x128xf32, #tpu.memory_space<vmem_shared>> -> memref<40x128xf32, #tpu.memory_space<vmem_shared>>
      tpu.wait_dma2 semaphore(%run_scoped3A : memref<!tpu.dma_semaphore, #tpu.memory_space<semaphore_mem>>) src(%dma_wait3A_252 : memref<40x128xf32, #tpu.memory_space<vmem_shared>>) dst(%dma_wait3A_250 : memref<40x128xf32, #tpu.memory_space<vmem>>)
      tpu.yield
    }) : () -> ()
    %add3A_191 = arith.constant 200 : i32
    %add3A_192 = arith.addi %mul3A_10, %add3A_191 : i32
    "tpu.region"() ({
      %run_scoped3A = tpu.sem_alloc : memref<!tpu.dma_semaphore, #tpu.memory_space<semaphore_mem>>
      %dma_start3A_233 = arith.constant 0 : i32
      %dma_start3A_234 = arith.constant 0 : i32
      %dma_start3A_235 = tpu.memref_slice %arg6[%dma_start3A_233, %dma_start3A_234] : memref<40x128xf32, #tpu.memory_space<vmem>> -> memref<40x128xf32, #tpu.memory_space<vmem>>
      %dma_start3A_236 = arith.constant 0 : i32
      %dma_start3A_237 = tpu.memref_slice %arg4[%arg0, %add3A_192, %dma_start3A_236] : memref<2x10240x128xf32, #tpu.memory_space<hbm>> -> memref<1x40x128xf32, #tpu.memory_space<hbm>>
      %dma_start3A_238 = tpu.memref_squeeze %dma_start3A_237 : memref<1x40x128xf32, #tpu.memory_space<hbm>> -> memref<40x128xf32, #tpu.memory_space<hbm>>
      %dma_start3A_239 = arith.constant 0 : i32
      %dma_start3A_240 = tpu.memref_slice %arg4[%arg0, %add3A_192, %dma_start3A_239] : memref<2x10240x128xf32, #tpu.memory_space<hbm>> -> memref<1x40x128xf32, #tpu.memory_space<hbm>>
      %dma_start3A_241 = tpu.memref_squeeze %dma_start3A_240 : memref<1x40x128xf32, #tpu.memory_space<hbm>> -> memref<40x128xf32, #tpu.memory_space<hbm>>
      %dma_start3A_242 = arith.constant 0 : i32
      %dma_start3A_243 = arith.constant 0 : i32
      %dma_start3A_244 = tpu.memref_slice %arg6[%dma_start3A_242, %dma_start3A_243] : memref<40x128xf32, #tpu.memory_space<vmem>> -> memref<40x128xf32, #tpu.memory_space<vmem>>
      tpu.enqueue_dma source(%dma_start3A_244 : memref<40x128xf32, #tpu.memory_space<vmem>>) target(%dma_start3A_241 : memref<40x128xf32, #tpu.memory_space<hbm>>) target_semaphore(%run_scoped3A : memref<!tpu.dma_semaphore, #tpu.memory_space<semaphore_mem>>)
      %dma_wait3A_245 = arith.constant 0 : i32
      %dma_wait3A_246 = arith.constant 0 : i32
      %dma_wait3A_247 = tpu.memref_slice %arg6[%dma_wait3A_245, %dma_wait3A_246] : memref<40x128xf32, #tpu.memory_space<vmem>> -> memref<40x128xf32, #tpu.memory_space<vmem>>
      %dma_wait3A_248 = arith.constant 0 : i32
      %dma_wait3A_249 = tpu.memref_slice %arg4[%arg0, %add3A_192, %dma_wait3A_248] : memref<2x10240x128xf32, #tpu.memory_space<hbm>> -> memref<1x40x128xf32, #tpu.memory_space<hbm>>
      %dma_wait3A_250 = tpu.memref_squeeze %dma_wait3A_249 : memref<1x40x128xf32, #tpu.memory_space<hbm>> -> memref<40x128xf32, #tpu.memory_space<hbm>>
      %dma_wait3A_251 = arith.constant 0 : i32
      %dma_wait3A_252 = tpu.memref_slice %arg4[%arg0, %add3A_192, %dma_wait3A_251] : memref<2x10240x128xf32, #tpu.memory_space<hbm>> -> memref<1x40x128xf32, #tpu.memory_space<hbm>>
      %dma_wait3A_253 = tpu.memref_squeeze %dma_wait3A_252 : memref<1x40x128xf32, #tpu.memory_space<hbm>> -> memref<40x128xf32, #tpu.memory_space<hbm>>
      %dma_wait3A_254 = arith.constant 0 : i32
      %dma_wait3A_255 = arith.constant 0 : i32
      %dma_wait3A_256 = tpu.memref_slice %arg6[%dma_wait3A_254, %dma_wait3A_255] : memref<40x128xf32, #tpu.memory_space<vmem>> -> memref<40x128xf32, #tpu.memory_space<vmem>>
      tpu.wait_dma2 semaphore(%run_scoped3A : memref<!tpu.dma_semaphore, #tpu.memory_space<semaphore_mem>>) src(%dma_wait3A_256 : memref<40x128xf32, #tpu.memory_space<vmem>>) dst(%dma_wait3A_253 : memref<40x128xf32, #tpu.memory_space<hbm>>)
      tpu.yield
    }) : () -> ()
    %add3A_193 = arith.constant 240 : i32
    %add3A_194 = arith.addi %mul3A_10, %add3A_193 : i32
    "tpu.region"() ({
      %run_scoped3A = tpu.sem_alloc : memref<!tpu.dma_semaphore, #tpu.memory_space<semaphore_mem>>
      %dma_start3A_233 = arith.constant 0 : i32
      %dma_start3A_234 = arith.constant 0 : i32
      %dma_start3A_235 = tpu.memref_slice %arg6[%dma_start3A_233, %dma_start3A_234] : memref<40x128xf32, #tpu.memory_space<vmem>> -> memref<40x128xf32, #tpu.memory_space<vmem>>
      %dma_start3A_236 = arith.constant 0 : i32
      %dma_start3A_237 = tpu.memref_slice %arg21[%add3A_194, %dma_start3A_236] : memref<10240x128xf32, #tpu.memory_space<vmem_shared>> -> memref<40x128xf32, #tpu.memory_space<vmem_shared>>
      %dma_start3A_238 = arith.constant 0 : i32
      %dma_start3A_239 = arith.constant 0 : i32
      %dma_start3A_240 = tpu.memref_slice %arg6[%dma_start3A_238, %dma_start3A_239] : memref<40x128xf32, #tpu.memory_space<vmem>> -> memref<40x128xf32, #tpu.memory_space<vmem>>
      %dma_start3A_241 = arith.constant 0 : i32
      %dma_start3A_242 = tpu.memref_slice %arg21[%add3A_194, %dma_start3A_241] : memref<10240x128xf32, #tpu.memory_space<vmem_shared>> -> memref<40x128xf32, #tpu.memory_space<vmem_shared>>
      tpu.enqueue_dma source(%dma_start3A_242 : memref<40x128xf32, #tpu.memory_space<vmem_shared>>) target(%dma_start3A_240 : memref<40x128xf32, #tpu.memory_space<vmem>>) target_semaphore(%run_scoped3A : memref<!tpu.dma_semaphore, #tpu.memory_space<semaphore_mem>>)
      %dma_wait3A_243 = arith.constant 0 : i32
      %dma_wait3A_244 = arith.constant 0 : i32
      %dma_wait3A_245 = tpu.memref_slice %arg6[%dma_wait3A_243, %dma_wait3A_244] : memref<40x128xf32, #tpu.memory_space<vmem>> -> memref<40x128xf32, #tpu.memory_space<vmem>>
      %dma_wait3A_246 = arith.constant 0 : i32
      %dma_wait3A_247 = tpu.memref_slice %arg21[%add3A_194, %dma_wait3A_246] : memref<10240x128xf32, #tpu.memory_space<vmem_shared>> -> memref<40x128xf32, #tpu.memory_space<vmem_shared>>
      %dma_wait3A_248 = arith.constant 0 : i32
      %dma_wait3A_249 = arith.constant 0 : i32
      %dma_wait3A_250 = tpu.memref_slice %arg6[%dma_wait3A_248, %dma_wait3A_249] : memref<40x128xf32, #tpu.memory_space<vmem>> -> memref<40x128xf32, #tpu.memory_space<vmem>>
      %dma_wait3A_251 = arith.constant 0 : i32
      %dma_wait3A_252 = tpu.memref_slice %arg21[%add3A_194, %dma_wait3A_251] : memref<10240x128xf32, #tpu.memory_space<vmem_shared>> -> memref<40x128xf32, #tpu.memory_space<vmem_shared>>
      tpu.wait_dma2 semaphore(%run_scoped3A : memref<!tpu.dma_semaphore, #tpu.memory_space<semaphore_mem>>) src(%dma_wait3A_252 : memref<40x128xf32, #tpu.memory_space<vmem_shared>>) dst(%dma_wait3A_250 : memref<40x128xf32, #tpu.memory_space<vmem>>)
      tpu.yield
    }) : () -> ()
    %add3A_195 = arith.constant 240 : i32
    %add3A_196 = arith.addi %mul3A_10, %add3A_195 : i32
    "tpu.region"() ({
      %run_scoped3A = tpu.sem_alloc : memref<!tpu.dma_semaphore, #tpu.memory_space<semaphore_mem>>
      %dma_start3A_233 = arith.constant 0 : i32
      %dma_start3A_234 = arith.constant 0 : i32
      %dma_start3A_235 = tpu.memref_slice %arg6[%dma_start3A_233, %dma_start3A_234] : memref<40x128xf32, #tpu.memory_space<vmem>> -> memref<40x128xf32, #tpu.memory_space<vmem>>
      %dma_start3A_236 = arith.constant 0 : i32
      %dma_start3A_237 = tpu.memref_slice %arg4[%arg0, %add3A_196, %dma_start3A_236] : memref<2x10240x128xf32, #tpu.memory_space<hbm>> -> memref<1x40x128xf32, #tpu.memory_space<hbm>>
      %dma_start3A_238 = tpu.memref_squeeze %dma_start3A_237 : memref<1x40x128xf32, #tpu.memory_space<hbm>> -> memref<40x128xf32, #tpu.memory_space<hbm>>
      %dma_start3A_239 = arith.constant 0 : i32
      %dma_start3A_240 = tpu.memref_slice %arg4[%arg0, %add3A_196, %dma_start3A_239] : memref<2x10240x128xf32, #tpu.memory_space<hbm>> -> memref<1x40x128xf32, #tpu.memory_space<hbm>>
      %dma_start3A_241 = tpu.memref_squeeze %dma_start3A_240 : memref<1x40x128xf32, #tpu.memory_space<hbm>> -> memref<40x128xf32, #tpu.memory_space<hbm>>
      %dma_start3A_242 = arith.constant 0 : i32
      %dma_start3A_243 = arith.constant 0 : i32
      %dma_start3A_244 = tpu.memref_slice %arg6[%dma_start3A_242, %dma_start3A_243] : memref<40x128xf32, #tpu.memory_space<vmem>> -> memref<40x128xf32, #tpu.memory_space<vmem>>
      tpu.enqueue_dma source(%dma_start3A_244 : memref<40x128xf32, #tpu.memory_space<vmem>>) target(%dma_start3A_241 : memref<40x128xf32, #tpu.memory_space<hbm>>) target_semaphore(%run_scoped3A : memref<!tpu.dma_semaphore, #tpu.memory_space<semaphore_mem>>)
      %dma_wait3A_245 = arith.constant 0 : i32
      %dma_wait3A_246 = arith.constant 0 : i32
      %dma_wait3A_247 = tpu.memref_slice %arg6[%dma_wait3A_245, %dma_wait3A_246] : memref<40x128xf32, #tpu.memory_space<vmem>> -> memref<40x128xf32, #tpu.memory_space<vmem>>
      %dma_wait3A_248 = arith.constant 0 : i32
      %dma_wait3A_249 = tpu.memref_slice %arg4[%arg0, %add3A_196, %dma_wait3A_248] : memref<2x10240x128xf32, #tpu.memory_space<hbm>> -> memref<1x40x128xf32, #tpu.memory_space<hbm>>
      %dma_wait3A_250 = tpu.memref_squeeze %dma_wait3A_249 : memref<1x40x128xf32, #tpu.memory_space<hbm>> -> memref<40x128xf32, #tpu.memory_space<hbm>>
      %dma_wait3A_251 = arith.constant 0 : i32
      %dma_wait3A_252 = tpu.memref_slice %arg4[%arg0, %add3A_196, %dma_wait3A_251] : memref<2x10240x128xf32, #tpu.memory_space<hbm>> -> memref<1x40x128xf32, #tpu.memory_space<hbm>>
      %dma_wait3A_253 = tpu.memref_squeeze %dma_wait3A_252 : memref<1x40x128xf32, #tpu.memory_space<hbm>> -> memref<40x128xf32, #tpu.memory_space<hbm>>
      %dma_wait3A_254 = arith.constant 0 : i32
      %dma_wait3A_255 = arith.constant 0 : i32
      %dma_wait3A_256 = tpu.memref_slice %arg6[%dma_wait3A_254, %dma_wait3A_255] : memref<40x128xf32, #tpu.memory_space<vmem>> -> memref<40x128xf32, #tpu.memory_space<vmem>>
      tpu.wait_dma2 semaphore(%run_scoped3A : memref<!tpu.dma_semaphore, #tpu.memory_space<semaphore_mem>>) src(%dma_wait3A_256 : memref<40x128xf32, #tpu.memory_space<vmem>>) dst(%dma_wait3A_253 : memref<40x128xf32, #tpu.memory_space<hbm>>)
      tpu.yield
    }) : () -> ()
    %add3A_197 = arith.constant 280 : i32
    %add3A_198 = arith.addi %mul3A_10, %add3A_197 : i32
    "tpu.region"() ({
      %run_scoped3A = tpu.sem_alloc : memref<!tpu.dma_semaphore, #tpu.memory_space<semaphore_mem>>
      %dma_start3A_233 = arith.constant 0 : i32
      %dma_start3A_234 = arith.constant 0 : i32
      %dma_start3A_235 = tpu.memref_slice %arg6[%dma_start3A_233, %dma_start3A_234] : memref<40x128xf32, #tpu.memory_space<vmem>> -> memref<40x128xf32, #tpu.memory_space<vmem>>
      %dma_start3A_236 = arith.constant 0 : i32
      %dma_start3A_237 = tpu.memref_slice %arg21[%add3A_198, %dma_start3A_236] : memref<10240x128xf32, #tpu.memory_space<vmem_shared>> -> memref<40x128xf32, #tpu.memory_space<vmem_shared>>
      %dma_start3A_238 = arith.constant 0 : i32
      %dma_start3A_239 = arith.constant 0 : i32
      %dma_start3A_240 = tpu.memref_slice %arg6[%dma_start3A_238, %dma_start3A_239] : memref<40x128xf32, #tpu.memory_space<vmem>> -> memref<40x128xf32, #tpu.memory_space<vmem>>
      %dma_start3A_241 = arith.constant 0 : i32
      %dma_start3A_242 = tpu.memref_slice %arg21[%add3A_198, %dma_start3A_241] : memref<10240x128xf32, #tpu.memory_space<vmem_shared>> -> memref<40x128xf32, #tpu.memory_space<vmem_shared>>
      tpu.enqueue_dma source(%dma_start3A_242 : memref<40x128xf32, #tpu.memory_space<vmem_shared>>) target(%dma_start3A_240 : memref<40x128xf32, #tpu.memory_space<vmem>>) target_semaphore(%run_scoped3A : memref<!tpu.dma_semaphore, #tpu.memory_space<semaphore_mem>>)
      %dma_wait3A_243 = arith.constant 0 : i32
      %dma_wait3A_244 = arith.constant 0 : i32
      %dma_wait3A_245 = tpu.memref_slice %arg6[%dma_wait3A_243, %dma_wait3A_244] : memref<40x128xf32, #tpu.memory_space<vmem>> -> memref<40x128xf32, #tpu.memory_space<vmem>>
      %dma_wait3A_246 = arith.constant 0 : i32
      %dma_wait3A_247 = tpu.memref_slice %arg21[%add3A_198, %dma_wait3A_246] : memref<10240x128xf32, #tpu.memory_space<vmem_shared>> -> memref<40x128xf32, #tpu.memory_space<vmem_shared>>
      %dma_wait3A_248 = arith.constant 0 : i32
      %dma_wait3A_249 = arith.constant 0 : i32
      %dma_wait3A_250 = tpu.memref_slice %arg6[%dma_wait3A_248, %dma_wait3A_249] : memref<40x128xf32, #tpu.memory_space<vmem>> -> memref<40x128xf32, #tpu.memory_space<vmem>>
      %dma_wait3A_251 = arith.constant 0 : i32
      %dma_wait3A_252 = tpu.memref_slice %arg21[%add3A_198, %dma_wait3A_251] : memref<10240x128xf32, #tpu.memory_space<vmem_shared>> -> memref<40x128xf32, #tpu.memory_space<vmem_shared>>
      tpu.wait_dma2 semaphore(%run_scoped3A : memref<!tpu.dma_semaphore, #tpu.memory_space<semaphore_mem>>) src(%dma_wait3A_252 : memref<40x128xf32, #tpu.memory_space<vmem_shared>>) dst(%dma_wait3A_250 : memref<40x128xf32, #tpu.memory_space<vmem>>)
      tpu.yield
    }) : () -> ()
    %add3A_199 = arith.constant 280 : i32
    %add3A_200 = arith.addi %mul3A_10, %add3A_199 : i32
    "tpu.region"() ({
      %run_scoped3A = tpu.sem_alloc : memref<!tpu.dma_semaphore, #tpu.memory_space<semaphore_mem>>
      %dma_start3A_233 = arith.constant 0 : i32
      %dma_start3A_234 = arith.constant 0 : i32
      %dma_start3A_235 = tpu.memref_slice %arg6[%dma_start3A_233, %dma_start3A_234] : memref<40x128xf32, #tpu.memory_space<vmem>> -> memref<40x128xf32, #tpu.memory_space<vmem>>
      %dma_start3A_236 = arith.constant 0 : i32
      %dma_start3A_237 = tpu.memref_slice %arg4[%arg0, %add3A_200, %dma_start3A_236] : memref<2x10240x128xf32, #tpu.memory_space<hbm>> -> memref<1x40x128xf32, #tpu.memory_space<hbm>>
      %dma_start3A_238 = tpu.memref_squeeze %dma_start3A_237 : memref<1x40x128xf32, #tpu.memory_space<hbm>> -> memref<40x128xf32, #tpu.memory_space<hbm>>
      %dma_start3A_239 = arith.constant 0 : i32
      %dma_start3A_240 = tpu.memref_slice %arg4[%arg0, %add3A_200, %dma_start3A_239] : memref<2x10240x128xf32, #tpu.memory_space<hbm>> -> memref<1x40x128xf32, #tpu.memory_space<hbm>>
      %dma_start3A_241 = tpu.memref_squeeze %dma_start3A_240 : memref<1x40x128xf32, #tpu.memory_space<hbm>> -> memref<40x128xf32, #tpu.memory_space<hbm>>
      %dma_start3A_242 = arith.constant 0 : i32
      %dma_start3A_243 = arith.constant 0 : i32
      %dma_start3A_244 = tpu.memref_slice %arg6[%dma_start3A_242, %dma_start3A_243] : memref<40x128xf32, #tpu.memory_space<vmem>> -> memref<40x128xf32, #tpu.memory_space<vmem>>
      tpu.enqueue_dma source(%dma_start3A_244 : memref<40x128xf32, #tpu.memory_space<vmem>>) target(%dma_start3A_241 : memref<40x128xf32, #tpu.memory_space<hbm>>) target_semaphore(%run_scoped3A : memref<!tpu.dma_semaphore, #tpu.memory_space<semaphore_mem>>)
      %dma_wait3A_245 = arith.constant 0 : i32
      %dma_wait3A_246 = arith.constant 0 : i32
      %dma_wait3A_247 = tpu.memref_slice %arg6[%dma_wait3A_245, %dma_wait3A_246] : memref<40x128xf32, #tpu.memory_space<vmem>> -> memref<40x128xf32, #tpu.memory_space<vmem>>
      %dma_wait3A_248 = arith.constant 0 : i32
      %dma_wait3A_249 = tpu.memref_slice %arg4[%arg0, %add3A_200, %dma_wait3A_248] : memref<2x10240x128xf32, #tpu.memory_space<hbm>> -> memref<1x40x128xf32, #tpu.memory_space<hbm>>
      %dma_wait3A_250 = tpu.memref_squeeze %dma_wait3A_249 : memref<1x40x128xf32, #tpu.memory_space<hbm>> -> memref<40x128xf32, #tpu.memory_space<hbm>>
      %dma_wait3A_251 = arith.constant 0 : i32
      %dma_wait3A_252 = tpu.memref_slice %arg4[%arg0, %add3A_200, %dma_wait3A_251] : memref<2x10240x128xf32, #tpu.memory_space<hbm>> -> memref<1x40x128xf32, #tpu.memory_space<hbm>>
      %dma_wait3A_253 = tpu.memref_squeeze %dma_wait3A_252 : memref<1x40x128xf32, #tpu.memory_space<hbm>> -> memref<40x128xf32, #tpu.memory_space<hbm>>
      %dma_wait3A_254 = arith.constant 0 : i32
      %dma_wait3A_255 = arith.constant 0 : i32
      %dma_wait3A_256 = tpu.memref_slice %arg6[%dma_wait3A_254, %dma_wait3A_255] : memref<40x128xf32, #tpu.memory_space<vmem>> -> memref<40x128xf32, #tpu.memory_space<vmem>>
      tpu.wait_dma2 semaphore(%run_scoped3A : memref<!tpu.dma_semaphore, #tpu.memory_space<semaphore_mem>>) src(%dma_wait3A_256 : memref<40x128xf32, #tpu.memory_space<vmem>>) dst(%dma_wait3A_253 : memref<40x128xf32, #tpu.memory_space<hbm>>)
      tpu.yield
    }) : () -> ()
    %add3A_201 = arith.constant 320 : i32
    %add3A_202 = arith.addi %mul3A_10, %add3A_201 : i32
    "tpu.region"() ({
      %run_scoped3A = tpu.sem_alloc : memref<!tpu.dma_semaphore, #tpu.memory_space<semaphore_mem>>
      %dma_start3A_233 = arith.constant 0 : i32
      %dma_start3A_234 = arith.constant 0 : i32
      %dma_start3A_235 = tpu.memref_slice %arg6[%dma_start3A_233, %dma_start3A_234] : memref<40x128xf32, #tpu.memory_space<vmem>> -> memref<40x128xf32, #tpu.memory_space<vmem>>
      %dma_start3A_236 = arith.constant 0 : i32
      %dma_start3A_237 = tpu.memref_slice %arg21[%add3A_202, %dma_start3A_236] : memref<10240x128xf32, #tpu.memory_space<vmem_shared>> -> memref<40x128xf32, #tpu.memory_space<vmem_shared>>
      %dma_start3A_238 = arith.constant 0 : i32
      %dma_start3A_239 = arith.constant 0 : i32
      %dma_start3A_240 = tpu.memref_slice %arg6[%dma_start3A_238, %dma_start3A_239] : memref<40x128xf32, #tpu.memory_space<vmem>> -> memref<40x128xf32, #tpu.memory_space<vmem>>
      %dma_start3A_241 = arith.constant 0 : i32
      %dma_start3A_242 = tpu.memref_slice %arg21[%add3A_202, %dma_start3A_241] : memref<10240x128xf32, #tpu.memory_space<vmem_shared>> -> memref<40x128xf32, #tpu.memory_space<vmem_shared>>
      tpu.enqueue_dma source(%dma_start3A_242 : memref<40x128xf32, #tpu.memory_space<vmem_shared>>) target(%dma_start3A_240 : memref<40x128xf32, #tpu.memory_space<vmem>>) target_semaphore(%run_scoped3A : memref<!tpu.dma_semaphore, #tpu.memory_space<semaphore_mem>>)
      %dma_wait3A_243 = arith.constant 0 : i32
      %dma_wait3A_244 = arith.constant 0 : i32
      %dma_wait3A_245 = tpu.memref_slice %arg6[%dma_wait3A_243, %dma_wait3A_244] : memref<40x128xf32, #tpu.memory_space<vmem>> -> memref<40x128xf32, #tpu.memory_space<vmem>>
      %dma_wait3A_246 = arith.constant 0 : i32
      %dma_wait3A_247 = tpu.memref_slice %arg21[%add3A_202, %dma_wait3A_246] : memref<10240x128xf32, #tpu.memory_space<vmem_shared>> -> memref<40x128xf32, #tpu.memory_space<vmem_shared>>
      %dma_wait3A_248 = arith.constant 0 : i32
      %dma_wait3A_249 = arith.constant 0 : i32
      %dma_wait3A_250 = tpu.memref_slice %arg6[%dma_wait3A_248, %dma_wait3A_249] : memref<40x128xf32, #tpu.memory_space<vmem>> -> memref<40x128xf32, #tpu.memory_space<vmem>>
      %dma_wait3A_251 = arith.constant 0 : i32
      %dma_wait3A_252 = tpu.memref_slice %arg21[%add3A_202, %dma_wait3A_251] : memref<10240x128xf32, #tpu.memory_space<vmem_shared>> -> memref<40x128xf32, #tpu.memory_space<vmem_shared>>
      tpu.wait_dma2 semaphore(%run_scoped3A : memref<!tpu.dma_semaphore, #tpu.memory_space<semaphore_mem>>) src(%dma_wait3A_252 : memref<40x128xf32, #tpu.memory_space<vmem_shared>>) dst(%dma_wait3A_250 : memref<40x128xf32, #tpu.memory_space<vmem>>)
      tpu.yield
    }) : () -> ()
    %add3A_203 = arith.constant 320 : i32
    %add3A_204 = arith.addi %mul3A_10, %add3A_203 : i32
    "tpu.region"() ({
      %run_scoped3A = tpu.sem_alloc : memref<!tpu.dma_semaphore, #tpu.memory_space<semaphore_mem>>
      %dma_start3A_233 = arith.constant 0 : i32
      %dma_start3A_234 = arith.constant 0 : i32
      %dma_start3A_235 = tpu.memref_slice %arg6[%dma_start3A_233, %dma_start3A_234] : memref<40x128xf32, #tpu.memory_space<vmem>> -> memref<40x128xf32, #tpu.memory_space<vmem>>
      %dma_start3A_236 = arith.constant 0 : i32
      %dma_start3A_237 = tpu.memref_slice %arg4[%arg0, %add3A_204, %dma_start3A_236] : memref<2x10240x128xf32, #tpu.memory_space<hbm>> -> memref<1x40x128xf32, #tpu.memory_space<hbm>>
      %dma_start3A_238 = tpu.memref_squeeze %dma_start3A_237 : memref<1x40x128xf32, #tpu.memory_space<hbm>> -> memref<40x128xf32, #tpu.memory_space<hbm>>
      %dma_start3A_239 = arith.constant 0 : i32
      %dma_start3A_240 = tpu.memref_slice %arg4[%arg0, %add3A_204, %dma_start3A_239] : memref<2x10240x128xf32, #tpu.memory_space<hbm>> -> memref<1x40x128xf32, #tpu.memory_space<hbm>>
      %dma_start3A_241 = tpu.memref_squeeze %dma_start3A_240 : memref<1x40x128xf32, #tpu.memory_space<hbm>> -> memref<40x128xf32, #tpu.memory_space<hbm>>
      %dma_start3A_242 = arith.constant 0 : i32
      %dma_start3A_243 = arith.constant 0 : i32
      %dma_start3A_244 = tpu.memref_slice %arg6[%dma_start3A_242, %dma_start3A_243] : memref<40x128xf32, #tpu.memory_space<vmem>> -> memref<40x128xf32, #tpu.memory_space<vmem>>
      tpu.enqueue_dma source(%dma_start3A_244 : memref<40x128xf32, #tpu.memory_space<vmem>>) target(%dma_start3A_241 : memref<40x128xf32, #tpu.memory_space<hbm>>) target_semaphore(%run_scoped3A : memref<!tpu.dma_semaphore, #tpu.memory_space<semaphore_mem>>)
      %dma_wait3A_245 = arith.constant 0 : i32
      %dma_wait3A_246 = arith.constant 0 : i32
      %dma_wait3A_247 = tpu.memref_slice %arg6[%dma_wait3A_245, %dma_wait3A_246] : memref<40x128xf32, #tpu.memory_space<vmem>> -> memref<40x128xf32, #tpu.memory_space<vmem>>
      %dma_wait3A_248 = arith.constant 0 : i32
      %dma_wait3A_249 = tpu.memref_slice %arg4[%arg0, %add3A_204, %dma_wait3A_248] : memref<2x10240x128xf32, #tpu.memory_space<hbm>> -> memref<1x40x128xf32, #tpu.memory_space<hbm>>
      %dma_wait3A_250 = tpu.memref_squeeze %dma_wait3A_249 : memref<1x40x128xf32, #tpu.memory_space<hbm>> -> memref<40x128xf32, #tpu.memory_space<hbm>>
      %dma_wait3A_251 = arith.constant 0 : i32
      %dma_wait3A_252 = tpu.memref_slice %arg4[%arg0, %add3A_204, %dma_wait3A_251] : memref<2x10240x128xf32, #tpu.memory_space<hbm>> -> memref<1x40x128xf32, #tpu.memory_space<hbm>>
      %dma_wait3A_253 = tpu.memref_squeeze %dma_wait3A_252 : memref<1x40x128xf32, #tpu.memory_space<hbm>> -> memref<40x128xf32, #tpu.memory_space<hbm>>
      %dma_wait3A_254 = arith.constant 0 : i32
      %dma_wait3A_255 = arith.constant 0 : i32
      %dma_wait3A_256 = tpu.memref_slice %arg6[%dma_wait3A_254, %dma_wait3A_255] : memref<40x128xf32, #tpu.memory_space<vmem>> -> memref<40x128xf32, #tpu.memory_space<vmem>>
      tpu.wait_dma2 semaphore(%run_scoped3A : memref<!tpu.dma_semaphore, #tpu.memory_space<semaphore_mem>>) src(%dma_wait3A_256 : memref<40x128xf32, #tpu.memory_space<vmem>>) dst(%dma_wait3A_253 : memref<40x128xf32, #tpu.memory_space<hbm>>)
      tpu.yield
    }) : () -> ()
    %add3A_205 = arith.constant 360 : i32
    %add3A_206 = arith.addi %mul3A_10, %add3A_205 : i32
    "tpu.region"() ({
      %run_scoped3A = tpu.sem_alloc : memref<!tpu.dma_semaphore, #tpu.memory_space<semaphore_mem>>
      %dma_start3A_233 = arith.constant 0 : i32
      %dma_start3A_234 = arith.constant 0 : i32
      %dma_start3A_235 = tpu.memref_slice %arg6[%dma_start3A_233, %dma_start3A_234] : memref<40x128xf32, #tpu.memory_space<vmem>> -> memref<40x128xf32, #tpu.memory_space<vmem>>
      %dma_start3A_236 = arith.constant 0 : i32
      %dma_start3A_237 = tpu.memref_slice %arg21[%add3A_206, %dma_start3A_236] : memref<10240x128xf32, #tpu.memory_space<vmem_shared>> -> memref<40x128xf32, #tpu.memory_space<vmem_shared>>
      %dma_start3A_238 = arith.constant 0 : i32
      %dma_start3A_239 = arith.constant 0 : i32
      %dma_start3A_240 = tpu.memref_slice %arg6[%dma_start3A_238, %dma_start3A_239] : memref<40x128xf32, #tpu.memory_space<vmem>> -> memref<40x128xf32, #tpu.memory_space<vmem>>
      %dma_start3A_241 = arith.constant 0 : i32
      %dma_start3A_242 = tpu.memref_slice %arg21[%add3A_206, %dma_start3A_241] : memref<10240x128xf32, #tpu.memory_space<vmem_shared>> -> memref<40x128xf32, #tpu.memory_space<vmem_shared>>
      tpu.enqueue_dma source(%dma_start3A_242 : memref<40x128xf32, #tpu.memory_space<vmem_shared>>) target(%dma_start3A_240 : memref<40x128xf32, #tpu.memory_space<vmem>>) target_semaphore(%run_scoped3A : memref<!tpu.dma_semaphore, #tpu.memory_space<semaphore_mem>>)
      %dma_wait3A_243 = arith.constant 0 : i32
      %dma_wait3A_244 = arith.constant 0 : i32
      %dma_wait3A_245 = tpu.memref_slice %arg6[%dma_wait3A_243, %dma_wait3A_244] : memref<40x128xf32, #tpu.memory_space<vmem>> -> memref<40x128xf32, #tpu.memory_space<vmem>>
      %dma_wait3A_246 = arith.constant 0 : i32
      %dma_wait3A_247 = tpu.memref_slice %arg21[%add3A_206, %dma_wait3A_246] : memref<10240x128xf32, #tpu.memory_space<vmem_shared>> -> memref<40x128xf32, #tpu.memory_space<vmem_shared>>
      %dma_wait3A_248 = arith.constant 0 : i32
      %dma_wait3A_249 = arith.constant 0 : i32
      %dma_wait3A_250 = tpu.memref_slice %arg6[%dma_wait3A_248, %dma_wait3A_249] : memref<40x128xf32, #tpu.memory_space<vmem>> -> memref<40x128xf32, #tpu.memory_space<vmem>>
      %dma_wait3A_251 = arith.constant 0 : i32
      %dma_wait3A_252 = tpu.memref_slice %arg21[%add3A_206, %dma_wait3A_251] : memref<10240x128xf32, #tpu.memory_space<vmem_shared>> -> memref<40x128xf32, #tpu.memory_space<vmem_shared>>
      tpu.wait_dma2 semaphore(%run_scoped3A : memref<!tpu.dma_semaphore, #tpu.memory_space<semaphore_mem>>) src(%dma_wait3A_252 : memref<40x128xf32, #tpu.memory_space<vmem_shared>>) dst(%dma_wait3A_250 : memref<40x128xf32, #tpu.memory_space<vmem>>)
      tpu.yield
    }) : () -> ()
    %add3A_207 = arith.constant 360 : i32
    %add3A_208 = arith.addi %mul3A_10, %add3A_207 : i32
    "tpu.region"() ({
      %run_scoped3A = tpu.sem_alloc : memref<!tpu.dma_semaphore, #tpu.memory_space<semaphore_mem>>
      %dma_start3A_233 = arith.constant 0 : i32
      %dma_start3A_234 = arith.constant 0 : i32
      %dma_start3A_235 = tpu.memref_slice %arg6[%dma_start3A_233, %dma_start3A_234] : memref<40x128xf32, #tpu.memory_space<vmem>> -> memref<40x128xf32, #tpu.memory_space<vmem>>
      %dma_start3A_236 = arith.constant 0 : i32
      %dma_start3A_237 = tpu.memref_slice %arg4[%arg0, %add3A_208, %dma_start3A_236] : memref<2x10240x128xf32, #tpu.memory_space<hbm>> -> memref<1x40x128xf32, #tpu.memory_space<hbm>>
      %dma_start3A_238 = tpu.memref_squeeze %dma_start3A_237 : memref<1x40x128xf32, #tpu.memory_space<hbm>> -> memref<40x128xf32, #tpu.memory_space<hbm>>
      %dma_start3A_239 = arith.constant 0 : i32
      %dma_start3A_240 = tpu.memref_slice %arg4[%arg0, %add3A_208, %dma_start3A_239] : memref<2x10240x128xf32, #tpu.memory_space<hbm>> -> memref<1x40x128xf32, #tpu.memory_space<hbm>>
      %dma_start3A_241 = tpu.memref_squeeze %dma_start3A_240 : memref<1x40x128xf32, #tpu.memory_space<hbm>> -> memref<40x128xf32, #tpu.memory_space<hbm>>
      %dma_start3A_242 = arith.constant 0 : i32
      %dma_start3A_243 = arith.constant 0 : i32
      %dma_start3A_244 = tpu.memref_slice %arg6[%dma_start3A_242, %dma_start3A_243] : memref<40x128xf32, #tpu.memory_space<vmem>> -> memref<40x128xf32, #tpu.memory_space<vmem>>
      tpu.enqueue_dma source(%dma_start3A_244 : memref<40x128xf32, #tpu.memory_space<vmem>>) target(%dma_start3A_241 : memref<40x128xf32, #tpu.memory_space<hbm>>) target_semaphore(%run_scoped3A : memref<!tpu.dma_semaphore, #tpu.memory_space<semaphore_mem>>)
      %dma_wait3A_245 = arith.constant 0 : i32
      %dma_wait3A_246 = arith.constant 0 : i32
      %dma_wait3A_247 = tpu.memref_slice %arg6[%dma_wait3A_245, %dma_wait3A_246] : memref<40x128xf32, #tpu.memory_space<vmem>> -> memref<40x128xf32, #tpu.memory_space<vmem>>
      %dma_wait3A_248 = arith.constant 0 : i32
      %dma_wait3A_249 = tpu.memref_slice %arg4[%arg0, %add3A_208, %dma_wait3A_248] : memref<2x10240x128xf32, #tpu.memory_space<hbm>> -> memref<1x40x128xf32, #tpu.memory_space<hbm>>
      %dma_wait3A_250 = tpu.memref_squeeze %dma_wait3A_249 : memref<1x40x128xf32, #tpu.memory_space<hbm>> -> memref<40x128xf32, #tpu.memory_space<hbm>>
      %dma_wait3A_251 = arith.constant 0 : i32
      %dma_wait3A_252 = tpu.memref_slice %arg4[%arg0, %add3A_208, %dma_wait3A_251] : memref<2x10240x128xf32, #tpu.memory_space<hbm>> -> memref<1x40x128xf32, #tpu.memory_space<hbm>>
      %dma_wait3A_253 = tpu.memref_squeeze %dma_wait3A_252 : memref<1x40x128xf32, #tpu.memory_space<hbm>> -> memref<40x128xf32, #tpu.memory_space<hbm>>
      %dma_wait3A_254 = arith.constant 0 : i32
      %dma_wait3A_255 = arith.constant 0 : i32
      %dma_wait3A_256 = tpu.memref_slice %arg6[%dma_wait3A_254, %dma_wait3A_255] : memref<40x128xf32, #tpu.memory_space<vmem>> -> memref<40x128xf32, #tpu.memory_space<vmem>>
      tpu.wait_dma2 semaphore(%run_scoped3A : memref<!tpu.dma_semaphore, #tpu.memory_space<semaphore_mem>>) src(%dma_wait3A_256 : memref<40x128xf32, #tpu.memory_space<vmem>>) dst(%dma_wait3A_253 : memref<40x128xf32, #tpu.memory_space<hbm>>)
      tpu.yield
    }) : () -> ()
    %add3A_209 = arith.constant 400 : i32
    %add3A_210 = arith.addi %mul3A_10, %add3A_209 : i32
    "tpu.region"() ({
      %run_scoped3A = tpu.sem_alloc : memref<!tpu.dma_semaphore, #tpu.memory_space<semaphore_mem>>
      %dma_start3A_233 = arith.constant 0 : i32
      %dma_start3A_234 = arith.constant 0 : i32
      %dma_start3A_235 = tpu.memref_slice %arg6[%dma_start3A_233, %dma_start3A_234] : memref<40x128xf32, #tpu.memory_space<vmem>> -> memref<40x128xf32, #tpu.memory_space<vmem>>
      %dma_start3A_236 = arith.constant 0 : i32
      %dma_start3A_237 = tpu.memref_slice %arg21[%add3A_210, %dma_start3A_236] : memref<10240x128xf32, #tpu.memory_space<vmem_shared>> -> memref<40x128xf32, #tpu.memory_space<vmem_shared>>
      %dma_start3A_238 = arith.constant 0 : i32
      %dma_start3A_239 = arith.constant 0 : i32
      %dma_start3A_240 = tpu.memref_slice %arg6[%dma_start3A_238, %dma_start3A_239] : memref<40x128xf32, #tpu.memory_space<vmem>> -> memref<40x128xf32, #tpu.memory_space<vmem>>
      %dma_start3A_241 = arith.constant 0 : i32
      %dma_start3A_242 = tpu.memref_slice %arg21[%add3A_210, %dma_start3A_241] : memref<10240x128xf32, #tpu.memory_space<vmem_shared>> -> memref<40x128xf32, #tpu.memory_space<vmem_shared>>
      tpu.enqueue_dma source(%dma_start3A_242 : memref<40x128xf32, #tpu.memory_space<vmem_shared>>) target(%dma_start3A_240 : memref<40x128xf32, #tpu.memory_space<vmem>>) target_semaphore(%run_scoped3A : memref<!tpu.dma_semaphore, #tpu.memory_space<semaphore_mem>>)
      %dma_wait3A_243 = arith.constant 0 : i32
      %dma_wait3A_244 = arith.constant 0 : i32
      %dma_wait3A_245 = tpu.memref_slice %arg6[%dma_wait3A_243, %dma_wait3A_244] : memref<40x128xf32, #tpu.memory_space<vmem>> -> memref<40x128xf32, #tpu.memory_space<vmem>>
      %dma_wait3A_246 = arith.constant 0 : i32
      %dma_wait3A_247 = tpu.memref_slice %arg21[%add3A_210, %dma_wait3A_246] : memref<10240x128xf32, #tpu.memory_space<vmem_shared>> -> memref<40x128xf32, #tpu.memory_space<vmem_shared>>
      %dma_wait3A_248 = arith.constant 0 : i32
      %dma_wait3A_249 = arith.constant 0 : i32
      %dma_wait3A_250 = tpu.memref_slice %arg6[%dma_wait3A_248, %dma_wait3A_249] : memref<40x128xf32, #tpu.memory_space<vmem>> -> memref<40x128xf32, #tpu.memory_space<vmem>>
      %dma_wait3A_251 = arith.constant 0 : i32
      %dma_wait3A_252 = tpu.memref_slice %arg21[%add3A_210, %dma_wait3A_251] : memref<10240x128xf32, #tpu.memory_space<vmem_shared>> -> memref<40x128xf32, #tpu.memory_space<vmem_shared>>
      tpu.wait_dma2 semaphore(%run_scoped3A : memref<!tpu.dma_semaphore, #tpu.memory_space<semaphore_mem>>) src(%dma_wait3A_252 : memref<40x128xf32, #tpu.memory_space<vmem_shared>>) dst(%dma_wait3A_250 : memref<40x128xf32, #tpu.memory_space<vmem>>)
      tpu.yield
    }) : () -> ()
    %add3A_211 = arith.constant 400 : i32
    %add3A_212 = arith.addi %mul3A_10, %add3A_211 : i32
    "tpu.region"() ({
      %run_scoped3A = tpu.sem_alloc : memref<!tpu.dma_semaphore, #tpu.memory_space<semaphore_mem>>
      %dma_start3A_233 = arith.constant 0 : i32
      %dma_start3A_234 = arith.constant 0 : i32
      %dma_start3A_235 = tpu.memref_slice %arg6[%dma_start3A_233, %dma_start3A_234] : memref<40x128xf32, #tpu.memory_space<vmem>> -> memref<40x128xf32, #tpu.memory_space<vmem>>
      %dma_start3A_236 = arith.constant 0 : i32
      %dma_start3A_237 = tpu.memref_slice %arg4[%arg0, %add3A_212, %dma_start3A_236] : memref<2x10240x128xf32, #tpu.memory_space<hbm>> -> memref<1x40x128xf32, #tpu.memory_space<hbm>>
      %dma_start3A_238 = tpu.memref_squeeze %dma_start3A_237 : memref<1x40x128xf32, #tpu.memory_space<hbm>> -> memref<40x128xf32, #tpu.memory_space<hbm>>
      %dma_start3A_239 = arith.constant 0 : i32
      %dma_start3A_240 = tpu.memref_slice %arg4[%arg0, %add3A_212, %dma_start3A_239] : memref<2x10240x128xf32, #tpu.memory_space<hbm>> -> memref<1x40x128xf32, #tpu.memory_space<hbm>>
      %dma_start3A_241 = tpu.memref_squeeze %dma_start3A_240 : memref<1x40x128xf32, #tpu.memory_space<hbm>> -> memref<40x128xf32, #tpu.memory_space<hbm>>
      %dma_start3A_242 = arith.constant 0 : i32
      %dma_start3A_243 = arith.constant 0 : i32
      %dma_start3A_244 = tpu.memref_slice %arg6[%dma_start3A_242, %dma_start3A_243] : memref<40x128xf32, #tpu.memory_space<vmem>> -> memref<40x128xf32, #tpu.memory_space<vmem>>
      tpu.enqueue_dma source(%dma_start3A_244 : memref<40x128xf32, #tpu.memory_space<vmem>>) target(%dma_start3A_241 : memref<40x128xf32, #tpu.memory_space<hbm>>) target_semaphore(%run_scoped3A : memref<!tpu.dma_semaphore, #tpu.memory_space<semaphore_mem>>)
      %dma_wait3A_245 = arith.constant 0 : i32
      %dma_wait3A_246 = arith.constant 0 : i32
      %dma_wait3A_247 = tpu.memref_slice %arg6[%dma_wait3A_245, %dma_wait3A_246] : memref<40x128xf32, #tpu.memory_space<vmem>> -> memref<40x128xf32, #tpu.memory_space<vmem>>
      %dma_wait3A_248 = arith.constant 0 : i32
      %dma_wait3A_249 = tpu.memref_slice %arg4[%arg0, %add3A_212, %dma_wait3A_248] : memref<2x10240x128xf32, #tpu.memory_space<hbm>> -> memref<1x40x128xf32, #tpu.memory_space<hbm>>
      %dma_wait3A_250 = tpu.memref_squeeze %dma_wait3A_249 : memref<1x40x128xf32, #tpu.memory_space<hbm>> -> memref<40x128xf32, #tpu.memory_space<hbm>>
      %dma_wait3A_251 = arith.constant 0 : i32
      %dma_wait3A_252 = tpu.memref_slice %arg4[%arg0, %add3A_212, %dma_wait3A_251] : memref<2x10240x128xf32, #tpu.memory_space<hbm>> -> memref<1x40x128xf32, #tpu.memory_space<hbm>>
      %dma_wait3A_253 = tpu.memref_squeeze %dma_wait3A_252 : memref<1x40x128xf32, #tpu.memory_space<hbm>> -> memref<40x128xf32, #tpu.memory_space<hbm>>
      %dma_wait3A_254 = arith.constant 0 : i32
      %dma_wait3A_255 = arith.constant 0 : i32
      %dma_wait3A_256 = tpu.memref_slice %arg6[%dma_wait3A_254, %dma_wait3A_255] : memref<40x128xf32, #tpu.memory_space<vmem>> -> memref<40x128xf32, #tpu.memory_space<vmem>>
      tpu.wait_dma2 semaphore(%run_scoped3A : memref<!tpu.dma_semaphore, #tpu.memory_space<semaphore_mem>>) src(%dma_wait3A_256 : memref<40x128xf32, #tpu.memory_space<vmem>>) dst(%dma_wait3A_253 : memref<40x128xf32, #tpu.memory_space<hbm>>)
      tpu.yield
    }) : () -> ()
    %add3A_213 = arith.constant 440 : i32
    %add3A_214 = arith.addi %mul3A_10, %add3A_213 : i32
    "tpu.region"() ({
      %run_scoped3A = tpu.sem_alloc : memref<!tpu.dma_semaphore, #tpu.memory_space<semaphore_mem>>
      %dma_start3A_233 = arith.constant 0 : i32
      %dma_start3A_234 = arith.constant 0 : i32
      %dma_start3A_235 = tpu.memref_slice %arg6[%dma_start3A_233, %dma_start3A_234] : memref<40x128xf32, #tpu.memory_space<vmem>> -> memref<40x128xf32, #tpu.memory_space<vmem>>
      %dma_start3A_236 = arith.constant 0 : i32
      %dma_start3A_237 = tpu.memref_slice %arg21[%add3A_214, %dma_start3A_236] : memref<10240x128xf32, #tpu.memory_space<vmem_shared>> -> memref<40x128xf32, #tpu.memory_space<vmem_shared>>
      %dma_start3A_238 = arith.constant 0 : i32
      %dma_start3A_239 = arith.constant 0 : i32
      %dma_start3A_240 = tpu.memref_slice %arg6[%dma_start3A_238, %dma_start3A_239] : memref<40x128xf32, #tpu.memory_space<vmem>> -> memref<40x128xf32, #tpu.memory_space<vmem>>
      %dma_start3A_241 = arith.constant 0 : i32
      %dma_start3A_242 = tpu.memref_slice %arg21[%add3A_214, %dma_start3A_241] : memref<10240x128xf32, #tpu.memory_space<vmem_shared>> -> memref<40x128xf32, #tpu.memory_space<vmem_shared>>
      tpu.enqueue_dma source(%dma_start3A_242 : memref<40x128xf32, #tpu.memory_space<vmem_shared>>) target(%dma_start3A_240 : memref<40x128xf32, #tpu.memory_space<vmem>>) target_semaphore(%run_scoped3A : memref<!tpu.dma_semaphore, #tpu.memory_space<semaphore_mem>>)
      %dma_wait3A_243 = arith.constant 0 : i32
      %dma_wait3A_244 = arith.constant 0 : i32
      %dma_wait3A_245 = tpu.memref_slice %arg6[%dma_wait3A_243, %dma_wait3A_244] : memref<40x128xf32, #tpu.memory_space<vmem>> -> memref<40x128xf32, #tpu.memory_space<vmem>>
      %dma_wait3A_246 = arith.constant 0 : i32
      %dma_wait3A_247 = tpu.memref_slice %arg21[%add3A_214, %dma_wait3A_246] : memref<10240x128xf32, #tpu.memory_space<vmem_shared>> -> memref<40x128xf32, #tpu.memory_space<vmem_shared>>
      %dma_wait3A_248 = arith.constant 0 : i32
      %dma_wait3A_249 = arith.constant 0 : i32
      %dma_wait3A_250 = tpu.memref_slice %arg6[%dma_wait3A_248, %dma_wait3A_249] : memref<40x128xf32, #tpu.memory_space<vmem>> -> memref<40x128xf32, #tpu.memory_space<vmem>>
      %dma_wait3A_251 = arith.constant 0 : i32
      %dma_wait3A_252 = tpu.memref_slice %arg21[%add3A_214, %dma_wait3A_251] : memref<10240x128xf32, #tpu.memory_space<vmem_shared>> -> memref<40x128xf32, #tpu.memory_space<vmem_shared>>
      tpu.wait_dma2 semaphore(%run_scoped3A : memref<!tpu.dma_semaphore, #tpu.memory_space<semaphore_mem>>) src(%dma_wait3A_252 : memref<40x128xf32, #tpu.memory_space<vmem_shared>>) dst(%dma_wait3A_250 : memref<40x128xf32, #tpu.memory_space<vmem>>)
      tpu.yield
    }) : () -> ()
    %add3A_215 = arith.constant 440 : i32
    %add3A_216 = arith.addi %mul3A_10, %add3A_215 : i32
    "tpu.region"() ({
      %run_scoped3A = tpu.sem_alloc : memref<!tpu.dma_semaphore, #tpu.memory_space<semaphore_mem>>
      %dma_start3A_233 = arith.constant 0 : i32
      %dma_start3A_234 = arith.constant 0 : i32
      %dma_start3A_235 = tpu.memref_slice %arg6[%dma_start3A_233, %dma_start3A_234] : memref<40x128xf32, #tpu.memory_space<vmem>> -> memref<40x128xf32, #tpu.memory_space<vmem>>
      %dma_start3A_236 = arith.constant 0 : i32
      %dma_start3A_237 = tpu.memref_slice %arg4[%arg0, %add3A_216, %dma_start3A_236] : memref<2x10240x128xf32, #tpu.memory_space<hbm>> -> memref<1x40x128xf32, #tpu.memory_space<hbm>>
      %dma_start3A_238 = tpu.memref_squeeze %dma_start3A_237 : memref<1x40x128xf32, #tpu.memory_space<hbm>> -> memref<40x128xf32, #tpu.memory_space<hbm>>
      %dma_start3A_239 = arith.constant 0 : i32
      %dma_start3A_240 = tpu.memref_slice %arg4[%arg0, %add3A_216, %dma_start3A_239] : memref<2x10240x128xf32, #tpu.memory_space<hbm>> -> memref<1x40x128xf32, #tpu.memory_space<hbm>>
      %dma_start3A_241 = tpu.memref_squeeze %dma_start3A_240 : memref<1x40x128xf32, #tpu.memory_space<hbm>> -> memref<40x128xf32, #tpu.memory_space<hbm>>
      %dma_start3A_242 = arith.constant 0 : i32
      %dma_start3A_243 = arith.constant 0 : i32
      %dma_start3A_244 = tpu.memref_slice %arg6[%dma_start3A_242, %dma_start3A_243] : memref<40x128xf32, #tpu.memory_space<vmem>> -> memref<40x128xf32, #tpu.memory_space<vmem>>
      tpu.enqueue_dma source(%dma_start3A_244 : memref<40x128xf32, #tpu.memory_space<vmem>>) target(%dma_start3A_241 : memref<40x128xf32, #tpu.memory_space<hbm>>) target_semaphore(%run_scoped3A : memref<!tpu.dma_semaphore, #tpu.memory_space<semaphore_mem>>)
      %dma_wait3A_245 = arith.constant 0 : i32
      %dma_wait3A_246 = arith.constant 0 : i32
      %dma_wait3A_247 = tpu.memref_slice %arg6[%dma_wait3A_245, %dma_wait3A_246] : memref<40x128xf32, #tpu.memory_space<vmem>> -> memref<40x128xf32, #tpu.memory_space<vmem>>
      %dma_wait3A_248 = arith.constant 0 : i32
      %dma_wait3A_249 = tpu.memref_slice %arg4[%arg0, %add3A_216, %dma_wait3A_248] : memref<2x10240x128xf32, #tpu.memory_space<hbm>> -> memref<1x40x128xf32, #tpu.memory_space<hbm>>
      %dma_wait3A_250 = tpu.memref_squeeze %dma_wait3A_249 : memref<1x40x128xf32, #tpu.memory_space<hbm>> -> memref<40x128xf32, #tpu.memory_space<hbm>>
      %dma_wait3A_251 = arith.constant 0 : i32
      %dma_wait3A_252 = tpu.memref_slice %arg4[%arg0, %add3A_216, %dma_wait3A_251] : memref<2x10240x128xf32, #tpu.memory_space<hbm>> -> memref<1x40x128xf32, #tpu.memory_space<hbm>>
      %dma_wait3A_253 = tpu.memref_squeeze %dma_wait3A_252 : memref<1x40x128xf32, #tpu.memory_space<hbm>> -> memref<40x128xf32, #tpu.memory_space<hbm>>
      %dma_wait3A_254 = arith.constant 0 : i32
      %dma_wait3A_255 = arith.constant 0 : i32
      %dma_wait3A_256 = tpu.memref_slice %arg6[%dma_wait3A_254, %dma_wait3A_255] : memref<40x128xf32, #tpu.memory_space<vmem>> -> memref<40x128xf32, #tpu.memory_space<vmem>>
      tpu.wait_dma2 semaphore(%run_scoped3A : memref<!tpu.dma_semaphore, #tpu.memory_space<semaphore_mem>>) src(%dma_wait3A_256 : memref<40x128xf32, #tpu.memory_space<vmem>>) dst(%dma_wait3A_253 : memref<40x128xf32, #tpu.memory_space<hbm>>)
      tpu.yield
    }) : () -> ()
    %add3A_217 = arith.constant 480 : i32
    %add3A_218 = arith.addi %mul3A_10, %add3A_217 : i32
    "tpu.region"() ({
      %run_scoped3A = tpu.sem_alloc : memref<!tpu.dma_semaphore, #tpu.memory_space<semaphore_mem>>
      %dma_start3A_233 = arith.constant 0 : i32
      %dma_start3A_234 = arith.constant 0 : i32
      %dma_start3A_235 = tpu.memref_slice %arg6[%dma_start3A_233, %dma_start3A_234] : memref<40x128xf32, #tpu.memory_space<vmem>> -> memref<40x128xf32, #tpu.memory_space<vmem>>
      %dma_start3A_236 = arith.constant 0 : i32
      %dma_start3A_237 = tpu.memref_slice %arg21[%add3A_218, %dma_start3A_236] : memref<10240x128xf32, #tpu.memory_space<vmem_shared>> -> memref<40x128xf32, #tpu.memory_space<vmem_shared>>
      %dma_start3A_238 = arith.constant 0 : i32
      %dma_start3A_239 = arith.constant 0 : i32
      %dma_start3A_240 = tpu.memref_slice %arg6[%dma_start3A_238, %dma_start3A_239] : memref<40x128xf32, #tpu.memory_space<vmem>> -> memref<40x128xf32, #tpu.memory_space<vmem>>
      %dma_start3A_241 = arith.constant 0 : i32
      %dma_start3A_242 = tpu.memref_slice %arg21[%add3A_218, %dma_start3A_241] : memref<10240x128xf32, #tpu.memory_space<vmem_shared>> -> memref<40x128xf32, #tpu.memory_space<vmem_shared>>
      tpu.enqueue_dma source(%dma_start3A_242 : memref<40x128xf32, #tpu.memory_space<vmem_shared>>) target(%dma_start3A_240 : memref<40x128xf32, #tpu.memory_space<vmem>>) target_semaphore(%run_scoped3A : memref<!tpu.dma_semaphore, #tpu.memory_space<semaphore_mem>>)
      %dma_wait3A_243 = arith.constant 0 : i32
      %dma_wait3A_244 = arith.constant 0 : i32
      %dma_wait3A_245 = tpu.memref_slice %arg6[%dma_wait3A_243, %dma_wait3A_244] : memref<40x128xf32, #tpu.memory_space<vmem>> -> memref<40x128xf32, #tpu.memory_space<vmem>>
      %dma_wait3A_246 = arith.constant 0 : i32
      %dma_wait3A_247 = tpu.memref_slice %arg21[%add3A_218, %dma_wait3A_246] : memref<10240x128xf32, #tpu.memory_space<vmem_shared>> -> memref<40x128xf32, #tpu.memory_space<vmem_shared>>
      %dma_wait3A_248 = arith.constant 0 : i32
      %dma_wait3A_249 = arith.constant 0 : i32
      %dma_wait3A_250 = tpu.memref_slice %arg6[%dma_wait3A_248, %dma_wait3A_249] : memref<40x128xf32, #tpu.memory_space<vmem>> -> memref<40x128xf32, #tpu.memory_space<vmem>>
      %dma_wait3A_251 = arith.constant 0 : i32
      %dma_wait3A_252 = tpu.memref_slice %arg21[%add3A_218, %dma_wait3A_251] : memref<10240x128xf32, #tpu.memory_space<vmem_shared>> -> memref<40x128xf32, #tpu.memory_space<vmem_shared>>
      tpu.wait_dma2 semaphore(%run_scoped3A : memref<!tpu.dma_semaphore, #tpu.memory_space<semaphore_mem>>) src(%dma_wait3A_252 : memref<40x128xf32, #tpu.memory_space<vmem_shared>>) dst(%dma_wait3A_250 : memref<40x128xf32, #tpu.memory_space<vmem>>)
      tpu.yield
    }) : () -> ()
    %add3A_219 = arith.constant 480 : i32
    %add3A_220 = arith.addi %mul3A_10, %add3A_219 : i32
    "tpu.region"() ({
      %run_scoped3A = tpu.sem_alloc : memref<!tpu.dma_semaphore, #tpu.memory_space<semaphore_mem>>
      %dma_start3A_233 = arith.constant 0 : i32
      %dma_start3A_234 = arith.constant 0 : i32
      %dma_start3A_235 = tpu.memref_slice %arg6[%dma_start3A_233, %dma_start3A_234] : memref<40x128xf32, #tpu.memory_space<vmem>> -> memref<40x128xf32, #tpu.memory_space<vmem>>
      %dma_start3A_236 = arith.constant 0 : i32
      %dma_start3A_237 = tpu.memref_slice %arg4[%arg0, %add3A_220, %dma_start3A_236] : memref<2x10240x128xf32, #tpu.memory_space<hbm>> -> memref<1x40x128xf32, #tpu.memory_space<hbm>>
      %dma_start3A_238 = tpu.memref_squeeze %dma_start3A_237 : memref<1x40x128xf32, #tpu.memory_space<hbm>> -> memref<40x128xf32, #tpu.memory_space<hbm>>
      %dma_start3A_239 = arith.constant 0 : i32
      %dma_start3A_240 = tpu.memref_slice %arg4[%arg0, %add3A_220, %dma_start3A_239] : memref<2x10240x128xf32, #tpu.memory_space<hbm>> -> memref<1x40x128xf32, #tpu.memory_space<hbm>>
      %dma_start3A_241 = tpu.memref_squeeze %dma_start3A_240 : memref<1x40x128xf32, #tpu.memory_space<hbm>> -> memref<40x128xf32, #tpu.memory_space<hbm>>
      %dma_start3A_242 = arith.constant 0 : i32
      %dma_start3A_243 = arith.constant 0 : i32
      %dma_start3A_244 = tpu.memref_slice %arg6[%dma_start3A_242, %dma_start3A_243] : memref<40x128xf32, #tpu.memory_space<vmem>> -> memref<40x128xf32, #tpu.memory_space<vmem>>
      tpu.enqueue_dma source(%dma_start3A_244 : memref<40x128xf32, #tpu.memory_space<vmem>>) target(%dma_start3A_241 : memref<40x128xf32, #tpu.memory_space<hbm>>) target_semaphore(%run_scoped3A : memref<!tpu.dma_semaphore, #tpu.memory_space<semaphore_mem>>)
      %dma_wait3A_245 = arith.constant 0 : i32
      %dma_wait3A_246 = arith.constant 0 : i32
      %dma_wait3A_247 = tpu.memref_slice %arg6[%dma_wait3A_245, %dma_wait3A_246] : memref<40x128xf32, #tpu.memory_space<vmem>> -> memref<40x128xf32, #tpu.memory_space<vmem>>
      %dma_wait3A_248 = arith.constant 0 : i32
      %dma_wait3A_249 = tpu.memref_slice %arg4[%arg0, %add3A_220, %dma_wait3A_248] : memref<2x10240x128xf32, #tpu.memory_space<hbm>> -> memref<1x40x128xf32, #tpu.memory_space<hbm>>
      %dma_wait3A_250 = tpu.memref_squeeze %dma_wait3A_249 : memref<1x40x128xf32, #tpu.memory_space<hbm>> -> memref<40x128xf32, #tpu.memory_space<hbm>>
      %dma_wait3A_251 = arith.constant 0 : i32
      %dma_wait3A_252 = tpu.memref_slice %arg4[%arg0, %add3A_220, %dma_wait3A_251] : memref<2x10240x128xf32, #tpu.memory_space<hbm>> -> memref<1x40x128xf32, #tpu.memory_space<hbm>>
      %dma_wait3A_253 = tpu.memref_squeeze %dma_wait3A_252 : memref<1x40x128xf32, #tpu.memory_space<hbm>> -> memref<40x128xf32, #tpu.memory_space<hbm>>
      %dma_wait3A_254 = arith.constant 0 : i32
      %dma_wait3A_255 = arith.constant 0 : i32
      %dma_wait3A_256 = tpu.memref_slice %arg6[%dma_wait3A_254, %dma_wait3A_255] : memref<40x128xf32, #tpu.memory_space<vmem>> -> memref<40x128xf32, #tpu.memory_space<vmem>>
      tpu.wait_dma2 semaphore(%run_scoped3A : memref<!tpu.dma_semaphore, #tpu.memory_space<semaphore_mem>>) src(%dma_wait3A_256 : memref<40x128xf32, #tpu.memory_space<vmem>>) dst(%dma_wait3A_253 : memref<40x128xf32, #tpu.memory_space<hbm>>)
      tpu.yield
    }) : () -> ()
    %add3A_221 = arith.constant 520 : i32
    %add3A_222 = arith.addi %mul3A_10, %add3A_221 : i32
    "tpu.region"() ({
      %run_scoped3A = tpu.sem_alloc : memref<!tpu.dma_semaphore, #tpu.memory_space<semaphore_mem>>
      %dma_start3A_233 = arith.constant 0 : i32
      %dma_start3A_234 = arith.constant 0 : i32
      %dma_start3A_235 = tpu.memref_slice %arg6[%dma_start3A_233, %dma_start3A_234] : memref<40x128xf32, #tpu.memory_space<vmem>> -> memref<40x128xf32, #tpu.memory_space<vmem>>
      %dma_start3A_236 = arith.constant 0 : i32
      %dma_start3A_237 = tpu.memref_slice %arg21[%add3A_222, %dma_start3A_236] : memref<10240x128xf32, #tpu.memory_space<vmem_shared>> -> memref<40x128xf32, #tpu.memory_space<vmem_shared>>
      %dma_start3A_238 = arith.constant 0 : i32
      %dma_start3A_239 = arith.constant 0 : i32
      %dma_start3A_240 = tpu.memref_slice %arg6[%dma_start3A_238, %dma_start3A_239] : memref<40x128xf32, #tpu.memory_space<vmem>> -> memref<40x128xf32, #tpu.memory_space<vmem>>
      %dma_start3A_241 = arith.constant 0 : i32
      %dma_start3A_242 = tpu.memref_slice %arg21[%add3A_222, %dma_start3A_241] : memref<10240x128xf32, #tpu.memory_space<vmem_shared>> -> memref<40x128xf32, #tpu.memory_space<vmem_shared>>
      tpu.enqueue_dma source(%dma_start3A_242 : memref<40x128xf32, #tpu.memory_space<vmem_shared>>) target(%dma_start3A_240 : memref<40x128xf32, #tpu.memory_space<vmem>>) target_semaphore(%run_scoped3A : memref<!tpu.dma_semaphore, #tpu.memory_space<semaphore_mem>>)
      %dma_wait3A_243 = arith.constant 0 : i32
      %dma_wait3A_244 = arith.constant 0 : i32
      %dma_wait3A_245 = tpu.memref_slice %arg6[%dma_wait3A_243, %dma_wait3A_244] : memref<40x128xf32, #tpu.memory_space<vmem>> -> memref<40x128xf32, #tpu.memory_space<vmem>>
      %dma_wait3A_246 = arith.constant 0 : i32
      %dma_wait3A_247 = tpu.memref_slice %arg21[%add3A_222, %dma_wait3A_246] : memref<10240x128xf32, #tpu.memory_space<vmem_shared>> -> memref<40x128xf32, #tpu.memory_space<vmem_shared>>
      %dma_wait3A_248 = arith.constant 0 : i32
      %dma_wait3A_249 = arith.constant 0 : i32
      %dma_wait3A_250 = tpu.memref_slice %arg6[%dma_wait3A_248, %dma_wait3A_249] : memref<40x128xf32, #tpu.memory_space<vmem>> -> memref<40x128xf32, #tpu.memory_space<vmem>>
      %dma_wait3A_251 = arith.constant 0 : i32
      %dma_wait3A_252 = tpu.memref_slice %arg21[%add3A_222, %dma_wait3A_251] : memref<10240x128xf32, #tpu.memory_space<vmem_shared>> -> memref<40x128xf32, #tpu.memory_space<vmem_shared>>
      tpu.wait_dma2 semaphore(%run_scoped3A : memref<!tpu.dma_semaphore, #tpu.memory_space<semaphore_mem>>) src(%dma_wait3A_252 : memref<40x128xf32, #tpu.memory_space<vmem_shared>>) dst(%dma_wait3A_250 : memref<40x128xf32, #tpu.memory_space<vmem>>)
      tpu.yield
    }) : () -> ()
    %add3A_223 = arith.constant 520 : i32
    %add3A_224 = arith.addi %mul3A_10, %add3A_223 : i32
    "tpu.region"() ({
      %run_scoped3A = tpu.sem_alloc : memref<!tpu.dma_semaphore, #tpu.memory_space<semaphore_mem>>
      %dma_start3A_233 = arith.constant 0 : i32
      %dma_start3A_234 = arith.constant 0 : i32
      %dma_start3A_235 = tpu.memref_slice %arg6[%dma_start3A_233, %dma_start3A_234] : memref<40x128xf32, #tpu.memory_space<vmem>> -> memref<40x128xf32, #tpu.memory_space<vmem>>
      %dma_start3A_236 = arith.constant 0 : i32
      %dma_start3A_237 = tpu.memref_slice %arg4[%arg0, %add3A_224, %dma_start3A_236] : memref<2x10240x128xf32, #tpu.memory_space<hbm>> -> memref<1x40x128xf32, #tpu.memory_space<hbm>>
      %dma_start3A_238 = tpu.memref_squeeze %dma_start3A_237 : memref<1x40x128xf32, #tpu.memory_space<hbm>> -> memref<40x128xf32, #tpu.memory_space<hbm>>
      %dma_start3A_239 = arith.constant 0 : i32
      %dma_start3A_240 = tpu.memref_slice %arg4[%arg0, %add3A_224, %dma_start3A_239] : memref<2x10240x128xf32, #tpu.memory_space<hbm>> -> memref<1x40x128xf32, #tpu.memory_space<hbm>>
      %dma_start3A_241 = tpu.memref_squeeze %dma_start3A_240 : memref<1x40x128xf32, #tpu.memory_space<hbm>> -> memref<40x128xf32, #tpu.memory_space<hbm>>
      %dma_start3A_242 = arith.constant 0 : i32
      %dma_start3A_243 = arith.constant 0 : i32
      %dma_start3A_244 = tpu.memref_slice %arg6[%dma_start3A_242, %dma_start3A_243] : memref<40x128xf32, #tpu.memory_space<vmem>> -> memref<40x128xf32, #tpu.memory_space<vmem>>
      tpu.enqueue_dma source(%dma_start3A_244 : memref<40x128xf32, #tpu.memory_space<vmem>>) target(%dma_start3A_241 : memref<40x128xf32, #tpu.memory_space<hbm>>) target_semaphore(%run_scoped3A : memref<!tpu.dma_semaphore, #tpu.memory_space<semaphore_mem>>)
      %dma_wait3A_245 = arith.constant 0 : i32
      %dma_wait3A_246 = arith.constant 0 : i32
      %dma_wait3A_247 = tpu.memref_slice %arg6[%dma_wait3A_245, %dma_wait3A_246] : memref<40x128xf32, #tpu.memory_space<vmem>> -> memref<40x128xf32, #tpu.memory_space<vmem>>
      %dma_wait3A_248 = arith.constant 0 : i32
      %dma_wait3A_249 = tpu.memref_slice %arg4[%arg0, %add3A_224, %dma_wait3A_248] : memref<2x10240x128xf32, #tpu.memory_space<hbm>> -> memref<1x40x128xf32, #tpu.memory_space<hbm>>
      %dma_wait3A_250 = tpu.memref_squeeze %dma_wait3A_249 : memref<1x40x128xf32, #tpu.memory_space<hbm>> -> memref<40x128xf32, #tpu.memory_space<hbm>>
      %dma_wait3A_251 = arith.constant 0 : i32
      %dma_wait3A_252 = tpu.memref_slice %arg4[%arg0, %add3A_224, %dma_wait3A_251] : memref<2x10240x128xf32, #tpu.memory_space<hbm>> -> memref<1x40x128xf32, #tpu.memory_space<hbm>>
      %dma_wait3A_253 = tpu.memref_squeeze %dma_wait3A_252 : memref<1x40x128xf32, #tpu.memory_space<hbm>> -> memref<40x128xf32, #tpu.memory_space<hbm>>
      %dma_wait3A_254 = arith.constant 0 : i32
      %dma_wait3A_255 = arith.constant 0 : i32
      %dma_wait3A_256 = tpu.memref_slice %arg6[%dma_wait3A_254, %dma_wait3A_255] : memref<40x128xf32, #tpu.memory_space<vmem>> -> memref<40x128xf32, #tpu.memory_space<vmem>>
      tpu.wait_dma2 semaphore(%run_scoped3A : memref<!tpu.dma_semaphore, #tpu.memory_space<semaphore_mem>>) src(%dma_wait3A_256 : memref<40x128xf32, #tpu.memory_space<vmem>>) dst(%dma_wait3A_253 : memref<40x128xf32, #tpu.memory_space<hbm>>)
      tpu.yield
    }) : () -> ()
    %add3A_225 = arith.constant 560 : i32
    %add3A_226 = arith.addi %mul3A_10, %add3A_225 : i32
    "tpu.region"() ({
      %run_scoped3A = tpu.sem_alloc : memref<!tpu.dma_semaphore, #tpu.memory_space<semaphore_mem>>
      %dma_start3A_233 = arith.constant 0 : i32
      %dma_start3A_234 = arith.constant 0 : i32
      %dma_start3A_235 = tpu.memref_slice %arg6[%dma_start3A_233, %dma_start3A_234] : memref<40x128xf32, #tpu.memory_space<vmem>> -> memref<40x128xf32, #tpu.memory_space<vmem>>
      %dma_start3A_236 = arith.constant 0 : i32
      %dma_start3A_237 = tpu.memref_slice %arg21[%add3A_226, %dma_start3A_236] : memref<10240x128xf32, #tpu.memory_space<vmem_shared>> -> memref<40x128xf32, #tpu.memory_space<vmem_shared>>
      %dma_start3A_238 = arith.constant 0 : i32
      %dma_start3A_239 = arith.constant 0 : i32
      %dma_start3A_240 = tpu.memref_slice %arg6[%dma_start3A_238, %dma_start3A_239] : memref<40x128xf32, #tpu.memory_space<vmem>> -> memref<40x128xf32, #tpu.memory_space<vmem>>
      %dma_start3A_241 = arith.constant 0 : i32
      %dma_start3A_242 = tpu.memref_slice %arg21[%add3A_226, %dma_start3A_241] : memref<10240x128xf32, #tpu.memory_space<vmem_shared>> -> memref<40x128xf32, #tpu.memory_space<vmem_shared>>
      tpu.enqueue_dma source(%dma_start3A_242 : memref<40x128xf32, #tpu.memory_space<vmem_shared>>) target(%dma_start3A_240 : memref<40x128xf32, #tpu.memory_space<vmem>>) target_semaphore(%run_scoped3A : memref<!tpu.dma_semaphore, #tpu.memory_space<semaphore_mem>>)
      %dma_wait3A_243 = arith.constant 0 : i32
      %dma_wait3A_244 = arith.constant 0 : i32
      %dma_wait3A_245 = tpu.memref_slice %arg6[%dma_wait3A_243, %dma_wait3A_244] : memref<40x128xf32, #tpu.memory_space<vmem>> -> memref<40x128xf32, #tpu.memory_space<vmem>>
      %dma_wait3A_246 = arith.constant 0 : i32
      %dma_wait3A_247 = tpu.memref_slice %arg21[%add3A_226, %dma_wait3A_246] : memref<10240x128xf32, #tpu.memory_space<vmem_shared>> -> memref<40x128xf32, #tpu.memory_space<vmem_shared>>
      %dma_wait3A_248 = arith.constant 0 : i32
      %dma_wait3A_249 = arith.constant 0 : i32
      %dma_wait3A_250 = tpu.memref_slice %arg6[%dma_wait3A_248, %dma_wait3A_249] : memref<40x128xf32, #tpu.memory_space<vmem>> -> memref<40x128xf32, #tpu.memory_space<vmem>>
      %dma_wait3A_251 = arith.constant 0 : i32
      %dma_wait3A_252 = tpu.memref_slice %arg21[%add3A_226, %dma_wait3A_251] : memref<10240x128xf32, #tpu.memory_space<vmem_shared>> -> memref<40x128xf32, #tpu.memory_space<vmem_shared>>
      tpu.wait_dma2 semaphore(%run_scoped3A : memref<!tpu.dma_semaphore, #tpu.memory_space<semaphore_mem>>) src(%dma_wait3A_252 : memref<40x128xf32, #tpu.memory_space<vmem_shared>>) dst(%dma_wait3A_250 : memref<40x128xf32, #tpu.memory_space<vmem>>)
      tpu.yield
    }) : () -> ()
    %add3A_227 = arith.constant 560 : i32
    %add3A_228 = arith.addi %mul3A_10, %add3A_227 : i32
    "tpu.region"() ({
      %run_scoped3A = tpu.sem_alloc : memref<!tpu.dma_semaphore, #tpu.memory_space<semaphore_mem>>
      %dma_start3A_233 = arith.constant 0 : i32
      %dma_start3A_234 = arith.constant 0 : i32
      %dma_start3A_235 = tpu.memref_slice %arg6[%dma_start3A_233, %dma_start3A_234] : memref<40x128xf32, #tpu.memory_space<vmem>> -> memref<40x128xf32, #tpu.memory_space<vmem>>
      %dma_start3A_236 = arith.constant 0 : i32
      %dma_start3A_237 = tpu.memref_slice %arg4[%arg0, %add3A_228, %dma_start3A_236] : memref<2x10240x128xf32, #tpu.memory_space<hbm>> -> memref<1x40x128xf32, #tpu.memory_space<hbm>>
      %dma_start3A_238 = tpu.memref_squeeze %dma_start3A_237 : memref<1x40x128xf32, #tpu.memory_space<hbm>> -> memref<40x128xf32, #tpu.memory_space<hbm>>
      %dma_start3A_239 = arith.constant 0 : i32
      %dma_start3A_240 = tpu.memref_slice %arg4[%arg0, %add3A_228, %dma_start3A_239] : memref<2x10240x128xf32, #tpu.memory_space<hbm>> -> memref<1x40x128xf32, #tpu.memory_space<hbm>>
      %dma_start3A_241 = tpu.memref_squeeze %dma_start3A_240 : memref<1x40x128xf32, #tpu.memory_space<hbm>> -> memref<40x128xf32, #tpu.memory_space<hbm>>
      %dma_start3A_242 = arith.constant 0 : i32
      %dma_start3A_243 = arith.constant 0 : i32
      %dma_start3A_244 = tpu.memref_slice %arg6[%dma_start3A_242, %dma_start3A_243] : memref<40x128xf32, #tpu.memory_space<vmem>> -> memref<40x128xf32, #tpu.memory_space<vmem>>
      tpu.enqueue_dma source(%dma_start3A_244 : memref<40x128xf32, #tpu.memory_space<vmem>>) target(%dma_start3A_241 : memref<40x128xf32, #tpu.memory_space<hbm>>) target_semaphore(%run_scoped3A : memref<!tpu.dma_semaphore, #tpu.memory_space<semaphore_mem>>)
      %dma_wait3A_245 = arith.constant 0 : i32
      %dma_wait3A_246 = arith.constant 0 : i32
      %dma_wait3A_247 = tpu.memref_slice %arg6[%dma_wait3A_245, %dma_wait3A_246] : memref<40x128xf32, #tpu.memory_space<vmem>> -> memref<40x128xf32, #tpu.memory_space<vmem>>
      %dma_wait3A_248 = arith.constant 0 : i32
      %dma_wait3A_249 = tpu.memref_slice %arg4[%arg0, %add3A_228, %dma_wait3A_248] : memref<2x10240x128xf32, #tpu.memory_space<hbm>> -> memref<1x40x128xf32, #tpu.memory_space<hbm>>
      %dma_wait3A_250 = tpu.memref_squeeze %dma_wait3A_249 : memref<1x40x128xf32, #tpu.memory_space<hbm>> -> memref<40x128xf32, #tpu.memory_space<hbm>>
      %dma_wait3A_251 = arith.constant 0 : i32
      %dma_wait3A_252 = tpu.memref_slice %arg4[%arg0, %add3A_228, %dma_wait3A_251] : memref<2x10240x128xf32, #tpu.memory_space<hbm>> -> memref<1x40x128xf32, #tpu.memory_space<hbm>>
      %dma_wait3A_253 = tpu.memref_squeeze %dma_wait3A_252 : memref<1x40x128xf32, #tpu.memory_space<hbm>> -> memref<40x128xf32, #tpu.memory_space<hbm>>
      %dma_wait3A_254 = arith.constant 0 : i32
      %dma_wait3A_255 = arith.constant 0 : i32
      %dma_wait3A_256 = tpu.memref_slice %arg6[%dma_wait3A_254, %dma_wait3A_255] : memref<40x128xf32, #tpu.memory_space<vmem>> -> memref<40x128xf32, #tpu.memory_space<vmem>>
      tpu.wait_dma2 semaphore(%run_scoped3A : memref<!tpu.dma_semaphore, #tpu.memory_space<semaphore_mem>>) src(%dma_wait3A_256 : memref<40x128xf32, #tpu.memory_space<vmem>>) dst(%dma_wait3A_253 : memref<40x128xf32, #tpu.memory_space<hbm>>)
      tpu.yield
    }) : () -> ()
    %add3A_229 = arith.constant 600 : i32
    %add3A_230 = arith.addi %mul3A_10, %add3A_229 : i32
    "tpu.region"() ({
      %run_scoped3A = tpu.sem_alloc : memref<!tpu.dma_semaphore, #tpu.memory_space<semaphore_mem>>
      %dma_start3A_233 = arith.constant 0 : i32
      %dma_start3A_234 = arith.constant 0 : i32
      %dma_start3A_235 = tpu.memref_slice %arg6[%dma_start3A_233, %dma_start3A_234] : memref<40x128xf32, #tpu.memory_space<vmem>> -> memref<40x128xf32, #tpu.memory_space<vmem>>
      %dma_start3A_236 = arith.constant 0 : i32
      %dma_start3A_237 = tpu.memref_slice %arg21[%add3A_230, %dma_start3A_236] : memref<10240x128xf32, #tpu.memory_space<vmem_shared>> -> memref<40x128xf32, #tpu.memory_space<vmem_shared>>
      %dma_start3A_238 = arith.constant 0 : i32
      %dma_start3A_239 = arith.constant 0 : i32
      %dma_start3A_240 = tpu.memref_slice %arg6[%dma_start3A_238, %dma_start3A_239] : memref<40x128xf32, #tpu.memory_space<vmem>> -> memref<40x128xf32, #tpu.memory_space<vmem>>
      %dma_start3A_241 = arith.constant 0 : i32
      %dma_start3A_242 = tpu.memref_slice %arg21[%add3A_230, %dma_start3A_241] : memref<10240x128xf32, #tpu.memory_space<vmem_shared>> -> memref<40x128xf32, #tpu.memory_space<vmem_shared>>
      tpu.enqueue_dma source(%dma_start3A_242 : memref<40x128xf32, #tpu.memory_space<vmem_shared>>) target(%dma_start3A_240 : memref<40x128xf32, #tpu.memory_space<vmem>>) target_semaphore(%run_scoped3A : memref<!tpu.dma_semaphore, #tpu.memory_space<semaphore_mem>>)
      %dma_wait3A_243 = arith.constant 0 : i32
      %dma_wait3A_244 = arith.constant 0 : i32
      %dma_wait3A_245 = tpu.memref_slice %arg6[%dma_wait3A_243, %dma_wait3A_244] : memref<40x128xf32, #tpu.memory_space<vmem>> -> memref<40x128xf32, #tpu.memory_space<vmem>>
      %dma_wait3A_246 = arith.constant 0 : i32
      %dma_wait3A_247 = tpu.memref_slice %arg21[%add3A_230, %dma_wait3A_246] : memref<10240x128xf32, #tpu.memory_space<vmem_shared>> -> memref<40x128xf32, #tpu.memory_space<vmem_shared>>
      %dma_wait3A_248 = arith.constant 0 : i32
      %dma_wait3A_249 = arith.constant 0 : i32
      %dma_wait3A_250 = tpu.memref_slice %arg6[%dma_wait3A_248, %dma_wait3A_249] : memref<40x128xf32, #tpu.memory_space<vmem>> -> memref<40x128xf32, #tpu.memory_space<vmem>>
      %dma_wait3A_251 = arith.constant 0 : i32
      %dma_wait3A_252 = tpu.memref_slice %arg21[%add3A_230, %dma_wait3A_251] : memref<10240x128xf32, #tpu.memory_space<vmem_shared>> -> memref<40x128xf32, #tpu.memory_space<vmem_shared>>
      tpu.wait_dma2 semaphore(%run_scoped3A : memref<!tpu.dma_semaphore, #tpu.memory_space<semaphore_mem>>) src(%dma_wait3A_252 : memref<40x128xf32, #tpu.memory_space<vmem_shared>>) dst(%dma_wait3A_250 : memref<40x128xf32, #tpu.memory_space<vmem>>)
      tpu.yield
    }) : () -> ()
    %add3A_231 = arith.constant 600 : i32
    %add3A_232 = arith.addi %mul3A_10, %add3A_231 : i32
    "tpu.region"() ({
      %run_scoped3A = tpu.sem_alloc : memref<!tpu.dma_semaphore, #tpu.memory_space<semaphore_mem>>
      %dma_start3A_233 = arith.constant 0 : i32
      %dma_start3A_234 = arith.constant 0 : i32
      %dma_start3A_235 = tpu.memref_slice %arg6[%dma_start3A_233, %dma_start3A_234] : memref<40x128xf32, #tpu.memory_space<vmem>> -> memref<40x128xf32, #tpu.memory_space<vmem>>
      %dma_start3A_236 = arith.constant 0 : i32
      %dma_start3A_237 = tpu.memref_slice %arg4[%arg0, %add3A_232, %dma_start3A_236] : memref<2x10240x128xf32, #tpu.memory_space<hbm>> -> memref<1x40x128xf32, #tpu.memory_space<hbm>>
      %dma_start3A_238 = tpu.memref_squeeze %dma_start3A_237 : memref<1x40x128xf32, #tpu.memory_space<hbm>> -> memref<40x128xf32, #tpu.memory_space<hbm>>
      %dma_start3A_239 = arith.constant 0 : i32
      %dma_start3A_240 = tpu.memref_slice %arg4[%arg0, %add3A_232, %dma_start3A_239] : memref<2x10240x128xf32, #tpu.memory_space<hbm>> -> memref<1x40x128xf32, #tpu.memory_space<hbm>>
      %dma_start3A_241 = tpu.memref_squeeze %dma_start3A_240 : memref<1x40x128xf32, #tpu.memory_space<hbm>> -> memref<40x128xf32, #tpu.memory_space<hbm>>
      %dma_start3A_242 = arith.constant 0 : i32
      %dma_start3A_243 = arith.constant 0 : i32
      %dma_start3A_244 = tpu.memref_slice %arg6[%dma_start3A_242, %dma_start3A_243] : memref<40x128xf32, #tpu.memory_space<vmem>> -> memref<40x128xf32, #tpu.memory_space<vmem>>
      tpu.enqueue_dma source(%dma_start3A_244 : memref<40x128xf32, #tpu.memory_space<vmem>>) target(%dma_start3A_241 : memref<40x128xf32, #tpu.memory_space<hbm>>) target_semaphore(%run_scoped3A : memref<!tpu.dma_semaphore, #tpu.memory_space<semaphore_mem>>)
      %dma_wait3A_245 = arith.constant 0 : i32
      %dma_wait3A_246 = arith.constant 0 : i32
      %dma_wait3A_247 = tpu.memref_slice %arg6[%dma_wait3A_245, %dma_wait3A_246] : memref<40x128xf32, #tpu.memory_space<vmem>> -> memref<40x128xf32, #tpu.memory_space<vmem>>
      %dma_wait3A_248 = arith.constant 0 : i32
      %dma_wait3A_249 = tpu.memref_slice %arg4[%arg0, %add3A_232, %dma_wait3A_248] : memref<2x10240x128xf32, #tpu.memory_space<hbm>> -> memref<1x40x128xf32, #tpu.memory_space<hbm>>
      %dma_wait3A_250 = tpu.memref_squeeze %dma_wait3A_249 : memref<1x40x128xf32, #tpu.memory_space<hbm>> -> memref<40x128xf32, #tpu.memory_space<hbm>>
      %dma_wait3A_251 = arith.constant 0 : i32
      %dma_wait3A_252 = tpu.memref_slice %arg4[%arg0, %add3A_232, %dma_wait3A_251] : memref<2x10240x128xf32, #tpu.memory_space<hbm>> -> memref<1x40x128xf32, #tpu.memory_space<hbm>>
      %dma_wait3A_253 = tpu.memref_squeeze %dma_wait3A_252 : memref<1x40x128xf32, #tpu.memory_space<hbm>> -> memref<40x128xf32, #tpu.memory_space<hbm>>
      %dma_wait3A_254 = arith.constant 0 : i32
      %dma_wait3A_255 = arith.constant 0 : i32
      %dma_wait3A_256 = tpu.memref_slice %arg6[%dma_wait3A_254, %dma_wait3A_255] : memref<40x128xf32, #tpu.memory_space<vmem>> -> memref<40x128xf32, #tpu.memory_space<vmem>>
      tpu.wait_dma2 semaphore(%run_scoped3A : memref<!tpu.dma_semaphore, #tpu.memory_space<semaphore_mem>>) src(%dma_wait3A_256 : memref<40x128xf32, #tpu.memory_space<vmem>>) dst(%dma_wait3A_253 : memref<40x128xf32, #tpu.memory_space<hbm>>)
      tpu.yield
    }) : () -> ()
    return
  }
}

#map = affine_map<(d0, d1) -> (0)>
#map1 = affine_map<(d0, d1) -> (0, 0)>
module attributes {stable_mosaic.version = 14 : i64} {
  func.func @deg_kernel(%arg0: i32, %arg1: i32, %arg2: memref<640000xi32, #tpu.memory_space<hbm>>, %arg3: memref<32x10240xf32, #tpu.memory_space<hbm>>, %arg4: memref<32x10240xf32, #tpu.memory_space<hbm>>, %arg5: memref<10000xi32, #tpu.memory_space<vmem>>, %arg6: memref<10000xi32, #tpu.memory_space<vmem>>, %arg7: memref<10240xf32, #tpu.memory_space<vmem>>, %arg8: memref<10240xf32, #tpu.memory_space<vmem>>) attributes {dimension_semantics = [#tpu.dimension_semantics<core_parallel>, #tpu.dimension_semantics<subcore_parallel>], iteration_bounds = array<i64: 2, 16>, scalar_prefetch = 0 : i64, scratch_operands = 4 : i64, tpu.core_type = #tpu.core_type<sc_vector_subcore>, window_params = [{transform_indices = #map}, {transform_indices = #map1}, {transform_indices = #map1}]} {
    %mul3A = arith.constant 2 : i32
    %mul3A_0 = arith.muli %arg1, %mul3A : i32
    %add3A = arith.addi %mul3A_0, %arg0 : i32
    %mul3A_1 = arith.constant 10000 : i32
    %mul3A_2 = arith.muli %add3A, %mul3A_1 : i32
    "tpu.region"() ({
      %run_scoped3A = tpu.sem_alloc : memref<!tpu.dma_semaphore, #tpu.memory_space<semaphore_mem>>
      %dma_start3A = tpu.memref_slice %arg2[%mul3A_2] : memref<640000xi32, #tpu.memory_space<hbm>> -> memref<10000xi32, #tpu.memory_space<hbm>>
      %dma_start3A_22 = tpu.memref_slice %arg2[%mul3A_2] : memref<640000xi32, #tpu.memory_space<hbm>> -> memref<10000xi32, #tpu.memory_space<hbm>>
      tpu.enqueue_dma source(%dma_start3A_22 : memref<10000xi32, #tpu.memory_space<hbm>>) target(%arg5 : memref<10000xi32, #tpu.memory_space<vmem>>) target_semaphore(%run_scoped3A : memref<!tpu.dma_semaphore, #tpu.memory_space<semaphore_mem>>)
      %dma_wait3A = tpu.memref_slice %arg2[%mul3A_2] : memref<640000xi32, #tpu.memory_space<hbm>> -> memref<10000xi32, #tpu.memory_space<hbm>>
      %dma_wait3A_23 = tpu.memref_slice %arg2[%mul3A_2] : memref<640000xi32, #tpu.memory_space<hbm>> -> memref<10000xi32, #tpu.memory_space<hbm>>
      tpu.wait_dma2 semaphore(%run_scoped3A : memref<!tpu.dma_semaphore, #tpu.memory_space<semaphore_mem>>) src(%dma_wait3A_23 : memref<10000xi32, #tpu.memory_space<hbm>>) dst(%arg5 : memref<10000xi32, #tpu.memory_space<vmem>>)
      tpu.yield
    }) : () -> ()
    %add3A_3 = arith.constant 320000 : i32
    %add3A_4 = arith.addi %add3A_3, %mul3A_2 : i32
    "tpu.region"() ({
      %run_scoped3A = tpu.sem_alloc : memref<!tpu.dma_semaphore, #tpu.memory_space<semaphore_mem>>
      %dma_start3A = tpu.memref_slice %arg2[%add3A_4] : memref<640000xi32, #tpu.memory_space<hbm>> -> memref<10000xi32, #tpu.memory_space<hbm>>
      %dma_start3A_22 = tpu.memref_slice %arg2[%add3A_4] : memref<640000xi32, #tpu.memory_space<hbm>> -> memref<10000xi32, #tpu.memory_space<hbm>>
      tpu.enqueue_dma source(%dma_start3A_22 : memref<10000xi32, #tpu.memory_space<hbm>>) target(%arg6 : memref<10000xi32, #tpu.memory_space<vmem>>) target_semaphore(%run_scoped3A : memref<!tpu.dma_semaphore, #tpu.memory_space<semaphore_mem>>)
      %dma_wait3A = tpu.memref_slice %arg2[%add3A_4] : memref<640000xi32, #tpu.memory_space<hbm>> -> memref<10000xi32, #tpu.memory_space<hbm>>
      %dma_wait3A_23 = tpu.memref_slice %arg2[%add3A_4] : memref<640000xi32, #tpu.memory_space<hbm>> -> memref<10000xi32, #tpu.memory_space<hbm>>
      tpu.wait_dma2 semaphore(%run_scoped3A : memref<!tpu.dma_semaphore, #tpu.memory_space<semaphore_mem>>) src(%dma_wait3A_23 : memref<10000xi32, #tpu.memory_space<hbm>>) dst(%arg6 : memref<10000xi32, #tpu.memory_space<vmem>>)
      tpu.yield
    }) : () -> ()
    %broadcast_in_dim3A = arith.constant 0.000000e+00 : f32
    %broadcast_in_dim3A_5 = vector.broadcast %broadcast_in_dim3A : f32 to vector<16xf32>
    %scan3A = arith.constant 0 : i32
    %scan3A_6 = arith.constant 0 : i32
    %scan3A_7 = arith.constant 80 : i32
    %scan3A_8 = arith.addi %scan3A_6, %scan3A_7 : i32
    %scan3A_9 = arith.constant 1 : i32
    scf.for %scan3A_22 = %scan3A_6 to %scan3A_8 step %scan3A_9  : i32 {
      %mul3A_23 = arith.constant 8 : i32
      %mul3A_24 = arith.muli %scan3A_22, %mul3A_23 : i32
      %mul3A_25 = arith.constant 16 : i32
      %mul3A_26 = arith.muli %mul3A_24, %mul3A_25 : i32
      %add3A_27 = arith.constant 0 : i32
      %add3A_28 = arith.addi %mul3A_26, %add3A_27 : i32
      %swap3A = arith.index_cast %add3A_28 : i32 to index
      %swap3A_29 = tpu.vector_load %arg7[%swap3A] {strides = array<i32>} : memref<10240xf32, #tpu.memory_space<vmem>>, vector<16xf32>,
      tpu.vector_store %arg7[%swap3A], %broadcast_in_dim3A_5 {strides = array<i32>} : memref<10240xf32, #tpu.memory_space<vmem>>, vector<16xf32>,
      %mul3A_30 = arith.constant 8 : i32
      %mul3A_31 = arith.muli %scan3A_22, %mul3A_30 : i32
      %mul3A_32 = arith.constant 16 : i32
      %mul3A_33 = arith.muli %mul3A_31, %mul3A_32 : i32
      %add3A_34 = arith.constant 0 : i32
      %add3A_35 = arith.addi %mul3A_33, %add3A_34 : i32
      %swap3A_36 = arith.index_cast %add3A_35 : i32 to index
      %swap3A_37 = tpu.vector_load %arg8[%swap3A_36] {strides = array<i32>} : memref<10240xf32, #tpu.memory_space<vmem>>, vector<16xf32>,
      tpu.vector_store %arg8[%swap3A_36], %broadcast_in_dim3A_5 {strides = array<i32>} : memref<10240xf32, #tpu.memory_space<vmem>>, vector<16xf32>,
      %mul3A_38 = arith.constant 8 : i32
      %mul3A_39 = arith.muli %scan3A_22, %mul3A_38 : i32
      %mul3A_40 = arith.constant 16 : i32
      %mul3A_41 = arith.muli %mul3A_39, %mul3A_40 : i32
      %add3A_42 = arith.constant 16 : i32
      %add3A_43 = arith.addi %mul3A_41, %add3A_42 : i32
      %swap3A_44 = arith.index_cast %add3A_43 : i32 to index
      %swap3A_45 = tpu.vector_load %arg7[%swap3A_44] {strides = array<i32>} : memref<10240xf32, #tpu.memory_space<vmem>>, vector<16xf32>,
      tpu.vector_store %arg7[%swap3A_44], %broadcast_in_dim3A_5 {strides = array<i32>} : memref<10240xf32, #tpu.memory_space<vmem>>, vector<16xf32>,
      %mul3A_46 = arith.constant 8 : i32
      %mul3A_47 = arith.muli %scan3A_22, %mul3A_46 : i32
      %mul3A_48 = arith.constant 16 : i32
      %mul3A_49 = arith.muli %mul3A_47, %mul3A_48 : i32
      %add3A_50 = arith.constant 16 : i32
      %add3A_51 = arith.addi %mul3A_49, %add3A_50 : i32
      %swap3A_52 = arith.index_cast %add3A_51 : i32 to index
      %swap3A_53 = tpu.vector_load %arg8[%swap3A_52] {strides = array<i32>} : memref<10240xf32, #tpu.memory_space<vmem>>, vector<16xf32>,
      tpu.vector_store %arg8[%swap3A_52], %broadcast_in_dim3A_5 {strides = array<i32>} : memref<10240xf32, #tpu.memory_space<vmem>>, vector<16xf32>,
      %mul3A_54 = arith.constant 8 : i32
      %mul3A_55 = arith.muli %scan3A_22, %mul3A_54 : i32
      %mul3A_56 = arith.constant 16 : i32
      %mul3A_57 = arith.muli %mul3A_55, %mul3A_56 : i32
      %add3A_58 = arith.constant 32 : i32
      %add3A_59 = arith.addi %mul3A_57, %add3A_58 : i32
      %swap3A_60 = arith.index_cast %add3A_59 : i32 to index
      %swap3A_61 = tpu.vector_load %arg7[%swap3A_60] {strides = array<i32>} : memref<10240xf32, #tpu.memory_space<vmem>>, vector<16xf32>,
      tpu.vector_store %arg7[%swap3A_60], %broadcast_in_dim3A_5 {strides = array<i32>} : memref<10240xf32, #tpu.memory_space<vmem>>, vector<16xf32>,
      %mul3A_62 = arith.constant 8 : i32
      %mul3A_63 = arith.muli %scan3A_22, %mul3A_62 : i32
      %mul3A_64 = arith.constant 16 : i32
      %mul3A_65 = arith.muli %mul3A_63, %mul3A_64 : i32
      %add3A_66 = arith.constant 32 : i32
      %add3A_67 = arith.addi %mul3A_65, %add3A_66 : i32
      %swap3A_68 = arith.index_cast %add3A_67 : i32 to index
      %swap3A_69 = tpu.vector_load %arg8[%swap3A_68] {strides = array<i32>} : memref<10240xf32, #tpu.memory_space<vmem>>, vector<16xf32>,
      tpu.vector_store %arg8[%swap3A_68], %broadcast_in_dim3A_5 {strides = array<i32>} : memref<10240xf32, #tpu.memory_space<vmem>>, vector<16xf32>,
      %mul3A_70 = arith.constant 8 : i32
      %mul3A_71 = arith.muli %scan3A_22, %mul3A_70 : i32
      %mul3A_72 = arith.constant 16 : i32
      %mul3A_73 = arith.muli %mul3A_71, %mul3A_72 : i32
      %add3A_74 = arith.constant 48 : i32
      %add3A_75 = arith.addi %mul3A_73, %add3A_74 : i32
      %swap3A_76 = arith.index_cast %add3A_75 : i32 to index
      %swap3A_77 = tpu.vector_load %arg7[%swap3A_76] {strides = array<i32>} : memref<10240xf32, #tpu.memory_space<vmem>>, vector<16xf32>,
      tpu.vector_store %arg7[%swap3A_76], %broadcast_in_dim3A_5 {strides = array<i32>} : memref<10240xf32, #tpu.memory_space<vmem>>, vector<16xf32>,
      %mul3A_78 = arith.constant 8 : i32
      %mul3A_79 = arith.muli %scan3A_22, %mul3A_78 : i32
      %mul3A_80 = arith.constant 16 : i32
      %mul3A_81 = arith.muli %mul3A_79, %mul3A_80 : i32
      %add3A_82 = arith.constant 48 : i32
      %add3A_83 = arith.addi %mul3A_81, %add3A_82 : i32
      %swap3A_84 = arith.index_cast %add3A_83 : i32 to index
      %swap3A_85 = tpu.vector_load %arg8[%swap3A_84] {strides = array<i32>} : memref<10240xf32, #tpu.memory_space<vmem>>, vector<16xf32>,
      tpu.vector_store %arg8[%swap3A_84], %broadcast_in_dim3A_5 {strides = array<i32>} : memref<10240xf32, #tpu.memory_space<vmem>>, vector<16xf32>,
      %mul3A_86 = arith.constant 8 : i32
      %mul3A_87 = arith.muli %scan3A_22, %mul3A_86 : i32
      %mul3A_88 = arith.constant 16 : i32
      %mul3A_89 = arith.muli %mul3A_87, %mul3A_88 : i32
      %add3A_90 = arith.constant 64 : i32
      %add3A_91 = arith.addi %mul3A_89, %add3A_90 : i32
      %swap3A_92 = arith.index_cast %add3A_91 : i32 to index
      %swap3A_93 = tpu.vector_load %arg7[%swap3A_92] {strides = array<i32>} : memref<10240xf32, #tpu.memory_space<vmem>>, vector<16xf32>,
      tpu.vector_store %arg7[%swap3A_92], %broadcast_in_dim3A_5 {strides = array<i32>} : memref<10240xf32, #tpu.memory_space<vmem>>, vector<16xf32>,
      %mul3A_94 = arith.constant 8 : i32
      %mul3A_95 = arith.muli %scan3A_22, %mul3A_94 : i32
      %mul3A_96 = arith.constant 16 : i32
      %mul3A_97 = arith.muli %mul3A_95, %mul3A_96 : i32
      %add3A_98 = arith.constant 64 : i32
      %add3A_99 = arith.addi %mul3A_97, %add3A_98 : i32
      %swap3A_100 = arith.index_cast %add3A_99 : i32 to index
      %swap3A_101 = tpu.vector_load %arg8[%swap3A_100] {strides = array<i32>} : memref<10240xf32, #tpu.memory_space<vmem>>, vector<16xf32>,
      tpu.vector_store %arg8[%swap3A_100], %broadcast_in_dim3A_5 {strides = array<i32>} : memref<10240xf32, #tpu.memory_space<vmem>>, vector<16xf32>,
      %mul3A_102 = arith.constant 8 : i32
      %mul3A_103 = arith.muli %scan3A_22, %mul3A_102 : i32
      %mul3A_104 = arith.constant 16 : i32
      %mul3A_105 = arith.muli %mul3A_103, %mul3A_104 : i32
      %add3A_106 = arith.constant 80 : i32
      %add3A_107 = arith.addi %mul3A_105, %add3A_106 : i32
      %swap3A_108 = arith.index_cast %add3A_107 : i32 to index
      %swap3A_109 = tpu.vector_load %arg7[%swap3A_108] {strides = array<i32>} : memref<10240xf32, #tpu.memory_space<vmem>>, vector<16xf32>,
      tpu.vector_store %arg7[%swap3A_108], %broadcast_in_dim3A_5 {strides = array<i32>} : memref<10240xf32, #tpu.memory_space<vmem>>, vector<16xf32>,
      %mul3A_110 = arith.constant 8 : i32
      %mul3A_111 = arith.muli %scan3A_22, %mul3A_110 : i32
      %mul3A_112 = arith.constant 16 : i32
      %mul3A_113 = arith.muli %mul3A_111, %mul3A_112 : i32
      %add3A_114 = arith.constant 80 : i32
      %add3A_115 = arith.addi %mul3A_113, %add3A_114 : i32
      %swap3A_116 = arith.index_cast %add3A_115 : i32 to index
      %swap3A_117 = tpu.vector_load %arg8[%swap3A_116] {strides = array<i32>} : memref<10240xf32, #tpu.memory_space<vmem>>, vector<16xf32>,
      tpu.vector_store %arg8[%swap3A_116], %broadcast_in_dim3A_5 {strides = array<i32>} : memref<10240xf32, #tpu.memory_space<vmem>>, vector<16xf32>,
      %mul3A_118 = arith.constant 8 : i32
      %mul3A_119 = arith.muli %scan3A_22, %mul3A_118 : i32
      %mul3A_120 = arith.constant 16 : i32
      %mul3A_121 = arith.muli %mul3A_119, %mul3A_120 : i32
      %add3A_122 = arith.constant 96 : i32
      %add3A_123 = arith.addi %mul3A_121, %add3A_122 : i32
      %swap3A_124 = arith.index_cast %add3A_123 : i32 to index
      %swap3A_125 = tpu.vector_load %arg7[%swap3A_124] {strides = array<i32>} : memref<10240xf32, #tpu.memory_space<vmem>>, vector<16xf32>,
      tpu.vector_store %arg7[%swap3A_124], %broadcast_in_dim3A_5 {strides = array<i32>} : memref<10240xf32, #tpu.memory_space<vmem>>, vector<16xf32>,
      %mul3A_126 = arith.constant 8 : i32
      %mul3A_127 = arith.muli %scan3A_22, %mul3A_126 : i32
      %mul3A_128 = arith.constant 16 : i32
      %mul3A_129 = arith.muli %mul3A_127, %mul3A_128 : i32
      %add3A_130 = arith.constant 96 : i32
      %add3A_131 = arith.addi %mul3A_129, %add3A_130 : i32
      %swap3A_132 = arith.index_cast %add3A_131 : i32 to index
      %swap3A_133 = tpu.vector_load %arg8[%swap3A_132] {strides = array<i32>} : memref<10240xf32, #tpu.memory_space<vmem>>, vector<16xf32>,
      tpu.vector_store %arg8[%swap3A_132], %broadcast_in_dim3A_5 {strides = array<i32>} : memref<10240xf32, #tpu.memory_space<vmem>>, vector<16xf32>,
      %mul3A_134 = arith.constant 8 : i32
      %mul3A_135 = arith.muli %scan3A_22, %mul3A_134 : i32
      %mul3A_136 = arith.constant 16 : i32
      %mul3A_137 = arith.muli %mul3A_135, %mul3A_136 : i32
      %add3A_138 = arith.constant 112 : i32
      %add3A_139 = arith.addi %mul3A_137, %add3A_138 : i32
      %swap3A_140 = arith.index_cast %add3A_139 : i32 to index
      %swap3A_141 = tpu.vector_load %arg7[%swap3A_140] {strides = array<i32>} : memref<10240xf32, #tpu.memory_space<vmem>>, vector<16xf32>,
      tpu.vector_store %arg7[%swap3A_140], %broadcast_in_dim3A_5 {strides = array<i32>} : memref<10240xf32, #tpu.memory_space<vmem>>, vector<16xf32>,
      %mul3A_142 = arith.constant 8 : i32
      %mul3A_143 = arith.muli %scan3A_22, %mul3A_142 : i32
      %mul3A_144 = arith.constant 16 : i32
      %mul3A_145 = arith.muli %mul3A_143, %mul3A_144 : i32
      %add3A_146 = arith.constant 112 : i32
      %add3A_147 = arith.addi %mul3A_145, %add3A_146 : i32
      %swap3A_148 = arith.index_cast %add3A_147 : i32 to index
      %swap3A_149 = tpu.vector_load %arg8[%swap3A_148] {strides = array<i32>} : memref<10240xf32, #tpu.memory_space<vmem>>, vector<16xf32>,
      tpu.vector_store %arg8[%swap3A_148], %broadcast_in_dim3A_5 {strides = array<i32>} : memref<10240xf32, #tpu.memory_space<vmem>>, vector<16xf32>,
    }
    %scan3A_10 = arith.constant 80 : i32
    %broadcast_in_dim3A_11 = arith.constant 1.000000e+00 : f32
    %broadcast_in_dim3A_12 = vector.broadcast %broadcast_in_dim3A_11 : f32 to vector<16xf32>
    %scan3A_13 = arith.constant 0 : i32
    %scan3A_14 = arith.constant 0 : i32
    %scan3A_15 = arith.constant 156 : i32
    %scan3A_16 = arith.addi %scan3A_14, %scan3A_15 : i32
    %scan3A_17 = arith.constant 1 : i32
    scf.for %scan3A_22 = %scan3A_14 to %scan3A_16 step %scan3A_17  : i32 {
      %mul3A_23 = arith.constant 4 : i32
      %mul3A_24 = arith.muli %scan3A_22, %mul3A_23 : i32
      %mul3A_25 = arith.constant 16 : i32
      %mul3A_26 = arith.muli %mul3A_24, %mul3A_25 : i32
      %add3A_27 = arith.constant 0 : i32
      %add3A_28 = arith.addi %mul3A_26, %add3A_27 : i32
      %get3A_29 = arith.index_cast %add3A_28 : i32 to index
      %get3A_30 = tpu.vector_load %arg5[%get3A_29] {strides = array<i32>} : memref<10000xi32, #tpu.memory_space<vmem>>, vector<16xi32>,
      tpu.vector_store_idx %arg7[%get3A_30], %broadcast_in_dim3A_12 {add = true} : memref<10240xf32, #tpu.memory_space<vmem>>[vector<16xi32>], vector<16xf32>,
      %mul3A_31 = arith.constant 4 : i32
      %mul3A_32 = arith.muli %scan3A_22, %mul3A_31 : i32
      %mul3A_33 = arith.constant 16 : i32
      %mul3A_34 = arith.muli %mul3A_32, %mul3A_33 : i32
      %add3A_35 = arith.constant 0 : i32
      %add3A_36 = arith.addi %mul3A_34, %add3A_35 : i32
      %get3A_37 = arith.index_cast %add3A_36 : i32 to index
      %get3A_38 = tpu.vector_load %arg6[%get3A_37] {strides = array<i32>} : memref<10000xi32, #tpu.memory_space<vmem>>, vector<16xi32>,
      tpu.vector_store_idx %arg8[%get3A_38], %broadcast_in_dim3A_12 {add = true} : memref<10240xf32, #tpu.memory_space<vmem>>[vector<16xi32>], vector<16xf32>,
      %mul3A_39 = arith.constant 4 : i32
      %mul3A_40 = arith.muli %scan3A_22, %mul3A_39 : i32
      %mul3A_41 = arith.constant 16 : i32
      %mul3A_42 = arith.muli %mul3A_40, %mul3A_41 : i32
      %add3A_43 = arith.constant 16 : i32
      %add3A_44 = arith.addi %mul3A_42, %add3A_43 : i32
      %get3A_45 = arith.index_cast %add3A_44 : i32 to index
      %get3A_46 = tpu.vector_load %arg5[%get3A_45] {strides = array<i32>} : memref<10000xi32, #tpu.memory_space<vmem>>, vector<16xi32>,
      tpu.vector_store_idx %arg7[%get3A_46], %broadcast_in_dim3A_12 {add = true} : memref<10240xf32, #tpu.memory_space<vmem>>[vector<16xi32>], vector<16xf32>,
      %mul3A_47 = arith.constant 4 : i32
      %mul3A_48 = arith.muli %scan3A_22, %mul3A_47 : i32
      %mul3A_49 = arith.constant 16 : i32
      %mul3A_50 = arith.muli %mul3A_48, %mul3A_49 : i32
      %add3A_51 = arith.constant 16 : i32
      %add3A_52 = arith.addi %mul3A_50, %add3A_51 : i32
      %get3A_53 = arith.index_cast %add3A_52 : i32 to index
      %get3A_54 = tpu.vector_load %arg6[%get3A_53] {strides = array<i32>} : memref<10000xi32, #tpu.memory_space<vmem>>, vector<16xi32>,
      tpu.vector_store_idx %arg8[%get3A_54], %broadcast_in_dim3A_12 {add = true} : memref<10240xf32, #tpu.memory_space<vmem>>[vector<16xi32>], vector<16xf32>,
      %mul3A_55 = arith.constant 4 : i32
      %mul3A_56 = arith.muli %scan3A_22, %mul3A_55 : i32
      %mul3A_57 = arith.constant 16 : i32
      %mul3A_58 = arith.muli %mul3A_56, %mul3A_57 : i32
      %add3A_59 = arith.constant 32 : i32
      %add3A_60 = arith.addi %mul3A_58, %add3A_59 : i32
      %get3A_61 = arith.index_cast %add3A_60 : i32 to index
      %get3A_62 = tpu.vector_load %arg5[%get3A_61] {strides = array<i32>} : memref<10000xi32, #tpu.memory_space<vmem>>, vector<16xi32>,
      tpu.vector_store_idx %arg7[%get3A_62], %broadcast_in_dim3A_12 {add = true} : memref<10240xf32, #tpu.memory_space<vmem>>[vector<16xi32>], vector<16xf32>,
      %mul3A_63 = arith.constant 4 : i32
      %mul3A_64 = arith.muli %scan3A_22, %mul3A_63 : i32
      %mul3A_65 = arith.constant 16 : i32
      %mul3A_66 = arith.muli %mul3A_64, %mul3A_65 : i32
      %add3A_67 = arith.constant 32 : i32
      %add3A_68 = arith.addi %mul3A_66, %add3A_67 : i32
      %get3A_69 = arith.index_cast %add3A_68 : i32 to index
      %get3A_70 = tpu.vector_load %arg6[%get3A_69] {strides = array<i32>} : memref<10000xi32, #tpu.memory_space<vmem>>, vector<16xi32>,
      tpu.vector_store_idx %arg8[%get3A_70], %broadcast_in_dim3A_12 {add = true} : memref<10240xf32, #tpu.memory_space<vmem>>[vector<16xi32>], vector<16xf32>,
      %mul3A_71 = arith.constant 4 : i32
      %mul3A_72 = arith.muli %scan3A_22, %mul3A_71 : i32
      %mul3A_73 = arith.constant 16 : i32
      %mul3A_74 = arith.muli %mul3A_72, %mul3A_73 : i32
      %add3A_75 = arith.constant 48 : i32
      %add3A_76 = arith.addi %mul3A_74, %add3A_75 : i32
      %get3A_77 = arith.index_cast %add3A_76 : i32 to index
      %get3A_78 = tpu.vector_load %arg5[%get3A_77] {strides = array<i32>} : memref<10000xi32, #tpu.memory_space<vmem>>, vector<16xi32>,
      tpu.vector_store_idx %arg7[%get3A_78], %broadcast_in_dim3A_12 {add = true} : memref<10240xf32, #tpu.memory_space<vmem>>[vector<16xi32>], vector<16xf32>,
      %mul3A_79 = arith.constant 4 : i32
      %mul3A_80 = arith.muli %scan3A_22, %mul3A_79 : i32
      %mul3A_81 = arith.constant 16 : i32
      %mul3A_82 = arith.muli %mul3A_80, %mul3A_81 : i32
      %add3A_83 = arith.constant 48 : i32
      %add3A_84 = arith.addi %mul3A_82, %add3A_83 : i32
      %get3A_85 = arith.index_cast %add3A_84 : i32 to index
      %get3A_86 = tpu.vector_load %arg6[%get3A_85] {strides = array<i32>} : memref<10000xi32, #tpu.memory_space<vmem>>, vector<16xi32>,
      tpu.vector_store_idx %arg8[%get3A_86], %broadcast_in_dim3A_12 {add = true} : memref<10240xf32, #tpu.memory_space<vmem>>[vector<16xi32>], vector<16xf32>,
    }
    %scan3A_18 = arith.constant 156 : i32
    %get3A = arith.constant 9984 : index
    %get3A_19 = tpu.vector_load %arg5[%get3A] {strides = array<i32>} : memref<10000xi32, #tpu.memory_space<vmem>>, vector<16xi32>,
    tpu.vector_store_idx %arg7[%get3A_19], %broadcast_in_dim3A_12 {add = true} : memref<10240xf32, #tpu.memory_space<vmem>>[vector<16xi32>], vector<16xf32>,
    %get3A_20 = arith.constant 9984 : index
    %get3A_21 = tpu.vector_load %arg6[%get3A_20] {strides = array<i32>} : memref<10000xi32, #tpu.memory_space<vmem>>, vector<16xi32>,
    tpu.vector_store_idx %arg8[%get3A_21], %broadcast_in_dim3A_12 {add = true} : memref<10240xf32, #tpu.memory_space<vmem>>[vector<16xi32>], vector<16xf32>,
    "tpu.region"() ({
      %run_scoped3A = tpu.sem_alloc : memref<!tpu.dma_semaphore, #tpu.memory_space<semaphore_mem>>
      %dma_start3A = arith.constant 0 : i32
      %dma_start3A_22 = tpu.memref_slice %arg3[%add3A, %dma_start3A] : memref<32x10240xf32, #tpu.memory_space<hbm>> -> memref<1x10240xf32, #tpu.memory_space<hbm>>
      %dma_start3A_23 = tpu.memref_squeeze %dma_start3A_22 : memref<1x10240xf32, #tpu.memory_space<hbm>> -> memref<10240xf32, #tpu.memory_space<hbm>>
      %dma_start3A_24 = arith.constant 0 : i32
      %dma_start3A_25 = tpu.memref_slice %arg3[%add3A, %dma_start3A_24] : memref<32x10240xf32, #tpu.memory_space<hbm>> -> memref<1x10240xf32, #tpu.memory_space<hbm>>
      %dma_start3A_26 = tpu.memref_squeeze %dma_start3A_25 : memref<1x10240xf32, #tpu.memory_space<hbm>> -> memref<10240xf32, #tpu.memory_space<hbm>>
      tpu.enqueue_dma source(%arg7 : memref<10240xf32, #tpu.memory_space<vmem>>) target(%dma_start3A_26 : memref<10240xf32, #tpu.memory_space<hbm>>) target_semaphore(%run_scoped3A : memref<!tpu.dma_semaphore, #tpu.memory_space<semaphore_mem>>)
      %dma_wait3A = arith.constant 0 : i32
      %dma_wait3A_27 = tpu.memref_slice %arg3[%add3A, %dma_wait3A] : memref<32x10240xf32, #tpu.memory_space<hbm>> -> memref<1x10240xf32, #tpu.memory_space<hbm>>
      %dma_wait3A_28 = tpu.memref_squeeze %dma_wait3A_27 : memref<1x10240xf32, #tpu.memory_space<hbm>> -> memref<10240xf32, #tpu.memory_space<hbm>>
      %dma_wait3A_29 = arith.constant 0 : i32
      %dma_wait3A_30 = tpu.memref_slice %arg3[%add3A, %dma_wait3A_29] : memref<32x10240xf32, #tpu.memory_space<hbm>> -> memref<1x10240xf32, #tpu.memory_space<hbm>>
      %dma_wait3A_31 = tpu.memref_squeeze %dma_wait3A_30 : memref<1x10240xf32, #tpu.memory_space<hbm>> -> memref<10240xf32, #tpu.memory_space<hbm>>
      tpu.wait_dma2 semaphore(%run_scoped3A : memref<!tpu.dma_semaphore, #tpu.memory_space<semaphore_mem>>) src(%arg7 : memref<10240xf32, #tpu.memory_space<vmem>>) dst(%dma_wait3A_31 : memref<10240xf32, #tpu.memory_space<hbm>>)
      tpu.yield
    }) : () -> ()
    "tpu.region"() ({
      %run_scoped3A = tpu.sem_alloc : memref<!tpu.dma_semaphore, #tpu.memory_space<semaphore_mem>>
      %dma_start3A = arith.constant 0 : i32
      %dma_start3A_22 = tpu.memref_slice %arg4[%add3A, %dma_start3A] : memref<32x10240xf32, #tpu.memory_space<hbm>> -> memref<1x10240xf32, #tpu.memory_space<hbm>>
      %dma_start3A_23 = tpu.memref_squeeze %dma_start3A_22 : memref<1x10240xf32, #tpu.memory_space<hbm>> -> memref<10240xf32, #tpu.memory_space<hbm>>
      %dma_start3A_24 = arith.constant 0 : i32
      %dma_start3A_25 = tpu.memref_slice %arg4[%add3A, %dma_start3A_24] : memref<32x10240xf32, #tpu.memory_space<hbm>> -> memref<1x10240xf32, #tpu.memory_space<hbm>>
      %dma_start3A_26 = tpu.memref_squeeze %dma_start3A_25 : memref<1x10240xf32, #tpu.memory_space<hbm>> -> memref<10240xf32, #tpu.memory_space<hbm>>
      tpu.enqueue_dma source(%arg8 : memref<10240xf32, #tpu.memory_space<vmem>>) target(%dma_start3A_26 : memref<10240xf32, #tpu.memory_space<hbm>>) target_semaphore(%run_scoped3A : memref<!tpu.dma_semaphore, #tpu.memory_space<semaphore_mem>>)
      %dma_wait3A = arith.constant 0 : i32
      %dma_wait3A_27 = tpu.memref_slice %arg4[%add3A, %dma_wait3A] : memref<32x10240xf32, #tpu.memory_space<hbm>> -> memref<1x10240xf32, #tpu.memory_space<hbm>>
      %dma_wait3A_28 = tpu.memref_squeeze %dma_wait3A_27 : memref<1x10240xf32, #tpu.memory_space<hbm>> -> memref<10240xf32, #tpu.memory_space<hbm>>
      %dma_wait3A_29 = arith.constant 0 : i32
      %dma_wait3A_30 = tpu.memref_slice %arg4[%add3A, %dma_wait3A_29] : memref<32x10240xf32, #tpu.memory_space<hbm>> -> memref<1x10240xf32, #tpu.memory_space<hbm>>
      %dma_wait3A_31 = tpu.memref_squeeze %dma_wait3A_30 : memref<1x10240xf32, #tpu.memory_space<hbm>> -> memref<10240xf32, #tpu.memory_space<hbm>>
      tpu.wait_dma2 semaphore(%run_scoped3A : memref<!tpu.dma_semaphore, #tpu.memory_space<semaphore_mem>>) src(%arg8 : memref<10240xf32, #tpu.memory_space<vmem>>) dst(%dma_wait3A_31 : memref<10240xf32, #tpu.memory_space<hbm>>)
      tpu.yield
    }) : () -> ()
    return
  }
}

module attributes {stable_mosaic.version = 14 : i64} {
  func.func @_fin_body(%arg0: i32, %arg1: memref<2x2048x128xf32, #tpu.memory_space<vmem>>, %arg2: memref<32x2048xf32, #tpu.memory_space<vmem>>, %arg3: memref<128xf32, #tpu.memory_space<vmem>>, %arg4: memref<2048x128xf32, #tpu.memory_space<vmem>>) attributes {dimension_semantics = [#tpu.dimension_semantics<arbitrary>], iteration_bounds = array<i64: 5>, scalar_prefetch = 0 : i64, scratch_operands = 0 : i64, tpu.core_type = #tpu.core_type<tc>, window_params = [{transform_indices = @transform_0, window_bounds = array<i64: 2, 2048, 128>}, {transform_indices = @transform_1, window_bounds = array<i64: 32, 2048>}, {pipeline_mode = #tpu.pipeline_mode<synchronous>, transform_indices = @transform_2, window_bounds = array<i64: 128>}, {transform_indices = @transform_3, window_bounds = array<i64: 2048, 128>}]} {
    %get3A = arith.constant 0 : index
    %get3A_0 = arith.constant 0 : index
    %get3A_1 = arith.constant 0 : index
    %get3A_2 = vector.load %arg1[%get3A, %get3A_0, %get3A_1] : memref<2x2048x128xf32, #tpu.memory_space<vmem>>, vector<1x2048x128xf32>
    %get3A_3 = vector.shape_cast %get3A_2 : vector<1x2048x128xf32> to vector<2048x128xf32>
    %get3A_4 = arith.constant 1 : index
    %get3A_5 = arith.constant 0 : index
    %get3A_6 = arith.constant 0 : index
    %get3A_7 = vector.load %arg1[%get3A_4, %get3A_5, %get3A_6] : memref<2x2048x128xf32, #tpu.memory_space<vmem>>, vector<1x2048x128xf32>
    %get3A_8 = vector.shape_cast %get3A_7 : vector<1x2048x128xf32> to vector<2048x128xf32>
    %add3A = arith.addf %get3A_3, %get3A_8 : vector<2048x128xf32>
    %get3A_9 = arith.constant 0 : index
    %get3A_10 = arith.constant 0 : index
    %get3A_11 = vector.load %arg2[%get3A_9, %get3A_10] : memref<32x2048xf32, #tpu.memory_space<vmem>>, vector<32x2048xf32>
    %reduce_sum3A = arith.constant dense<0.000000e+00> : vector<2048xf32>
    %reduce_sum3A_12 = vector.multi_reduction <add>, %get3A_11, %reduce_sum3A [0] : vector<32x2048xf32> to vector<2048xf32>
    %max3A = arith.constant 1.000000e+00 : f32
    %max3A_13 = vector.broadcast %max3A : f32 to vector<2048xf32>
    %max3A_14 = arith.maximumf %reduce_sum3A_12, %max3A_13 : vector<2048xf32>
    %rsqrt3A = math.rsqrt %max3A_14 : vector<2048xf32>
    %broadcast_in_dim3A = vector.shape_cast %rsqrt3A : vector<2048xf32> to vector<2048x1xf32>
    %mul3A = vector.broadcast %broadcast_in_dim3A : vector<2048x1xf32> to vector<2048x128xf32>
    %mul3A_15 = arith.mulf %add3A, %mul3A : vector<2048x128xf32>
    %get3A_16 = arith.constant 0 : index
    %get3A_17 = vector.load %arg3[%get3A_16] : memref<128xf32, #tpu.memory_space<vmem>>, vector<128xf32>
    %broadcast_in_dim3A_18 = vector.shape_cast %get3A_17 : vector<128xf32> to vector<1x128xf32>
    %add3A_19 = vector.broadcast %broadcast_in_dim3A_18 : vector<1x128xf32> to vector<2048x128xf32>
    %add3A_20 = arith.addf %mul3A_15, %add3A_19 : vector<2048x128xf32>
    %swap3A = arith.constant 0 : index
    %swap3A_21 = arith.constant 0 : index
    %swap3A_22 = vector.load %arg4[%swap3A, %swap3A_21] : memref<2048x128xf32, #tpu.memory_space<vmem>>, vector<2048x128xf32>
    tpu.vector_store %arg4[%swap3A, %swap3A_21], %add3A_20 {strides = array<i32>} : memref<2048x128xf32, #tpu.memory_space<vmem>>, vector<2048x128xf32>,
    return
  }
  func.func @transform_0(%arg0: i32) -> (i32, i32, i32) {
    %c0_i32 = arith.constant 0 : i32
    %c0_i32_0 = arith.constant 0 : i32
    %c0_i32_1 = arith.constant 0 : i32
    return %c0_i32, %arg0, %c0_i32_0 : i32, i32, i32
  }
  func.func @transform_1(%arg0: i32) -> (i32, i32) {
    %c0_i32 = arith.constant 0 : i32
    %c0_i32_0 = arith.constant 0 : i32
    return %c0_i32, %arg0 : i32, i32
  }
  func.func @transform_2(%arg0: i32) -> i32 {
    %c0_i32 = arith.constant 0 : i32
    %c0_i32_0 = arith.constant 0 : i32
    return %c0_i32 : i32
  }
  func.func @transform_3(%arg0: i32) -> (i32, i32) {
    %c0_i32 = arith.constant 0 : i32
    %c0_i32_0 = arith.constant 0 : i32
    return %arg0, %c0_i32 : i32, i32
  }
}

module attributes {stable_mosaic.version = 14 : i64} {
  func.func @_mm_body(%arg0: i32, %arg1: memref<2048x128xf32, #tpu.memory_space<vmem>>, %arg2: memref<128x128xf32, #tpu.memory_space<vmem>>, %arg3: memref<32x2048xf32, #tpu.memory_space<vmem>>, %arg4: memref<2048x128xf32, #tpu.memory_space<vmem>>) attributes {dimension_semantics = [#tpu.dimension_semantics<arbitrary>], iteration_bounds = array<i64: 5>, scalar_prefetch = 0 : i64, scratch_operands = 0 : i64, tpu.core_type = #tpu.core_type<tc>, window_params = [{transform_indices = @transform_0, window_bounds = array<i64: 2048, 128>}, {pipeline_mode = #tpu.pipeline_mode<synchronous>, transform_indices = @transform_1, window_bounds = array<i64: 128, 128>}, {transform_indices = @transform_2, window_bounds = array<i64: 32, 2048>}, {transform_indices = @transform_3, window_bounds = array<i64: 2048, 128>}]} {
    %get3A = arith.constant 0 : index
    %get3A_0 = arith.constant 0 : index
    %get3A_1 = vector.load %arg3[%get3A, %get3A_0] : memref<32x2048xf32, #tpu.memory_space<vmem>>, vector<32x2048xf32>
    %reduce_sum3A = arith.constant dense<0.000000e+00> : vector<2048xf32>
    %reduce_sum3A_2 = vector.multi_reduction <add>, %get3A_1, %reduce_sum3A [0] : vector<32x2048xf32> to vector<2048xf32>
    %max3A = arith.constant 1.000000e+00 : f32
    %max3A_3 = vector.broadcast %max3A : f32 to vector<2048xf32>
    %max3A_4 = arith.maximumf %reduce_sum3A_2, %max3A_3 : vector<2048xf32>
    %rsqrt3A = math.rsqrt %max3A_4 : vector<2048xf32>
    %get3A_5 = arith.constant 0 : index
    %get3A_6 = arith.constant 0 : index
    %get3A_7 = vector.load %arg1[%get3A_5, %get3A_6] : memref<2048x128xf32, #tpu.memory_space<vmem>>, vector<2048x128xf32>
    %broadcast_in_dim3A = vector.shape_cast %rsqrt3A : vector<2048xf32> to vector<2048x1xf32>
    %mul3A = vector.broadcast %broadcast_in_dim3A : vector<2048x1xf32> to vector<2048x128xf32>
    %mul3A_8 = arith.mulf %get3A_7, %mul3A : vector<2048x128xf32>
    %get3A_9 = arith.constant 0 : index
    %get3A_10 = arith.constant 0 : index
    %get3A_11 = vector.load %arg2[%get3A_9, %get3A_10] : memref<128x128xf32, #tpu.memory_space<vmem>>, vector<128x128xf32>
    %dot_general3A = arith.constant dense<0.000000e+00> : vector<2048x128xf32>
    %dot_general3A_12 = tpu.matmul %mul3A_8, %get3A_11, %dot_general3A {dimension_numbers = #tpu.dot_dimension_numbers<[1], [0], [0], [1], [0, 0, 1, 1], [], []>, precision = #tpu.contract_precision<fp32>, transpose_lhs_hint = false} : vector<2048x128xf32>, vector<128x128xf32>, vector<2048x128xf32> -> vector<2048x128xf32>
    %swap3A = arith.constant 0 : index
    %swap3A_13 = arith.constant 0 : index
    %swap3A_14 = vector.load %arg4[%swap3A, %swap3A_13] : memref<2048x128xf32, #tpu.memory_space<vmem>>, vector<2048x128xf32>
    tpu.vector_store %arg4[%swap3A, %swap3A_13], %dot_general3A_12 {strides = array<i32>} : memref<2048x128xf32, #tpu.memory_space<vmem>>, vector<2048x128xf32>,
    return
  }
  func.func @transform_0(%arg0: i32) -> (i32, i32) {
    %c0_i32 = arith.constant 0 : i32
    %c0_i32_0 = arith.constant 0 : i32
    return %arg0, %c0_i32 : i32, i32
  }
  func.func @transform_1(%arg0: i32) -> (i32, i32) {
    %c0_i32 = arith.constant 0 : i32
    %c0_i32_0 = arith.constant 0 : i32
    %c0_i32_1 = arith.constant 0 : i32
    return %c0_i32, %c0_i32_0 : i32, i32
  }
  func.func @transform_2(%arg0: i32) -> (i32, i32) {
    %c0_i32 = arith.constant 0 : i32
    %c0_i32_0 = arith.constant 0 : i32
    return %c0_i32, %arg0 : i32, i32
  }
  func.func @transform_3(%arg0: i32) -> (i32, i32) {
    %c0_i32 = arith.constant 0 : i32
    %c0_i32_0 = arith.constant 0 : i32
    return %arg0, %c0_i32 : i32, i32
  }
}

</mosaic_0001>

<sc_bundles>
// kernel: kernel.6.cloned.1.call-start
scs
__scs_entry_jumppad:
0x0: {  	(pc) =	sbr.rel $0x88, $3  }
0x1: {  	(tag) =	ssettag $0x0;
	lr =	simm.s32 $0x1  }
0x2: {  	[smem:$0x3F9D] =	sst lr;
	_ =	strace $0xD0000000  }
0x3: {  	_ = 	snop  }
0x4: {  	_ = 	snop  }
0x5: {  	_ = 	snop  }
0x6: {  	_ = 	snop  }
0x7: {  	_ = 	snop  }
__scs_overlays_trampoline_lowered:
0x8: {  	[smem:$0x3FAC] =	sst s0  }
0x9: {  	[smem:$0x3FAD] =	sst s1  }
0xa: {  	[smem:$0x3FAE] =	sst s2  }
0xb: {  	[smem:$0x3FAF] =	sst s3  }
0xc: {  	[smem:$0x3FB0] =	sst s4  }
0xd: {  	[smem:$0x3FB1] =	sst s5  }
0xe: {  	[smem:$0x3FB2] =	sst s6  }
0xf: {  	[smem:$0x3FB3] =	sst s7  }
0x10: {  	[smem:$0x3FB4] =	sst s8  }
0x11: {  	[smem:$0x3FB5] =	sst s9;
	s0 =	simm.s32 @!p0 $0x0  }
0x12: {  	s1 =	sld [smem:$0x3F9B];
	s0 =	simm.s32 @p0 $0x1  }
0x13: {  	[smem:$0x3FB6] =	sst s0;
	s0 =	simm.s32 @!p1 $0x0  }
0x14: {  	s2 =	sld [smem:$0x3F9A];
	s0 =	simm.s32 @p1 $0x1  }
0x15: {  	[smem:$0x3FB7] =	sst s0;
	s0 =	simm.s32 @!p2 $0x0  }
0x16: {  	s3 =	sld [smem:$0x3FDB];
	s0 =	simm.s32 @p2 $0x1  }
0x17: {  	s4 =	simm.s32 $0x1BF5;
	[smem:$0x3FB9] =	sst s0  }
0x18: {  	s0 =	sld [smem:$0x3F9C];
	_ =	swait.ge [sflag:s4], $0x0  }
0x19: {  	s7 =	sld [smem:$0x3F9D]  }
0x1a: {  	s8 =	sadd.s32 $0xFFFFE003, lr  }
0x1b: {  	s9 =	sadd.s32 $0xFFFFFEF7, lr;
	s5 =	simm.s32 $0xFFFFFFFF;
	p2 =	slt.u32 s8, $0xFFFFF086  }
0x1c: {  	p1 =	slt.u32 s9, $0xF7A;
	s5 =	simm.s32 @!p2 $0x0  }
0x1d: {  	s5 =	simm.s32 @p1 $0x1;
	p0 =	seq.s32 s7, s2  }
0x1e: {  	s7 =	smul.u32 @!p0 $0xF7A, s2;
	p2 =	seq.s32 @!p0 s5, $0x0  }
0x1f: {  	s9 =	smul.u32 $0xF7A, s1;
	s8 =	simm.s32 @!p0 $0x1BF5;
	p2 =	por !p2, p0  }
0x20: {  	[sflag:s8] =	ssyncset.s32 @!p0 $0xFFFFF086;
	s6 =	sadd.s32 @!p0 s3, s7;
	s7 =	simm.s32 @!p0 $0x108  }
0x21: {  	s3 =	sadd.s32 s3, s9;
	s6 =	sadd.s32 @!p0 $0x88, s6;
	s7 =	simm.s32 @p2 $0x1082  }
0x22: {  	[simem:s7], [sflag:s8] =	dma.local @!p0 [hbm:s6], $0xF7A  }
0x23: {  	s9 =	sor.u32 $0xD0000000, s2;
	s6 =	simm.s32 $0x108;
	_ =	swait.ge @!p0 [sflag:s8], $0x0  }
0x24: {  	s3 =	sadd.s32 $0x88, s3;
	s6 =	simm.s32 @!p1 $0x1082;
	[sflag:s4] =	ssyncset.s32 $0xFFFFF086  }
0x25: {  	[simem:s6], [sflag:s4] =	dma.local [hbm:s3], $0xF7A  }
0x26: {  	[smem:$0x3F9D] =	sst s1;
	(tag) =	ssettag s2;
	_ =	strace s9  }
0x27: {  	s1 =	sld [smem:$0x3FAD]  }
0x28: {  	s2 =	sld [smem:$0x3FAE]  }
0x29: {  	s4 =	sld [smem:$0x3FB0]  }
0x2a: {  	p0 =	seq.s32 s5, $0x0;
	s5 =	sld [smem:$0x3FB1]  }
0x2b: {  	s6 =	sld [smem:$0x3FB2]  }
0x2c: {  	s7 =	sld [smem:$0x3FB3]  }
0x2d: {  	s3 =	simm.s32 $0x108;
	s8 =	sld [smem:$0x3FB4]  }
0x2e: {  	s3 =	simm.s32 @!p0 $0x1082;
	s9 =	sld [smem:$0x3FB5]  }
0x2f: {  	lr =	sadd.s32 s0, s3;
	s0 =	sld [smem:$0x3FAC]  }
0x30: {  	s3 =	sld [smem:$0x3FAF]  }
0x31: {  	[smem:$0x3FB8] =	sst s10  }
0x32: {  	s10 =	sld [smem:$0x3FB6];
	_ =	sdelay $0x3  }
0x33: {  	p0 =	seq.s32 s10, $0x1;
	s10 =	sld [smem:$0x3FB8];
	_ =	sdelay $0x3  }
0x34: {  	[smem:$0x3FB8] =	sst s10  }
0x35: {  	s10 =	sld [smem:$0x3FB7];
	_ =	sdelay $0x3  }
0x36: {  	p1 =	seq.s32 s10, $0x1;
	s10 =	sld [smem:$0x3FB8];
	_ =	sdelay $0x3  }
0x37: {  	[smem:$0x3FB8] =	sst s10  }
0x38: {  	s10 =	sld [smem:$0x3FB9]  }
0x39: {  	_ = 	snop;
	(pc) =	sbr.ind lr, $3  }
0x3a: {  	_ = 	snop  }
0x3b: {  	_ = 	snop  }
0x3c: {  	p2 =	seq.s32 s10, $0x1;
	s10 =	sld [smem:$0x3FB8]  }
0x3d: {  	_ =	shalt  }
0x3e: {  	_ =	shalt  }
0x3f: {  	_ =	shalt  }
0x40: {  	_ =	shalt  }
0x41: {  	_ =	shalt  }
0x42: {  	_ =	shalt  }
0x43: {  	_ =	shalt  }
0x44: {  	_ =	shalt  }
0x45: {  	_ =	shalt  }
0x46: {  	_ =	shalt  }
0x47: {  	_ =	shalt  }
0x48: {  	_ =	shalt  }
0x49: {  	_ =	shalt  }
0x4a: {  	_ =	shalt  }
0x4b: {  	_ =	shalt  }
0x4c: {  	_ =	shalt  }
0x4d: {  	_ =	shalt  }
0x4e: {  	_ =	shalt  }
0x4f: {  	_ =	shalt  }
0x50: {  	_ =	shalt  }
0x51: {  	_ =	shalt  }
0x52: {  	_ =	shalt  }
0x53: {  	_ =	shalt  }
0x54: {  	_ =	shalt  }
0x55: {  	_ =	shalt  }
0x56: {  	_ =	shalt  }
0x57: {  	_ =	shalt  }
0x58: {  	_ =	shalt  }
0x59: {  	_ =	shalt  }
0x5a: {  	_ =	shalt  }
0x5b: {  	_ =	shalt  }
0x5c: {  	_ =	shalt  }
0x5d: {  	_ =	shalt  }
0x5e: {  	_ =	shalt  }
0x5f: {  	_ =	shalt  }
0x60: {  	_ =	shalt  }
0x61: {  	_ =	shalt  }
0x62: {  	_ =	shalt  }
0x63: {  	_ =	shalt  }
0x64: {  	_ =	shalt  }
0x65: {  	_ =	shalt  }
0x66: {  	_ =	shalt  }
0x67: {  	_ =	shalt  }
0x68: {  	_ =	shalt  }
0x69: {  	_ =	shalt  }
0x6a: {  	_ =	shalt  }
0x6b: {  	_ =	shalt  }
0x6c: {  	_ =	shalt  }
0x6d: {  	_ =	shalt  }
0x6e: {  	_ =	shalt  }
0x6f: {  	_ =	shalt  }
0x70: {  	_ =	shalt  }
0x71: {  	_ =	shalt  }
0x72: {  	_ =	shalt  }
0x73: {  	_ =	shalt  }
0x74: {  	_ =	shalt  }
0x75: {  	_ =	shalt  }
0x76: {  	_ =	shalt  }
0x77: {  	_ =	shalt  }
0x78: {  	_ =	shalt  }
0x79: {  	_ =	shalt  }
0x7a: {  	_ =	shalt  }
0x7b: {  	_ =	shalt  }
0x7c: {  	_ =	shalt  }
0x7d: {  	_ =	shalt  }
0x7e: {  	_ =	shalt  }
0x7f: {  	_ =	shalt  }
0x80: {  	_ =	shalt  }
0x81: {  	_ =	shalt  }
0x82: {  	_ =	shalt  }
0x83: {  	_ =	shalt  }
0x84: {  	_ =	shalt  }
0x85: {  	_ =	shalt  }
0x86: {  	_ =	shalt  }
0x87: {  	_ =	shalt  }
.Lfunc_end0:
.L_simem_size_0:
called_computation_lowered:
.L_overlay_start_0:
0x88: {  	s2 =	sld [smem:$0x3FD9]  }
0x89: {  	s3 =	sld [smem:$0x3FFE];
	_ =	sdelay $0x1  }
0x8a: {  	s1 =	srdreg.scid  }
0x8b: {  	s0 =	sand.u32 $0x1, s1  }
0x8c: {  	s17 =	sshll.u32 s0, $0xA;
	s2 =	sadd.s32 s3, s2  }
0x8d: {  	s2 =	sadd.s32 s2, s17  }
0x8e: {  	[smem:$0x3FC4] =	sst s2  }
0x8f: {  	_ = 	snop  }
0x90: {  	s2 =	sld [smem:$0x3FD0];
	(tm) =	ssettm $0x1  }
0x91: {  	s18 =	sld [smem:$0x3FFB];
	_ =	sdelay $0x3  }
0x92: {  	_ =	strace s18  }
0x93: {  	s3 =	sld [smem:$0x3FFC];
	_ =	sdelay $0x3  }
0x94: {  	_ =	strace s3  }
0x95: {  	s3 =	sld [smem:$0x3FFD];
	_ =	sdelay $0x3  }
0x96: {  	_ =	strace s3  }
0x97: {  	_ =	strace $0x8FFFFFFF  }
0x98: {  	s19 =	sld [smem:$0x3FDB];
	_ =	sdelay $0x1  }
0x99: {  	s4 =	simm.s32 $_scs_section_size  }
0x9a: {  	s5 =	simm.s32 $_size__tile_overlayer_lowered;
	s6 =	simm.s32 $_tile_overlayer_lowered  }
0x9b: {  	s22 =	simm.s32 $0x1BFF;
	s21 =	sshll.u32 s6, $0x1;
	s3 =	sadd.s32 s4, s19  }
0x9c: {  	s7 =	simm.s32 $0x0;
	s20 =	sshll.u32 s5, $0x1;
	s5 =	sadd.s32 s21, s3  }
0x9d: {  	[timem:s7], [sflag:s22] =	dma.local [hbm:s5], s20  }
0x9e: {  	_ =	swait.ge [sflag:s22], s20  }
0x9f: {  	s4 =	ssub.s32 $0x0, s20;
	[sflag:s22] =	ssyncset.done $0x0  }
0xa0: {  	[sflag:s22] =	ssyncadd.s32 s4;
	_ =	sdelay $0x1  }
0xa1: {  	s23 =	simm.s32 $0x1B8B  }
0xa2: {  	_ =	swait.ge [sflag:s23], $0x1  }
0xa3: {  	[sflag:s23] =	ssyncset.done $0x0  }
0xa4: {  	s25 =	simm.s32 $0x1B8E;
	s24 =	sld [smem:$0x3FFE];
	[sflag:s23] =	ssyncadd.s32 $0xFFFFFFFF  }
0xa5: {  	s26 =	simm.s32 $execute0_lowered;
	[smem:$0x3FD2] =	sst s25  }
0xa6: {  	s5 =	sshll.u32 s26, $0x1;
	_ =	strace $0x80000046;
	[dreg:$0x1] =	wrdreg $0xFFFFFFFF  }
0xa7: {  	s28 =	simm.s32 $_size_execute0_lowered;
	s3 =	sadd.s32 s3, s5;
	[dreg:$0x0] =	wrdreg $0x0  }
0xa8: {  	s5 =	sshll.u32 s28, $0x1;
	[dreg:$0x2] =	wrdreg s3  }
0xa9: {  	[dreg:$0x3] =	wrdreg s5  }
0xaa: {  	[dreg:$0x4] =	wrdreg $0xC0  }
0xab: {  	_ =	task [dreg:s7], $0x5FFFF  }
0xac: {  	[dreg:$0x1] =	wrdreg $0xFFFFFFFF  }
0xad: {  	[dreg:$0x0] =	wrdreg $0x60  }
0xae: {  	[dreg:$0x2] =	wrdreg s2  }
0xaf: {  	[dreg:$0x3] =	wrdreg s24  }
0xb0: {  	[dreg:$0x4] =	wrdreg $0x9  }
0xb1: {  	_ =	task.clear_ibuf [dreg:s7], $0x5FFFF;
	_ =	strace $0x90000046  }
0xb2: {  	s29 =	simm.s32 $0x9;
	_ =	strace $0x80000048  }
0xb3: {  	_ =	swait.ge [sflag:s29], $0x1  }
0xb4: {  	[sflag:s29] =	ssyncadd.s32 $0xFFFFFFFF  }
0xb5: {  	_ =	strace $0x90000048  }
0xb6: {  	_ =	sfence  }
0xb7: {  	s30 =	sld [smem:$0x0];
	_ =	sdelay $0x2  }
0xb8: {  	s31 =	sshll.u32 s1, $0xD;
	s1 =	sshrl.u32 s1, $0x2  }
0xb9: {  	s3 =	sand.u32 $0x4000, s31;
	s1 =	sadd.s32 s1, s30  }
0xba: {  	s0 =	sor.u32 s3, s0;
	s1 =	sshll.u32 s1, $0x11  }
0xbb: {  	s0 =	sor.u32 s1, s0  }
0xbc: {  	s0 =	sadd.s32 $0x8F2B, s0  }
0xbd: {  	[sflag:s0] =	ssyncadd.remote.s32 $0x1  }
0xbe: {  	_ =	sfence.sel $0xFFFF  }
0xbf: {  	[dreg:$0x0] =	wrdreg $0xFFFFFFFF;
	(pc) =	sbr.abs _section_cstart, $3  }
0xc0: {  	[dreg:$0x1] =	wrdreg $0xFFFFFFFF  }
0xc1: {  	_ =	task.clear_ibuf [dreg:s7], $0x2FFFF;
	_ =	strace $0x9FFFFFFF  }
0xc2: {  	(tm) =	ssettm $0x7FFFFFFF  }
0xc3: {  	_ =	shalt  }
tec
execute0_lowered:
.L_overlay_start_1:
0x0: {  	(tag) =	ssettag $0x1  }
0x1: {  	s3 =	rddreg [dreg:$0x0];
	s1 =	srdreg.scid  }
0x2: {  	s0 =	stileid.u32;
	s4 =	rddreg [dreg:$0x1];
	s9 =	simm.s32 $0x2780  }
0x3: {  	s10 =	simm.s32 $0x4F00;
	s11 =	simm.s32 $0x7700;
	s12 =	simm.s32 $0x80  }
0x4: {  	s13 =	simm.s32 $0x400;
	s14 =	simm.s32 $0x0;
	s5 =	sand.u32 $0x1, s1  }
0x5: {  	s2 =	sshll.u32 s0, $0x1;
	s1 =	rddreg [dreg:$0x2];
	s7 =	sshrl.u32 s0, $0x2  }
0x6: {  	s6 =	sor.u32 s5, s2;
	s2 =	simm.s32 $0x0;
	s7 =	smul.u32 $0x14000, s7  }
0x7: {  	s5 =	ssub.s32 $0x2, s5;
	s8 =	sshll.u32 s6, $0x7;
	s6 =	smul.u32 $0x2710, s6  }
0x8: {  	[smem:$0x7FF] =	sst s2;
	s30 =	sshrl.u32 s5, $0x1;
	s8 =	sand.u32 $0x380, s8  }
0x9: {  	_ =	strace $0x80000047;
	s7 =	sor.u32 s7, s8;
	s6 =	sshrl.u32 s6, $0x3  }
0xa: {  	s31 =	ssub.s32 s5, s30;
	s7 =	sshrl.u32 s7, $0x3;
	s3 =	sadd.s32 s3, s6  }
0xb: {  	s8 =	simm.s32 $0x1;
	s7 =	sadd.s32 s7, s4;
	s4 =	sadd.s32 $0x9C40, s3  }
0xc: {  	v0 =	vimm.f32 $0.0e+00;
	v1 =	vimm.f32 $1.000000000e+00;
	s5 =	sadd.s32 $0x2000, s7;
	s6 =	sadd.s32 $0xC000, s7;
	s7 =	smax.u32 s31, $0x1  }
.LBB2_1:
0xd: {  	[tilespmem:s2], [sflag:$0x1] =	stream.linear.gather [hbm4b:s3+s2], $0x2710, $0x38;
	[tilespmem:$0x9F00] =	vst v63  }
0xe: {  	_ =	swait.ge [sflag:s8], $0x2710  }
0xf: {  	[sflag:s8] =	ssyncset.done $0x0  }
0x10: {  	[sflag:s8] =	ssyncadd.s32 $0xFFFFD8F0  }
0x11: {  	[tilespmem:s9], [sflag:$0x1] =	stream.linear.gather [hbm4b:s4+s2], $0x2710, $0x38;
	[tilespmem:$0x9F00] =	vst v63  }
0x12: {  	_ =	swait.ge [sflag:s8], $0x2710  }
0x13: {  	[sflag:s8] =	ssyncset.done $0x0  }
0x14: {  	s15 =	simm.s32 $0x0;
	s16 =	simm.s32 $0x200;
	[sflag:s8] =	ssyncadd.s32 $0xFFFFD8F0  }
.LBB2_2:
0x15: {  	p0 =	sne.s32 s16, $0x9E00;
	[tilespmem:s15+$0x7770] =	vst v0  }
0x16: {  	[tilespmem:s15+$0x4F00] =	vst v0  }
0x17: {  	[tilespmem:s15+$0x7700] =	vst v0  }
0x18: {  	[tilespmem:s15+$0x4F10] =	vst v0  }
0x19: {  	[tilespmem:s15+$0x7710] =	vst v0  }
0x1a: {  	[tilespmem:s15+$0x4F20] =	vst v0  }
0x1b: {  	[tilespmem:s15+$0x7720] =	vst v0  }
0x1c: {  	[tilespmem:s15+$0x4F30] =	vst v0  }
0x1d: {  	[tilespmem:s15+$0x7730] =	vst v0  }
0x1e: {  	[tilespmem:s15+$0x4F40] =	vst v0  }
0x1f: {  	[tilespmem:s15+$0x7740] =	vst v0  }
.Ltmp0:
0x20: {  	[tilespmem:s15+$0x4F50] =	vst v0;
	(pc) =	sbr.rel @p0 .LBB2_2-.Ltmp0, $4  }
0x21: {  	[tilespmem:s15+$0x7750] =	vst v0  }
0x22: {  	[tilespmem:s15+$0x4F60] =	vst v0  }
0x23: {  	[tilespmem:s15+$0x7760] =	vst v0  }
0x24: {  	[tilespmem:s15+$0x4F70] =	vst v0;
	s15 =	sshra.s32 s16, $0x2;
	s16 =	sadd.s32 $0x200, s16  }
0x25: {  	[tilespmem:s15+$0x7770] =	vst v0  }
0x26: {  	[tilespmem:s15+$0x4F00] =	vst v0  }
0x27: {  	[tilespmem:s15+$0x7700] =	vst v0  }
0x28: {  	[tilespmem:s15+$0x4F10] =	vst v0  }
0x29: {  	[tilespmem:s15+$0x7710] =	vst v0  }
0x2a: {  	[tilespmem:s15+$0x4F20] =	vst v0  }
0x2b: {  	[tilespmem:s15+$0x7720] =	vst v0  }
0x2c: {  	[tilespmem:s15+$0x4F30] =	vst v0  }
0x2d: {  	[tilespmem:s15+$0x7730] =	vst v0  }
0x2e: {  	[tilespmem:s15+$0x4F40] =	vst v0  }
0x2f: {  	[tilespmem:s15+$0x7740] =	vst v0  }
0x30: {  	[tilespmem:s15+$0x4F50] =	vst v0  }
0x31: {  	[tilespmem:s15+$0x7750] =	vst v0  }
0x32: {  	[tilespmem:s15+$0x4F60] =	vst v0  }
0x33: {  	[tilespmem:s15+$0x7760] =	vst v0  }
0x34: {  	[tilespmem:s15+$0x4F70] =	vst v0;
	s15 =	simm.s32 $0x0  }
.LBB2_4:
0x35: {  	s16 =	sshra.s32 s15, $0x2  }
0x36: {  	v2 =	vld [tilespmem:s16+$0x0];
	_ =	sdelay $0x7  }
0x37: {  	[tilespmem:v2+s10+$0x0] =	vst.idx.add.f32.msk $0xffff, v1  }
0x38: {  	v2 =	vld [tilespmem:s16+$0x2780];
	_ =	sdelay $0x7  }
0x39: {  	[tilespmem:v2+s11+$0x0] =	vst.idx.add.f32.msk $0xffff, v1  }
0x3a: {  	v2 =	vld [tilespmem:s16+$0x10];
	_ =	sdelay $0x7  }
0x3b: {  	[tilespmem:v2+s10+$0x0] =	vst.idx.add.f32.msk $0xffff, v1  }
0x3c: {  	v2 =	vld [tilespmem:s16+$0x2790];
	_ =	sdelay $0x7  }
0x3d: {  	[tilespmem:v2+s11+$0x0] =	vst.idx.add.f32.msk $0xffff, v1  }
0x3e: {  	v2 =	vld [tilespmem:s16+$0x20];
	_ =	sdelay $0x7  }
0x3f: {  	[tilespmem:v2+s10+$0x0] =	vst.idx.add.f32.msk $0xffff, v1  }
0x40: {  	v2 =	vld [tilespmem:s16+$0x27A0];
	_ =	sdelay $0x7  }
0x41: {  	[tilespmem:v2+s11+$0x0] =	vst.idx.add.f32.msk $0xffff, v1  }
0x42: {  	v2 =	vld [tilespmem:s16+$0x30];
	_ =	sdelay $0x7  }
0x43: {  	[tilespmem:v2+s10+$0x0] =	vst.idx.add.f32.msk $0xffff, v1  }
0x44: {  	v2 =	vld [tilespmem:s16+$0x27B0];
	_ =	sdelay $0x2  }
0x45: {  	p0 =	sne.s32 s15, $0x9B00  }
.Ltmp1:
0x46: {  	_ = 	snop;
	(pc) =	sbr.rel @p0 .LBB2_4-.Ltmp1, $2  }
0x47: {  	_ =	sdelay $0x2  }
0x48: {  	s15 =	sadd.s32 $0x100, s15;
	[tilespmem:v2+s11+$0x0] =	vst.idx.add.f32.msk $0xffff, v1  }
0x49: {  	v2 =	vld [tilespmem:$0x2700];
	_ =	sdelay $0x7  }
0x4a: {  	[tilespmem:v2+s10+$0x0] =	vst.idx.add.f32.msk $0xffff, v1  }
0x4b: {  	v2 =	vld [tilespmem:$0x4E80];
	_ =	sdelay $0x7  }
0x4c: {  	[tilespmem:v2+s11+$0x0] =	vst.idx.add.f32.msk $0xffff, v1  }
0x4d: {  	[hbm4b:s5+s12] =	stream.strided.scatter [tilespmem:s10], [sflag:$0x1], $0x2800, s13, s12, $0x38;
	[tilespmem:$0x9F00] =	vst v63  }
0x4e: {  	s14 =	sadd.s32 $0x1, s14;
	_ =	swait.ge [sflag:s8], $0x2800  }
0x4f: {  	p0 =	sne.s32 s14, s7;
	[sflag:s8] =	ssyncset.done $0x0  }
.Ltmp2:
0x50: {  	[sflag:s8] =	ssyncadd.s32 $0xFFFFD800;
	(pc) =	sbr.rel @p0 .LBB2_1-.Ltmp2, $4  }
0x51: {  	[hbm4b:s6+s12] =	stream.strided.scatter [tilespmem:s11], [sflag:$0x1], $0x2800, s13, s12, $0x38;
	[tilespmem:$0x9F00] =	vst v63  }
0x52: {  	_ =	swait.ge [sflag:s8], $0x2800  }
0x53: {  	[sflag:s8] =	ssyncset.done $0x0  }
0x54: {  	[sflag:s8] =	ssyncadd.s32 $0xFFFFD800  }
0x55: {  	_ =	sfence.sel $0x180000  }
0x56: {  	[bflag:$0x0] =	sbarrier.arrive $0xFFFF  }
0x57: {  	p0 =	sne.s32 s0, $0x0;
	_ =	strace $0x90000047  }
0x58: {  	s0 =	sadd.s32 @!p0 $0x100000, s1;
	[bflag:$0x2] =	sbarrier.arrive $0xFFFF  }
0x59: {  	[sflag:s0] =	ssyncadd.tile.s32 @!p0 $0x1;
	_ =	shalt  }
.Lfunc_end2:
_tile_overlayer_lowered:
.L_overlay_start_2:
0x5a: {  	(tag) =	ssettag $0x2  }
0x5b: {  	s0 =	rddreg [dreg:$0x0];
	s2 =	stileid.u32  }
0x5c: {  	s1 =	rddreg [dreg:$0x1];
	p0 =	sne.s32 s2, $0x0  }
0x5d: {  	s3 =	rddreg [dreg:$0x2];
	[bflag:$0x3] =	sbarrier.arrive $0xFFFF;
	s2 =	simm.s32 @!p0 $0x1C01  }
0x5e: {  	[timem:s3], [sflag:s2] =	dma.local @!p0 [hbm:s0], s1  }
0x5f: {  	s0 =	simm.s32 @!p0 $0x1  }
0x60: {  	_ =	swait.ge @!p0 [sflag:s0], s1  }
0x61: {  	s1 =	ssub.s32 @!p0 $0x0, s1;
	[sflag:s0] =	ssyncset.done @!p0 $0x0  }
0x62: {  	[sflag:s0] =	ssyncadd.s32 @!p0 s1  }
0x63: {  	[bflag:$0x3] =	sbarrier.arrive $0xFFFF  }
0x64: {  	_ =	shalt  }

// kernel: kernel.9.cloned.1.call-start
scs
__scs_entry_jumppad:
0x0: {  	(pc) =	sbr.rel $0x88, $3  }
0x1: {  	(tag) =	ssettag $0x0;
	lr =	simm.s32 $0x1  }
0x2: {  	[smem:$0x3F9D] =	sst lr;
	_ =	strace $0xD0000000  }
0x3: {  	_ = 	snop  }
0x4: {  	_ = 	snop  }
0x5: {  	_ = 	snop  }
0x6: {  	_ = 	snop  }
0x7: {  	_ = 	snop  }
__scs_overlays_trampoline_lowered:
0x8: {  	[smem:$0x3FAC] =	sst s0  }
0x9: {  	[smem:$0x3FAD] =	sst s1  }
0xa: {  	[smem:$0x3FAE] =	sst s2  }
0xb: {  	[smem:$0x3FAF] =	sst s3  }
0xc: {  	[smem:$0x3FB0] =	sst s4  }
0xd: {  	[smem:$0x3FB1] =	sst s5  }
0xe: {  	[smem:$0x3FB2] =	sst s6  }
0xf: {  	[smem:$0x3FB3] =	sst s7  }
0x10: {  	[smem:$0x3FB4] =	sst s8  }
0x11: {  	[smem:$0x3FB5] =	sst s9;
	s0 =	simm.s32 @!p0 $0x0  }
0x12: {  	s1 =	sld [smem:$0x3F9B];
	s0 =	simm.s32 @p0 $0x1  }
0x13: {  	[smem:$0x3FB6] =	sst s0;
	s0 =	simm.s32 @!p1 $0x0  }
0x14: {  	s2 =	sld [smem:$0x3F9A];
	s0 =	simm.s32 @p1 $0x1  }
0x15: {  	[smem:$0x3FB7] =	sst s0;
	s0 =	simm.s32 @!p2 $0x0  }
0x16: {  	s3 =	sld [smem:$0x3FDB];
	s0 =	simm.s32 @p2 $0x1  }
0x17: {  	s4 =	simm.s32 $0x1BF5;
	[smem:$0x3FB9] =	sst s0  }
0x18: {  	s0 =	sld [smem:$0x3F9C];
	_ =	swait.ge [sflag:s4], $0x0  }
0x19: {  	s7 =	sld [smem:$0x3F9D]  }
0x1a: {  	s8 =	sadd.s32 $0xFFFFE003, lr  }
0x1b: {  	s9 =	sadd.s32 $0xFFFFFEF7, lr;
	s5 =	simm.s32 $0xFFFFFFFF;
	p2 =	slt.u32 s8, $0xFFFFF086  }
0x1c: {  	p1 =	slt.u32 s9, $0xF7A;
	s5 =	simm.s32 @!p2 $0x0  }
0x1d: {  	s5 =	simm.s32 @p1 $0x1;
	p0 =	seq.s32 s7, s2  }
0x1e: {  	s7 =	smul.u32 @!p0 $0xF7A, s2;
	p2 =	seq.s32 @!p0 s5, $0x0  }
0x1f: {  	s9 =	smul.u32 $0xF7A, s1;
	s8 =	simm.s32 @!p0 $0x1BF5;
	p2 =	por !p2, p0  }
0x20: {  	[sflag:s8] =	ssyncset.s32 @!p0 $0xFFFFF086;
	s6 =	sadd.s32 @!p0 s3, s7;
	s7 =	simm.s32 @!p0 $0x108  }
0x21: {  	s3 =	sadd.s32 s3, s9;
	s6 =	sadd.s32 @!p0 $0x88, s6;
	s7 =	simm.s32 @p2 $0x1082  }
0x22: {  	[simem:s7], [sflag:s8] =	dma.local @!p0 [hbm:s6], $0xF7A  }
0x23: {  	s9 =	sor.u32 $0xD0000000, s2;
	s6 =	simm.s32 $0x108;
	_ =	swait.ge @!p0 [sflag:s8], $0x0  }
0x24: {  	s3 =	sadd.s32 $0x88, s3;
	s6 =	simm.s32 @!p1 $0x1082;
	[sflag:s4] =	ssyncset.s32 $0xFFFFF086  }
0x25: {  	[simem:s6], [sflag:s4] =	dma.local [hbm:s3], $0xF7A  }
0x26: {  	[smem:$0x3F9D] =	sst s1;
	(tag) =	ssettag s2;
	_ =	strace s9  }
0x27: {  	s1 =	sld [smem:$0x3FAD]  }
0x28: {  	s2 =	sld [smem:$0x3FAE]  }
0x29: {  	s4 =	sld [smem:$0x3FB0]  }
0x2a: {  	p0 =	seq.s32 s5, $0x0;
	s5 =	sld [smem:$0x3FB1]  }
0x2b: {  	s6 =	sld [smem:$0x3FB2]  }
0x2c: {  	s7 =	sld [smem:$0x3FB3]  }
0x2d: {  	s3 =	simm.s32 $0x108;
	s8 =	sld [smem:$0x3FB4]  }
0x2e: {  	s3 =	simm.s32 @!p0 $0x1082;
	s9 =	sld [smem:$0x3FB5]  }
0x2f: {  	lr =	sadd.s32 s0, s3;
	s0 =	sld [smem:$0x3FAC]  }
0x30: {  	s3 =	sld [smem:$0x3FAF]  }
0x31: {  	[smem:$0x3FB8] =	sst s10  }
0x32: {  	s10 =	sld [smem:$0x3FB6];
	_ =	sdelay $0x3  }
0x33: {  	p0 =	seq.s32 s10, $0x1;
	s10 =	sld [smem:$0x3FB8];
	_ =	sdelay $0x3  }
0x34: {  	[smem:$0x3FB8] =	sst s10  }
0x35: {  	s10 =	sld [smem:$0x3FB7];
	_ =	sdelay $0x3  }
0x36: {  	p1 =	seq.s32 s10, $0x1;
	s10 =	sld [smem:$0x3FB8];
	_ =	sdelay $0x3  }
0x37: {  	[smem:$0x3FB8] =	sst s10  }
0x38: {  	s10 =	sld [smem:$0x3FB9]  }
0x39: {  	_ = 	snop;
	(pc) =	sbr.ind lr, $3  }
0x3a: {  	_ = 	snop  }
0x3b: {  	_ = 	snop  }
0x3c: {  	p2 =	seq.s32 s10, $0x1;
	s10 =	sld [smem:$0x3FB8]  }
0x3d: {  	_ =	shalt  }
0x3e: {  	_ =	shalt  }
0x3f: {  	_ =	shalt  }
0x40: {  	_ =	shalt  }
0x41: {  	_ =	shalt  }
0x42: {  	_ =	shalt  }
0x43: {  	_ =	shalt  }
0x44: {  	_ =	shalt  }
0x45: {  	_ =	shalt  }
0x46: {  	_ =	shalt  }
0x47: {  	_ =	shalt  }
0x48: {  	_ =	shalt  }
0x49: {  	_ =	shalt  }
0x4a: {  	_ =	shalt  }
0x4b: {  	_ =	shalt  }
0x4c: {  	_ =	shalt  }
0x4d: {  	_ =	shalt  }
0x4e: {  	_ =	shalt  }
0x4f: {  	_ =	shalt  }
0x50: {  	_ =	shalt  }
0x51: {  	_ =	shalt  }
0x52: {  	_ =	shalt  }
0x53: {  	_ =	shalt  }
0x54: {  	_ =	shalt  }
0x55: {  	_ =	shalt  }
0x56: {  	_ =	shalt  }
0x57: {  	_ =	shalt  }
0x58: {  	_ =	shalt  }
0x59: {  	_ =	shalt  }
0x5a: {  	_ =	shalt  }
0x5b: {  	_ =	shalt  }
0x5c: {  	_ =	shalt  }
0x5d: {  	_ =	shalt  }
0x5e: {  	_ =	shalt  }
0x5f: {  	_ =	shalt  }
0x60: {  	_ =	shalt  }
0x61: {  	_ =	shalt  }
0x62: {  	_ =	shalt  }
0x63: {  	_ =	shalt  }
0x64: {  	_ =	shalt  }
0x65: {  	_ =	shalt  }
0x66: {  	_ =	shalt  }
0x67: {  	_ =	shalt  }
0x68: {  	_ =	shalt  }
0x69: {  	_ =	shalt  }
0x6a: {  	_ =	shalt  }
0x6b: {  	_ =	shalt  }
0x6c: {  	_ =	shalt  }
0x6d: {  	_ =	shalt  }
0x6e: {  	_ =	shalt  }
0x6f: {  	_ =	shalt  }
0x70: {  	_ =	shalt  }
0x71: {  	_ =	shalt  }
0x72: {  	_ =	shalt  }
0x73: {  	_ =	shalt  }
0x74: {  	_ =	shalt  }
0x75: {  	_ =	shalt  }
0x76: {  	_ =	shalt  }
0x77: {  	_ =	shalt  }
0x78: {  	_ =	shalt  }
0x79: {  	_ =	shalt  }
0x7a: {  	_ =	shalt  }
0x7b: {  	_ =	shalt  }
0x7c: {  	_ =	shalt  }
0x7d: {  	_ =	shalt  }
0x7e: {  	_ =	shalt  }
0x7f: {  	_ =	shalt  }
0x80: {  	_ =	shalt  }
0x81: {  	_ =	shalt  }
0x82: {  	_ =	shalt  }
0x83: {  	_ =	shalt  }
0x84: {  	_ =	shalt  }
0x85: {  	_ =	shalt  }
0x86: {  	_ =	shalt  }
0x87: {  	_ =	shalt  }
.Lfunc_end0:
.L_simem_size_0:
called_computation.1_lowered:
.L_overlay_start_0:
0x88: {  	s2 =	sld [smem:$0x3FD9]  }
0x89: {  	s3 =	sld [smem:$0x3FFE];
	_ =	sdelay $0x1  }
0x8a: {  	s1 =	srdreg.scid  }
0x8b: {  	s0 =	sand.u32 $0x1, s1  }
0x8c: {  	s17 =	sshll.u32 s0, $0xA;
	s2 =	sadd.s32 s3, s2  }
0x8d: {  	s2 =	sadd.s32 s2, s17  }
0x8e: {  	[smem:$0x3FC4] =	sst s2  }
0x8f: {  	_ = 	snop  }
0x90: {  	s2 =	sld [smem:$0x3FD0];
	(tm) =	ssettm $0x1  }
0x91: {  	s18 =	sld [smem:$0x3FFB];
	_ =	sdelay $0x3  }
0x92: {  	_ =	strace s18  }
0x93: {  	s3 =	sld [smem:$0x3FFC];
	_ =	sdelay $0x3  }
0x94: {  	_ =	strace s3  }
0x95: {  	s3 =	sld [smem:$0x3FFD];
	_ =	sdelay $0x3  }
0x96: {  	_ =	strace s3  }
0x97: {  	_ =	strace $0x8FFFFFFF  }
0x98: {  	s19 =	sld [smem:$0x3FDB];
	_ =	sdelay $0x1  }
0x99: {  	s4 =	simm.s32 $_scs_section_size  }
0x9a: {  	s5 =	simm.s32 $_size__tile_overlayer_lowered;
	s6 =	simm.s32 $_tile_overlayer_lowered  }
0x9b: {  	s22 =	simm.s32 $0x1BFF;
	s21 =	sshll.u32 s6, $0x1;
	s3 =	sadd.s32 s4, s19  }
0x9c: {  	s7 =	simm.s32 $0x0;
	s20 =	sshll.u32 s5, $0x1;
	s5 =	sadd.s32 s21, s3  }
0x9d: {  	[timem:s7], [sflag:s22] =	dma.local [hbm:s5], s20  }
0x9e: {  	_ =	swait.ge [sflag:s22], s20  }
0x9f: {  	s4 =	ssub.s32 $0x0, s20;
	[sflag:s22] =	ssyncset.done $0x0  }
0xa0: {  	[sflag:s22] =	ssyncadd.s32 s4;
	_ =	sdelay $0x1  }
0xa1: {  	s23 =	simm.s32 $0x1B8B  }
0xa2: {  	_ =	swait.ge [sflag:s23], $0x1  }
0xa3: {  	[sflag:s23] =	ssyncset.done $0x0  }
0xa4: {  	s25 =	simm.s32 $0x1B8E;
	s24 =	sld [smem:$0x3FFE];
	[sflag:s23] =	ssyncadd.s32 $0xFFFFFFFF  }
0xa5: {  	s26 =	simm.s32 $execute0_lowered;
	[smem:$0x3FD2] =	sst s25  }
0xa6: {  	s5 =	sshll.u32 s26, $0x1;
	_ =	strace $0x80000049;
	[dreg:$0x1] =	wrdreg $0xFFFFFFFF  }
0xa7: {  	s28 =	simm.s32 $_size_execute0_lowered;
	s3 =	sadd.s32 s3, s5;
	[dreg:$0x0] =	wrdreg $0x0  }
0xa8: {  	s5 =	sshll.u32 s28, $0x1;
	[dreg:$0x2] =	wrdreg s3  }
0xa9: {  	[dreg:$0x3] =	wrdreg s5  }
0xaa: {  	[dreg:$0x4] =	wrdreg $0xC0  }
0xab: {  	_ =	task [dreg:s7], $0x5FFFF  }
0xac: {  	[dreg:$0x1] =	wrdreg $0xFFFFFFFF  }
0xad: {  	[dreg:$0x0] =	wrdreg $0x60  }
0xae: {  	[dreg:$0x2] =	wrdreg s24  }
0xaf: {  	[dreg:$0x3] =	wrdreg s2  }
0xb0: {  	[dreg:$0x4] =	wrdreg $0xB7000  }
0xb1: {  	[dreg:$0x5] =	wrdreg $0x9  }
0xb2: {  	_ =	task.clear_ibuf [dreg:s7], $0x6FFFF;
	_ =	strace $0x90000049  }
0xb3: {  	s29 =	simm.s32 $0x9;
	_ =	strace $0x8000004B  }
0xb4: {  	_ =	swait.ge [sflag:s29], $0x1  }
0xb5: {  	[sflag:s29] =	ssyncadd.s32 $0xFFFFFFFF  }
0xb6: {  	_ =	strace $0x9000004B  }
0xb7: {  	_ =	sfence  }
0xb8: {  	s30 =	sld [smem:$0x0];
	_ =	sdelay $0x2  }
0xb9: {  	s31 =	sshll.u32 s1, $0xD;
	s1 =	sshrl.u32 s1, $0x2  }
0xba: {  	s3 =	sand.u32 $0x4000, s31;
	s1 =	sadd.s32 s1, s30  }
0xbb: {  	s0 =	sor.u32 s3, s0;
	s1 =	sshll.u32 s1, $0x11  }
0xbc: {  	s0 =	sor.u32 s1, s0  }
0xbd: {  	s0 =	sadd.s32 $0x8F2B, s0  }
0xbe: {  	[sflag:s0] =	ssyncadd.remote.s32 $0x1  }
0xbf: {  	_ =	sfence.sel $0xFFFF  }
0xc0: {  	[dreg:$0x0] =	wrdreg $0xFFFFFFFF;
	(pc) =	sbr.abs _section_cstart, $3  }
0xc1: {  	[dreg:$0x1] =	wrdreg $0xFFFFFFFF  }
0xc2: {  	_ =	task.clear_ibuf [dreg:s7], $0x2FFFF;
	_ =	strace $0x9FFFFFFF  }
0xc3: {  	(tm) =	ssettm $0x7FFFFFFF  }
tec
execute0_lowered:
.L_overlay_start_1:
0x0: {  	(tag) =	ssettag $0x1  }
0x1: {  	s0 =	srdreg.scid;
	s1 =	rddreg [dreg:$0x0]  }
0x2: {  	s24 =	stileid.u32;
	s29 =	rddreg [dreg:$0x2]  }
0x3: {  	s16 =	sand.u32 $0x1, s0;
	s2 =	sshll.u32 s24, $0x1;
	s17 =	smul.u32 $0x14000, s24  }
0x4: {  	s0 =	ssub.s32 $0x2, s16;
	s2 =	sor.u32 s16, s2;
	s20 =	smul.u32 $0x140000, s16  }
0x5: {  	s19 =	sadd.s32 $0x3E000, s1;
	s3 =	sshrl.u32 s0, $0x1;
	s18 =	smul.u32 $0x2710, s2  }
0x6: {  	s2 =	sor.u32 $0x1400, s17;
	s4 =	sor.u32 $0x3C00, s17;
	s5 =	sadd.s32 $0x5000, s17  }
0x7: {  	s6 =	sadd.s32 $0x6400, s17;
	s7 =	sadd.s32 $0x7800, s17;
	s8 =	sadd.s32 $0x8C00, s17  }
0x8: {  	s9 =	sadd.s32 $0xA000, s17;
	s10 =	sadd.s32 $0xB400, s17;
	s11 =	sadd.s32 $0xC800, s17  }
0x9: {  	s12 =	sadd.s32 $0xDC00, s17;
	s13 =	sadd.s32 $0xF000, s17;
	s14 =	sadd.s32 $0x10400, s17  }
0xa: {  	s15 =	sadd.s32 $0x11800, s17;
	s0 =	ssub.s32 s0, s3;
	s21 =	sadd.s32 s17, s20  }
0xb: {  	s3 =	sor.u32 $0x2800, s17;
	s22 =	sadd.s32 s20, s2;
	s21 =	sshrl.u32 s21, $0x3  }
0xc: {  	s17 =	sadd.s32 $0x12C00, s17;
	s25 =	sadd.s32 s20, s4;
	s21 =	sadd.s32 s19, s21  }
0xd: {  	s22 =	sshrl.u32 s22, $0x3;
	s23 =	sadd.s32 s20, s3;
	[dreg:$0x4] =	wrdreg s21  }
0xe: {  	s21 =	sadd.s32 s19, s22;
	s22 =	sshrl.u32 s25, $0x3;
	s25 =	sadd.s32 s20, s7  }
0xf: {  	[dreg:$0x5] =	wrdreg s21;
	s21 =	sshrl.u32 s23, $0x3;
	s26 =	sadd.s32 s19, s22  }
0x10: {  	s23 =	sadd.s32 s20, s5;
	s21 =	sadd.s32 s19, s21;
	[dreg:$0x7] =	wrdreg s26  }
0x11: {  	s22 =	sshrl.u32 s23, $0x3;
	s23 =	sadd.s32 s20, s6;
	s26 =	sadd.s32 s20, s8  }
0x12: {  	[dreg:$0x6] =	wrdreg s21;
	s21 =	sadd.s32 s19, s22;
	s22 =	sshrl.u32 s25, $0x3  }
0x13: {  	[dreg:$0x8] =	wrdreg s21;
	s21 =	sshrl.u32 s23, $0x3;
	s25 =	sadd.s32 s19, s22  }
0x14: {  	s26 =	sshrl.u32 s26, $0x3;
	s21 =	sadd.s32 s19, s21;
	[dreg:$0xa] =	wrdreg s25  }
0x15: {  	s22 =	sadd.s32 s20, s9;
	[dreg:$0x9] =	wrdreg s21;
	s21 =	sadd.s32 s19, s26  }
0x16: {  	s23 =	sadd.s32 s20, s10;
	[dreg:$0xb] =	wrdreg s21;
	s21 =	sshrl.u32 s22, $0x3  }
0x17: {  	s25 =	sadd.s32 s20, s11;
	s22 =	sshrl.u32 s23, $0x3;
	s21 =	sadd.s32 s19, s21  }
0x18: {  	s23 =	sadd.s32 s20, s12;
	s26 =	sadd.s32 s19, s22;
	[dreg:$0xc] =	wrdreg s21  }
0x19: {  	s22 =	sshrl.u32 s25, $0x3;
	s25 =	sadd.s32 s20, s13;
	[dreg:$0xd] =	wrdreg s26  }
0x1a: {  	s21 =	sadd.s32 s19, s22;
	s22 =	sshrl.u32 s25, $0x3;
	s26 =	sadd.s32 s20, s14  }
0x1b: {  	[dreg:$0xe] =	wrdreg s21;
	s25 =	sshrl.u32 s26, $0x3;
	s26 =	smul.u32 $0x2710, s16  }
0x1c: {  	s21 =	sshrl.u32 s23, $0x3;
	s22 =	sadd.s32 s19, s22;
	s23 =	smul.u32 $0x4E20, s24  }
0x1d: {  	s21 =	sadd.s32 s19, s21;
	[dreg:$0x10] =	wrdreg s22;
	s22 =	sadd.s32 s20, s15  }
0x1e: {  	s20 =	sadd.s32 s20, s17;
	[dreg:$0xf] =	wrdreg s21;
	s21 =	sadd.s32 s19, s25  }
0x1f: {  	s16 =	sshrl.u32 s22, $0x3;
	s20 =	sshrl.u32 s20, $0x3;
	[dreg:$0x11] =	wrdreg s21  }
0x20: {  	s16 =	sadd.s32 s19, s16;
	s19 =	sadd.s32 s19, s20;
	s20 =	rddreg [dreg:$0x1]  }
0x21: {  	s25 =	sshrl.u32 s18, $0x3;
	[dreg:$0x12] =	wrdreg s16;
	s16 =	simm.s32 $0x0  }
0x22: {  	[dreg:$0x13] =	wrdreg s19;
	s19 =	sadd.s32 s26, s23;
	s26 =	sadd.s32 $0x4E228, s18  }
0x23: {  	s23 =	sadd.s32 s20, s25;
	s25 =	sadd.s32 $0x4E278, s18;
	s18 =	sadd.s32 $0x4E2C8, s18  }
0x24: {  	[smem:$0x7FF] =	sst s16;
	s22 =	sshrl.u32 s26, $0x3;
	s26 =	sshrl.u32 s25, $0x3  }
0x25: {  	s18 =	sshrl.u32 s18, $0x3;
	s21 =	sadd.s32 s20, s22;
	s22 =	sadd.s32 $0x4E3E0, s19  }
0x26: {  	s18 =	sadd.s32 s20, s18;
	[dreg:$0x15] =	wrdreg s21;
	s21 =	sadd.s32 s20, s26  }
0x27: {  	[dreg:$0x17] =	wrdreg s18;
	s25 =	sshrl.u32 s22, $0x3;
	s26 =	sadd.s32 $0x4E3B8, s19  }
0x28: {  	s22 =	sadd.s32 $0x4E390, s19;
	[dreg:$0x16] =	wrdreg s21;
	s18 =	sadd.s32 s25, s20  }
0x29: {  	s21 =	sshrl.u32 s26, $0x3;
	s25 =	sshrl.u32 s22, $0x3;
	s26 =	sadd.s32 $0x4E368, s19  }
0x2a: {  	s22 =	sadd.s32 $0x4E340, s19;
	[dreg:$0x18] =	wrdreg s18;
	s18 =	sadd.s32 s21, s20  }
0x2b: {  	s21 =	sshrl.u32 s26, $0x3;
	[dreg:$0x19] =	wrdreg s18;
	s18 =	sadd.s32 s25, s20  }
0x2c: {  	s25 =	sshrl.u32 s22, $0x3;
	[dreg:$0x1a] =	wrdreg s18;
	s18 =	sadd.s32 s21, s20  }
0x2d: {  	[dreg:$0x1b] =	wrdreg s18;
	s18 =	sadd.s32 s25, s20  }
0x2e: {  	s2 =	sadd.s32 s2, s29;
	[dreg:$0x1c] =	wrdreg s18  }
0x2f: {  	s3 =	sadd.s32 s3, s29;
	_ =	strace $0x8000004A;
	[dreg:$0x1e] =	wrdreg s2  }
0x30: {  	s4 =	sadd.s32 s4, s29;
	[dreg:$0x1f] =	wrdreg s3  }
0x31: {  	s5 =	sadd.s32 s5, s29;
	[smem:$0x7ED] =	sst s4  }
0x32: {  	s6 =	sadd.s32 s6, s29;
	[smem:$0x7EE] =	sst s5  }
0x33: {  	s7 =	sadd.s32 s7, s29;
	[smem:$0x7EF] =	sst s6  }
0x34: {  	s8 =	sadd.s32 s8, s29;
	[smem:$0x7F0] =	sst s7  }
0x35: {  	s9 =	sadd.s32 s9, s29;
	[smem:$0x7F1] =	sst s8  }
0x36: {  	s10 =	sadd.s32 s10, s29;
	s11 =	sadd.s32 s11, s29;
	[smem:$0x7F2] =	sst s9  }
0x37: {  	s12 =	sadd.s32 s12, s29;
	s26 =	sadd.s32 $0x4E318, s19;
	[smem:$0x7F3] =	sst s10  }
0x38: {  	s19 =	sadd.s32 $0x4E2F0, s19;
	s22 =	sshrl.u32 s26, $0x3;
	[smem:$0x7F4] =	sst s11  }
0x39: {  	s19 =	sshrl.u32 s19, $0x3;
	s18 =	sadd.s32 s13, s29;
	[smem:$0x7F5] =	sst s12  }
0x3a: {  	s31 =	sadd.s32 s19, s20;
	s19 =	sadd.s32 s14, s29;
	[smem:$0x7F6] =	sst s18  }
0x3b: {  	s30 =	sadd.s32 s22, s20;
	s20 =	sadd.s32 s15, s29;
	[smem:$0x7F7] =	sst s19  }
0x3c: {  	s28 =	sadd.s32 $0x16000, s1;
	s21 =	sadd.s32 s17, s29;
	[smem:$0x7F8] =	sst s20  }
0x3d: {  	s1 =	simm.s32 $0x4F80;
	s0 =	smax.u32 s0, $0x1;
	[smem:$0x7F9] =	sst s21  }
0x3e: {  	s22 =	sadd.s32 $0x9C40, s23;
	s17 =	simm.s32 $0x2780;
	[smem:$0x7FA] =	sst s0  }
0x3f: {  	s25 =	smul.u32 $0x50000, s24;
	s24 =	sadd.s32 $0x9C4A, s23;
	[smem:$0x7FB] =	sst s22  }
0x40: {  	s14 =	simm.s32 $0x4;
	s15 =	simm.s32 $0x5;
	[smem:$0x7FC] =	sst s24  }
0x41: {  	s13 =	simm.s32 $0x3;
	s26 =	sshrl.u32 s25, $0x2;
	[dreg:$0x14] =	wrdreg s23  }
0x42: {  	s25 =	sadd.s32 $0x9C54, s23;
	s18 =	simm.s32 $0x8;
	s19 =	simm.s32 $0x28  }
0x43: {  	s20 =	simm.s32 $0xB380;
	s21 =	simm.s32 $0x3B80;
	s0 =	simm.s32 $0xB400  }
0x44: {  	s2 =	simm.s32 $0xB480;
	s3 =	simm.s32 $0x6380;
	s4 =	simm.s32 $0xB500  }
.Ltmp0:
0x45: {  	s5 =	simm.s32 $0x7780;
	s6 =	simm.s32 $0xB580;
	(pc) =	sbr.rel .LBB2_1-.Ltmp0, $4  }
0x46: {  	s7 =	simm.s32 $0x8B80;
	s8 =	simm.s32 $0xB600;
	s9 =	simm.s32 $0x1  }
0x47: {  	s10 =	simm.s32 $0x9F80;
	s11 =	simm.s32 $0xB680;
	s12 =	simm.s32 $0x2  }
0x48: {  	s22 =	simm.s32 $0x6;
	s26 =	sadd.s32 s26, s29;
	[smem:$0x7FD] =	sst s25  }
0x49: {  	v0 =	vimm.f32 $0.0e+00;
	s23 =	simm.s32 $0x7;
	s25 =	simm.s32 $0x0;
	[dreg:$0x1d] =	wrdreg s26  }
.LBB2_6:
0x4a: {  	_ =	swait.ge [sflag:s9], $0x1400  }
0x4b: {  	[sflag:s9] =	ssyncset.done $0x0  }
0x4c: {  	[sflag:s9] =	ssyncadd.s32 $0xFFFFEC00  }
0x4d: {  	_ =	swait.ge [sflag:s9], $0x28  }
0x4e: {  	[sflag:s9] =	ssyncset.done $0x0  }
0x4f: {  	[sflag:s9] =	ssyncadd.s32 $0xFFFFFFD8  }
0x50: {  	[spmem:s29] =	stream.indirect.scatter.add.f32 [tilespmem:s17], [sflag:$0x8], $0x80, s20, s19, $0xb8;
	[tilespmem:$0x1F700] =	vst v63  }
0x51: {  	_ =	swait.ge [sflag:s18], $0x1400  }
0x52: {  	[sflag:s18] =	ssyncset.done $0x0  }
0x53: {  	[sflag:s18] =	ssyncadd.s32 $0xFFFFEC00  }
0x54: {  	_ =	swait.ge [sflag:s12], $0x1400  }
0x55: {  	[sflag:s12] =	ssyncset.done $0x0  }
0x56: {  	[sflag:s12] =	ssyncadd.s32 $0xFFFFEC00  }
0x57: {  	_ =	swait.ge [sflag:s12], $0x28  }
0x58: {  	[sflag:s12] =	ssyncset.done $0x0  }
0x59: {  	[sflag:s12] =	ssyncadd.s32 $0xFFFFFFD8  }
0x5a: {  	[spmem:s29] =	stream.indirect.scatter.add.f32 [tilespmem:s21], [sflag:$0x8], $0x80, s0, s19, $0xb8;
	[tilespmem:$0x1F700] =	vst v63  }
0x5b: {  	_ =	swait.ge [sflag:s18], $0x1400  }
0x5c: {  	[sflag:s18] =	ssyncset.done $0x0  }
0x5d: {  	[sflag:s18] =	ssyncadd.s32 $0xFFFFEC00  }
0x5e: {  	_ =	swait.ge [sflag:s13], $0x1400  }
0x5f: {  	[sflag:s13] =	ssyncset.done $0x0  }
0x60: {  	[sflag:s13] =	ssyncadd.s32 $0xFFFFEC00  }
0x61: {  	_ =	swait.ge [sflag:s13], $0x28  }
0x62: {  	[sflag:s13] =	ssyncset.done $0x0  }
0x63: {  	[sflag:s13] =	ssyncadd.s32 $0xFFFFFFD8  }
0x64: {  	[spmem:s29] =	stream.indirect.scatter.add.f32 [tilespmem:s1], [sflag:$0x8], $0x80, s2, s19, $0xb8;
	[tilespmem:$0x1F700] =	vst v63  }
0x65: {  	_ =	swait.ge [sflag:s18], $0x1400  }
0x66: {  	[sflag:s18] =	ssyncset.done $0x0  }
0x67: {  	[sflag:s18] =	ssyncadd.s32 $0xFFFFEC00  }
0x68: {  	_ =	swait.ge [sflag:s14], $0x1400  }
0x69: {  	[sflag:s14] =	ssyncset.done $0x0  }
0x6a: {  	[sflag:s14] =	ssyncadd.s32 $0xFFFFEC00  }
0x6b: {  	_ =	swait.ge [sflag:s14], $0x28  }
0x6c: {  	[sflag:s14] =	ssyncset.done $0x0  }
0x6d: {  	[sflag:s14] =	ssyncadd.s32 $0xFFFFFFD8  }
0x6e: {  	[spmem:s29] =	stream.indirect.scatter.add.f32 [tilespmem:s3], [sflag:$0x8], $0x80, s4, s19, $0xb8;
	[tilespmem:$0x1F700] =	vst v63  }
0x6f: {  	_ =	swait.ge [sflag:s18], $0x1400  }
0x70: {  	[sflag:s18] =	ssyncset.done $0x0  }
0x71: {  	[sflag:s18] =	ssyncadd.s32 $0xFFFFEC00  }
0x72: {  	_ =	swait.ge [sflag:s15], $0x1400  }
0x73: {  	[sflag:s15] =	ssyncset.done $0x0  }
0x74: {  	[sflag:s15] =	ssyncadd.s32 $0xFFFFEC00  }
0x75: {  	_ =	swait.ge [sflag:s15], $0x28  }
0x76: {  	[sflag:s15] =	ssyncset.done $0x0  }
0x77: {  	[sflag:s15] =	ssyncadd.s32 $0xFFFFFFD8  }
0x78: {  	[spmem:s29] =	stream.indirect.scatter.add.f32 [tilespmem:s5], [sflag:$0x8], $0x80, s6, s19, $0xb8;
	[tilespmem:$0x1F700] =	vst v63  }
0x79: {  	_ =	swait.ge [sflag:s18], $0x1400  }
0x7a: {  	[sflag:s18] =	ssyncset.done $0x0  }
0x7b: {  	[sflag:s18] =	ssyncadd.s32 $0xFFFFEC00  }
0x7c: {  	[bflag:$0x0] =	sbarrier.arrive $0xFFFF  }
0x7d: {  	s26 =	rddreg [dreg:$0x1d]  }
0x7e: {  	[tilespmem:s17], [sflag:$0x8] =	stream.linear.gather [spmem:s26], $0x1400, $0x38;
	[tilespmem:$0x1F700] =	vst v63  }
0x7f: {  	_ =	swait.ge [sflag:s18], $0x1400  }
0x80: {  	[sflag:s18] =	ssyncset.done $0x0  }
0x81: {  	s24 =	rddreg [dreg:$0x4];
	[sflag:s18] =	ssyncadd.s32 $0xFFFFEC00  }
0x82: {  	[hbm4b:s24+s16] =	stream.linear.scatter [tilespmem:s17], [sflag:$0x8], $0x1400, $0x38;
	[tilespmem:$0x1F700] =	vst v63  }
0x83: {  	_ =	swait.ge [sflag:s18], $0x1400  }
0x84: {  	[sflag:s18] =	ssyncset.done $0x0  }
0x85: {  	s25 =	rddreg [dreg:$0x1e];
	[sflag:s18] =	ssyncadd.s32 $0xFFFFEC00  }
0x86: {  	[tilespmem:s17], [sflag:$0x8] =	stream.linear.gather [spmem:s25], $0x1400, $0x38;
	[tilespmem:$0x1F700] =	vst v63  }
0x87: {  	_ =	swait.ge [sflag:s18], $0x1400  }
0x88: {  	[sflag:s18] =	ssyncset.done $0x0  }
0x89: {  	s25 =	rddreg [dreg:$0x5];
	[sflag:s18] =	ssyncadd.s32 $0xFFFFEC00  }
0x8a: {  	[hbm4b:s25+s16] =	stream.linear.scatter [tilespmem:s17], [sflag:$0x8], $0x1400, $0x38;
	[tilespmem:$0x1F700] =	vst v63  }
0x8b: {  	_ =	swait.ge [sflag:s18], $0x1400  }
0x8c: {  	[sflag:s18] =	ssyncset.done $0x0  }
0x8d: {  	s25 =	rddreg [dreg:$0x1f];
	[sflag:s18] =	ssyncadd.s32 $0xFFFFEC00  }
0x8e: {  	[tilespmem:s17], [sflag:$0x8] =	stream.linear.gather [spmem:s25], $0x1400, $0x38;
	[tilespmem:$0x1F700] =	vst v63  }
0x8f: {  	_ =	swait.ge [sflag:s18], $0x1400  }
0x90: {  	[sflag:s18] =	ssyncset.done $0x0  }
0x91: {  	s25 =	rddreg [dreg:$0x6];
	[sflag:s18] =	ssyncadd.s32 $0xFFFFEC00  }
0x92: {  	[hbm4b:s25+s16] =	stream.linear.scatter [tilespmem:s17], [sflag:$0x8], $0x1400, $0x38;
	[tilespmem:$0x1F700] =	vst v63  }
0x93: {  	_ =	swait.ge [sflag:s18], $0x1400  }
0x94: {  	s25 =	sld [smem:$0x7ED]  }
0x95: {  	[sflag:s18] =	ssyncset.done $0x0  }
0x96: {  	[sflag:s18] =	ssyncadd.s32 $0xFFFFEC00  }
0x97: {  	[tilespmem:s17], [sflag:$0x8] =	stream.linear.gather [spmem:s25], $0x1400, $0x38;
	[tilespmem:$0x1F700] =	vst v63  }
0x98: {  	_ =	swait.ge [sflag:s18], $0x1400  }
0x99: {  	[sflag:s18] =	ssyncset.done $0x0  }
0x9a: {  	s25 =	rddreg [dreg:$0x7];
	[sflag:s18] =	ssyncadd.s32 $0xFFFFEC00  }
0x9b: {  	[hbm4b:s25+s16] =	stream.linear.scatter [tilespmem:s17], [sflag:$0x8], $0x1400, $0x38;
	[tilespmem:$0x1F700] =	vst v63  }
0x9c: {  	_ =	swait.ge [sflag:s18], $0x1400  }
0x9d: {  	s25 =	sld [smem:$0x7EE]  }
0x9e: {  	[sflag:s18] =	ssyncset.done $0x0  }
0x9f: {  	[sflag:s18] =	ssyncadd.s32 $0xFFFFEC00  }
0xa0: {  	[tilespmem:s17], [sflag:$0x8] =	stream.linear.gather [spmem:s25], $0x1400, $0x38;
	[tilespmem:$0x1F700] =	vst v63  }
0xa1: {  	_ =	swait.ge [sflag:s18], $0x1400  }
0xa2: {  	[sflag:s18] =	ssyncset.done $0x0  }
0xa3: {  	s25 =	rddreg [dreg:$0x8];
	[sflag:s18] =	ssyncadd.s32 $0xFFFFEC00  }
0xa4: {  	[hbm4b:s25+s16] =	stream.linear.scatter [tilespmem:s17], [sflag:$0x8], $0x1400, $0x38;
	[tilespmem:$0x1F700] =	vst v63  }
0xa5: {  	_ =	swait.ge [sflag:s18], $0x1400  }
0xa6: {  	s25 =	sld [smem:$0x7EF]  }
0xa7: {  	[sflag:s18] =	ssyncset.done $0x0  }
0xa8: {  	[sflag:s18] =	ssyncadd.s32 $0xFFFFEC00  }
0xa9: {  	[tilespmem:s17], [sflag:$0x8] =	stream.linear.gather [spmem:s25], $0x1400, $0x38;
	[tilespmem:$0x1F700] =	vst v63  }
0xaa: {  	_ =	swait.ge [sflag:s18], $0x1400  }
0xab: {  	[sflag:s18] =	ssyncset.done $0x0  }
0xac: {  	s25 =	rddreg [dreg:$0x9];
	[sflag:s18] =	ssyncadd.s32 $0xFFFFEC00  }
0xad: {  	[hbm4b:s25+s16] =	stream.linear.scatter [tilespmem:s17], [sflag:$0x8], $0x1400, $0x38;
	[tilespmem:$0x1F700] =	vst v63  }
0xae: {  	_ =	swait.ge [sflag:s18], $0x1400  }
0xaf: {  	s25 =	sld [smem:$0x7F0]  }
0xb0: {  	[sflag:s18] =	ssyncset.done $0x0  }
0xb1: {  	[sflag:s18] =	ssyncadd.s32 $0xFFFFEC00  }
0xb2: {  	[tilespmem:s17], [sflag:$0x8] =	stream.linear.gather [spmem:s25], $0x1400, $0x38;
	[tilespmem:$0x1F700] =	vst v63  }
0xb3: {  	_ =	swait.ge [sflag:s18], $0x1400  }
0xb4: {  	[sflag:s18] =	ssyncset.done $0x0  }
0xb5: {  	s25 =	rddreg [dreg:$0xa];
	[sflag:s18] =	ssyncadd.s32 $0xFFFFEC00  }
0xb6: {  	[hbm4b:s25+s16] =	stream.linear.scatter [tilespmem:s17], [sflag:$0x8], $0x1400, $0x38;
	[tilespmem:$0x1F700] =	vst v63  }
0xb7: {  	_ =	swait.ge [sflag:s18], $0x1400  }
0xb8: {  	s25 =	sld [smem:$0x7F1]  }
0xb9: {  	[sflag:s18] =	ssyncset.done $0x0  }
0xba: {  	[sflag:s18] =	ssyncadd.s32 $0xFFFFEC00  }
0xbb: {  	[tilespmem:s17], [sflag:$0x8] =	stream.linear.gather [spmem:s25], $0x1400, $0x38;
	[tilespmem:$0x1F700] =	vst v63  }
0xbc: {  	_ =	swait.ge [sflag:s18], $0x1400  }
0xbd: {  	[sflag:s18] =	ssyncset.done $0x0  }
0xbe: {  	s25 =	rddreg [dreg:$0xb];
	[sflag:s18] =	ssyncadd.s32 $0xFFFFEC00  }
0xbf: {  	[hbm4b:s25+s16] =	stream.linear.scatter [tilespmem:s17], [sflag:$0x8], $0x1400, $0x38;
	[tilespmem:$0x1F700] =	vst v63  }
0xc0: {  	_ =	swait.ge [sflag:s18], $0x1400  }
0xc1: {  	s25 =	sld [smem:$0x7F2]  }
0xc2: {  	[sflag:s18] =	ssyncset.done $0x0  }
0xc3: {  	[sflag:s18] =	ssyncadd.s32 $0xFFFFEC00  }
0xc4: {  	[tilespmem:s17], [sflag:$0x8] =	stream.linear.gather [spmem:s25], $0x1400, $0x38;
	[tilespmem:$0x1F700] =	vst v63  }
0xc5: {  	_ =	swait.ge [sflag:s18], $0x1400  }
0xc6: {  	[sflag:s18] =	ssyncset.done $0x0  }
0xc7: {  	s25 =	rddreg [dreg:$0xc];
	[sflag:s18] =	ssyncadd.s32 $0xFFFFEC00  }
0xc8: {  	[hbm4b:s25+s16] =	stream.linear.scatter [tilespmem:s17], [sflag:$0x8], $0x1400, $0x38;
	[tilespmem:$0x1F700] =	vst v63  }
0xc9: {  	_ =	swait.ge [sflag:s18], $0x1400  }
0xca: {  	s25 =	sld [smem:$0x7F3]  }
0xcb: {  	[sflag:s18] =	ssyncset.done $0x0  }
0xcc: {  	[sflag:s18] =	ssyncadd.s32 $0xFFFFEC00  }
0xcd: {  	[tilespmem:s17], [sflag:$0x8] =	stream.linear.gather [spmem:s25], $0x1400, $0x38;
	[tilespmem:$0x1F700] =	vst v63  }
0xce: {  	_ =	swait.ge [sflag:s18], $0x1400  }
0xcf: {  	[sflag:s18] =	ssyncset.done $0x0  }
0xd0: {  	s25 =	rddreg [dreg:$0xd];
	[sflag:s18] =	ssyncadd.s32 $0xFFFFEC00  }
0xd1: {  	[hbm4b:s25+s16] =	stream.linear.scatter [tilespmem:s17], [sflag:$0x8], $0x1400, $0x38;
	[tilespmem:$0x1F700] =	vst v63  }
0xd2: {  	_ =	swait.ge [sflag:s18], $0x1400  }
0xd3: {  	s25 =	sld [smem:$0x7F4]  }
0xd4: {  	[sflag:s18] =	ssyncset.done $0x0  }
0xd5: {  	[sflag:s18] =	ssyncadd.s32 $0xFFFFEC00  }
0xd6: {  	[tilespmem:s17], [sflag:$0x8] =	stream.linear.gather [spmem:s25], $0x1400, $0x38;
	[tilespmem:$0x1F700] =	vst v63  }
0xd7: {  	_ =	swait.ge [sflag:s18], $0x1400  }
0xd8: {  	[sflag:s18] =	ssyncset.done $0x0  }
0xd9: {  	s25 =	rddreg [dreg:$0xe];
	[sflag:s18] =	ssyncadd.s32 $0xFFFFEC00  }
0xda: {  	[hbm4b:s25+s16] =	stream.linear.scatter [tilespmem:s17], [sflag:$0x8], $0x1400, $0x38;
	[tilespmem:$0x1F700] =	vst v63  }
0xdb: {  	_ =	swait.ge [sflag:s18], $0x1400  }
0xdc: {  	s25 =	sld [smem:$0x7F5]  }
0xdd: {  	[sflag:s18] =	ssyncset.done $0x0  }
0xde: {  	[sflag:s18] =	ssyncadd.s32 $0xFFFFEC00  }
0xdf: {  	[tilespmem:s17], [sflag:$0x8] =	stream.linear.gather [spmem:s25], $0x1400, $0x38;
	[tilespmem:$0x1F700] =	vst v63  }
0xe0: {  	_ =	swait.ge [sflag:s18], $0x1400  }
0xe1: {  	[sflag:s18] =	ssyncset.done $0x0  }
0xe2: {  	s25 =	rddreg [dreg:$0xf];
	[sflag:s18] =	ssyncadd.s32 $0xFFFFEC00  }
0xe3: {  	[hbm4b:s25+s16] =	stream.linear.scatter [tilespmem:s17], [sflag:$0x8], $0x1400, $0x38;
	[tilespmem:$0x1F700] =	vst v63  }
0xe4: {  	_ =	swait.ge [sflag:s18], $0x1400  }
0xe5: {  	s25 =	sld [smem:$0x7F6]  }
0xe6: {  	[sflag:s18] =	ssyncset.done $0x0  }
0xe7: {  	[sflag:s18] =	ssyncadd.s32 $0xFFFFEC00  }
0xe8: {  	[tilespmem:s17], [sflag:$0x8] =	stream.linear.gather [spmem:s25], $0x1400, $0x38;
	[tilespmem:$0x1F700] =	vst v63  }
0xe9: {  	_ =	swait.ge [sflag:s18], $0x1400  }
0xea: {  	[sflag:s18] =	ssyncset.done $0x0  }
0xeb: {  	s25 =	rddreg [dreg:$0x10];
	[sflag:s18] =	ssyncadd.s32 $0xFFFFEC00  }
0xec: {  	[hbm4b:s25+s16] =	stream.linear.scatter [tilespmem:s17], [sflag:$0x8], $0x1400, $0x38;
	[tilespmem:$0x1F700] =	vst v63  }
0xed: {  	_ =	swait.ge [sflag:s18], $0x1400  }
0xee: {  	s25 =	sld [smem:$0x7F7]  }
0xef: {  	[sflag:s18] =	ssyncset.done $0x0  }
0xf0: {  	[sflag:s18] =	ssyncadd.s32 $0xFFFFEC00  }
0xf1: {  	[tilespmem:s17], [sflag:$0x8] =	stream.linear.gather [spmem:s25], $0x1400, $0x38;
	[tilespmem:$0x1F700] =	vst v63  }
0xf2: {  	_ =	swait.ge [sflag:s18], $0x1400  }
0xf3: {  	[sflag:s18] =	ssyncset.done $0x0  }
0xf4: {  	s25 =	rddreg [dreg:$0x11];
	[sflag:s18] =	ssyncadd.s32 $0xFFFFEC00  }
0xf5: {  	[hbm4b:s25+s16] =	stream.linear.scatter [tilespmem:s17], [sflag:$0x8], $0x1400, $0x38;
	[tilespmem:$0x1F700] =	vst v63  }
0xf6: {  	_ =	swait.ge [sflag:s18], $0x1400  }
0xf7: {  	s25 =	sld [smem:$0x7F8]  }
0xf8: {  	[sflag:s18] =	ssyncset.done $0x0  }
0xf9: {  	[sflag:s18] =	ssyncadd.s32 $0xFFFFEC00  }
0xfa: {  	[tilespmem:s17], [sflag:$0x8] =	stream.linear.gather [spmem:s25], $0x1400, $0x38;
	[tilespmem:$0x1F700] =	vst v63  }
0xfb: {  	_ =	swait.ge [sflag:s18], $0x1400  }
0xfc: {  	[sflag:s18] =	ssyncset.done $0x0  }
0xfd: {  	s25 =	rddreg [dreg:$0x12];
	[sflag:s18] =	ssyncadd.s32 $0xFFFFEC00  }
0xfe: {  	[hbm4b:s25+s16] =	stream.linear.scatter [tilespmem:s17], [sflag:$0x8], $0x1400, $0x38;
	[tilespmem:$0x1F700] =	vst v63  }
0xff: {  	_ =	swait.ge [sflag:s18], $0x1400  }
0x100: {  	s25 =	sld [smem:$0x7F9]  }
0x101: {  	[sflag:s18] =	ssyncset.done $0x0  }
0x102: {  	[sflag:s18] =	ssyncadd.s32 $0xFFFFEC00  }
0x103: {  	[tilespmem:s17], [sflag:$0x8] =	stream.linear.gather [spmem:s25], $0x1400, $0x38;
	[tilespmem:$0x1F700] =	vst v63  }
0x104: {  	_ =	swait.ge [sflag:s18], $0x1400  }
0x105: {  	[sflag:s18] =	ssyncset.done $0x0  }
0x106: {  	s25 =	rddreg [dreg:$0x13];
	[sflag:s18] =	ssyncadd.s32 $0xFFFFEC00  }
0x107: {  	[hbm4b:s25+s16] =	stream.linear.scatter [tilespmem:s17], [sflag:$0x8], $0x1400, $0x38;
	[tilespmem:$0x1F700] =	vst v63  }
0x108: {  	_ =	swait.ge [sflag:s18], $0x1400  }
0x109: {  	s25 =	sld [smem:$0x7EC]  }
0x10a: {  	s24 =	sld [smem:$0x7FA];
	_ =	sdelay $0x1  }
0x10b: {  	s25 =	sadd.s32 $0x1, s25  }
0x10c: {  	p0 =	sne.s32 s25, s24  }
.Ltmp1:
0x10d: {  	_ = 	snop;
	(pc) =	sbr.rel @!p0 .LBB2_7-.Ltmp1, $3  }
0x10e: {  	_ =	sdelay $0x1  }
0x10f: {  	[sflag:s18] =	ssyncset.done $0x0  }
0x110: {  	[sflag:s18] =	ssyncadd.s32 $0xFFFFEC00  }
.LBB2_1:
0x111: {  	[smem:$0x7EC] =	sst s25  }
0x112: {  	s24 =	rddreg [dreg:$0x14]  }
0x113: {  	[tilespmem:s16], [sflag:$0x8] =	stream.linear.gather [hbm4b:s24+s16], $0x2710, $0x38;
	[tilespmem:$0x1F700] =	vst v63  }
0x114: {  	_ =	swait.ge [sflag:s18], $0x2710  }
0x115: {  	[sflag:s18] =	ssyncset.done $0x0  }
0x116: {  	s25 =	simm.s32 $0x200;
	s24 =	simm.s32 $0x0;
	[sflag:s18] =	ssyncadd.s32 $0xFFFFD8F0  }
.LBB2_2:
0x117: {  	p0 =	sne.s32 s25, $0x4E00;
	[tilespmem:s24+$0x27F0] =	vst v0  }
0x118: {  	[tilespmem:s24+$0x2780] =	vst v0  }
0x119: {  	[tilespmem:s24+$0x2790] =	vst v0  }
.Ltmp2:
0x11a: {  	[tilespmem:s24+$0x27A0] =	vst v0;
	(pc) =	sbr.rel @p0 .LBB2_2-.Ltmp2, $4  }
0x11b: {  	[tilespmem:s24+$0x27B0] =	vst v0  }
0x11c: {  	[tilespmem:s24+$0x27C0] =	vst v0  }
0x11d: {  	[tilespmem:s24+$0x27D0] =	vst v0  }
0x11e: {  	[tilespmem:s24+$0x27E0] =	vst v0;
	s24 =	sshra.s32 s25, $0x2;
	s25 =	sadd.s32 $0x200, s25  }
0x11f: {  	[tilespmem:s24+$0x27F0] =	vst v0  }
0x120: {  	[tilespmem:s24+$0x2780] =	vst v0  }
0x121: {  	[tilespmem:s24+$0x2790] =	vst v0  }
0x122: {  	[tilespmem:s24+$0x27A0] =	vst v0  }
0x123: {  	[tilespmem:s24+$0x27B0] =	vst v0  }
0x124: {  	[tilespmem:s24+$0x27C0] =	vst v0  }
0x125: {  	[tilespmem:s24+$0x27D0] =	vst v0  }
0x126: {  	[tilespmem:s24+$0x27E0] =	vst v0  }
0x127: {  	[spmem:s26] =	stream.linear.scatter [tilespmem:s17], [sflag:$0x8], $0x1400, $0x38;
	[tilespmem:$0x1F700] =	vst v63  }
0x128: {  	_ =	swait.ge [sflag:s18], $0x1400  }
0x129: {  	[sflag:s18] =	ssyncset.done $0x0  }
0x12a: {  	s25 =	rddreg [dreg:$0x1e];
	[sflag:s18] =	ssyncadd.s32 $0xFFFFEC00  }
0x12b: {  	[spmem:s25] =	stream.linear.scatter [tilespmem:s17], [sflag:$0x8], $0x1400, $0x38;
	[tilespmem:$0x1F700] =	vst v63  }
0x12c: {  	_ =	swait.ge [sflag:s18], $0x1400  }
0x12d: {  	[sflag:s18] =	ssyncset.done $0x0  }
0x12e: {  	s26 =	rddreg [dreg:$0x1f];
	[sflag:s18] =	ssyncadd.s32 $0xFFFFEC00  }
0x12f: {  	[spmem:s26] =	stream.linear.scatter [tilespmem:s17], [sflag:$0x8], $0x1400, $0x38;
	[tilespmem:$0x1F700] =	vst v63  }
0x130: {  	_ =	swait.ge [sflag:s18], $0x1400  }
0x131: {  	s25 =	sld [smem:$0x7ED]  }
0x132: {  	[sflag:s18] =	ssyncset.done $0x0  }
0x133: {  	[sflag:s18] =	ssyncadd.s32 $0xFFFFEC00  }
0x134: {  	[spmem:s25] =	stream.linear.scatter [tilespmem:s17], [sflag:$0x8], $0x1400, $0x38;
	[tilespmem:$0x1F700] =	vst v63  }
0x135: {  	_ =	swait.ge [sflag:s18], $0x1400  }
0x136: {  	s26 =	sld [smem:$0x7EE]  }
0x137: {  	[sflag:s18] =	ssyncset.done $0x0  }
0x138: {  	[sflag:s18] =	ssyncadd.s32 $0xFFFFEC00  }
0x139: {  	[spmem:s26] =	stream.linear.scatter [tilespmem:s17], [sflag:$0x8], $0x1400, $0x38;
	[tilespmem:$0x1F700] =	vst v63  }
0x13a: {  	_ =	swait.ge [sflag:s18], $0x1400  }
0x13b: {  	s25 =	sld [smem:$0x7EF]  }
0x13c: {  	[sflag:s18] =	ssyncset.done $0x0  }
0x13d: {  	[sflag:s18] =	ssyncadd.s32 $0xFFFFEC00  }
0x13e: {  	[spmem:s25] =	stream.linear.scatter [tilespmem:s17], [sflag:$0x8], $0x1400, $0x38;
	[tilespmem:$0x1F700] =	vst v63  }
0x13f: {  	_ =	swait.ge [sflag:s18], $0x1400  }
0x140: {  	s26 =	sld [smem:$0x7F0]  }
0x141: {  	[sflag:s18] =	ssyncset.done $0x0  }
0x142: {  	[sflag:s18] =	ssyncadd.s32 $0xFFFFEC00  }
0x143: {  	[spmem:s26] =	stream.linear.scatter [tilespmem:s17], [sflag:$0x8], $0x1400, $0x38;
	[tilespmem:$0x1F700] =	vst v63  }
0x144: {  	_ =	swait.ge [sflag:s18], $0x1400  }
0x145: {  	s25 =	sld [smem:$0x7F1]  }
0x146: {  	[sflag:s18] =	ssyncset.done $0x0  }
0x147: {  	[sflag:s18] =	ssyncadd.s32 $0xFFFFEC00  }
0x148: {  	[spmem:s25] =	stream.linear.scatter [tilespmem:s17], [sflag:$0x8], $0x1400, $0x38;
	[tilespmem:$0x1F700] =	vst v63  }
0x149: {  	_ =	swait.ge [sflag:s18], $0x1400  }
0x14a: {  	s26 =	sld [smem:$0x7F2]  }
0x14b: {  	[sflag:s18] =	ssyncset.done $0x0  }
0x14c: {  	[sflag:s18] =	ssyncadd.s32 $0xFFFFEC00  }
0x14d: {  	[spmem:s26] =	stream.linear.scatter [tilespmem:s17], [sflag:$0x8], $0x1400, $0x38;
	[tilespmem:$0x1F700] =	vst v63  }
0x14e: {  	_ =	swait.ge [sflag:s18], $0x1400  }
0x14f: {  	s25 =	sld [smem:$0x7F3]  }
0x150: {  	[sflag:s18] =	ssyncset.done $0x0  }
0x151: {  	[sflag:s18] =	ssyncadd.s32 $0xFFFFEC00  }
0x152: {  	[spmem:s25] =	stream.linear.scatter [tilespmem:s17], [sflag:$0x8], $0x1400, $0x38;
	[tilespmem:$0x1F700] =	vst v63  }
0x153: {  	_ =	swait.ge [sflag:s18], $0x1400  }
0x154: {  	s26 =	sld [smem:$0x7F4]  }
0x155: {  	[sflag:s18] =	ssyncset.done $0x0  }
0x156: {  	[sflag:s18] =	ssyncadd.s32 $0xFFFFEC00  }
0x157: {  	[spmem:s26] =	stream.linear.scatter [tilespmem:s17], [sflag:$0x8], $0x1400, $0x38;
	[tilespmem:$0x1F700] =	vst v63  }
0x158: {  	_ =	swait.ge [sflag:s18], $0x1400  }
0x159: {  	s25 =	sld [smem:$0x7F5]  }
0x15a: {  	[sflag:s18] =	ssyncset.done $0x0  }
0x15b: {  	[sflag:s18] =	ssyncadd.s32 $0xFFFFEC00  }
0x15c: {  	[spmem:s25] =	stream.linear.scatter [tilespmem:s17], [sflag:$0x8], $0x1400, $0x38;
	[tilespmem:$0x1F700] =	vst v63  }
0x15d: {  	_ =	swait.ge [sflag:s18], $0x1400  }
0x15e: {  	s26 =	sld [smem:$0x7F6]  }
0x15f: {  	[sflag:s18] =	ssyncset.done $0x0  }
0x160: {  	[sflag:s18] =	ssyncadd.s32 $0xFFFFEC00  }
0x161: {  	[spmem:s26] =	stream.linear.scatter [tilespmem:s17], [sflag:$0x8], $0x1400, $0x38;
	[tilespmem:$0x1F700] =	vst v63  }
0x162: {  	_ =	swait.ge [sflag:s18], $0x1400  }
0x163: {  	s25 =	sld [smem:$0x7F7]  }
0x164: {  	[sflag:s18] =	ssyncset.done $0x0  }
0x165: {  	[sflag:s18] =	ssyncadd.s32 $0xFFFFEC00  }
0x166: {  	[spmem:s25] =	stream.linear.scatter [tilespmem:s17], [sflag:$0x8], $0x1400, $0x38;
	[tilespmem:$0x1F700] =	vst v63  }
0x167: {  	_ =	swait.ge [sflag:s18], $0x1400  }
0x168: {  	s26 =	sld [smem:$0x7F8]  }
0x169: {  	[sflag:s18] =	ssyncset.done $0x0  }
0x16a: {  	[sflag:s18] =	ssyncadd.s32 $0xFFFFEC00  }
0x16b: {  	[spmem:s26] =	stream.linear.scatter [tilespmem:s17], [sflag:$0x8], $0x1400, $0x38;
	[tilespmem:$0x1F700] =	vst v63  }
0x16c: {  	_ =	swait.ge [sflag:s18], $0x1400  }
0x16d: {  	s25 =	sld [smem:$0x7F9]  }
0x16e: {  	[sflag:s18] =	ssyncset.done $0x0  }
0x16f: {  	[sflag:s18] =	ssyncadd.s32 $0xFFFFEC00  }
0x170: {  	[spmem:s25] =	stream.linear.scatter [tilespmem:s17], [sflag:$0x8], $0x1400, $0x38;
	[tilespmem:$0x1F700] =	vst v63  }
0x171: {  	_ =	swait.ge [sflag:s18], $0x1400  }
0x172: {  	[sflag:s18] =	ssyncset.done $0x0  }
0x173: {  	[sflag:s18] =	ssyncadd.s32 $0xFFFFEC00  }
0x174: {  	[bflag:$0x0] =	sbarrier.arrive $0xFFFF  }
0x175: {  	s24 =	simm.s32 $0x0;
	s25 =	sld [smem:$0x7FB]  }
0x176: {  	[tilespmem:s17], [sflag:$0x1] =	stream.indirect.gather [hbm4b:s28+s19], $0x80, s24, s19, $0xb8;
	[tilespmem:$0x1F700] =	vst v63  }
0x177: {  	_ = 	snop  }
0x178: {  	[tilespmem:s20], [sflag:$0x1] =	stream.linear.gather [hbm4b:s25+s24], $0x28, $0x38;
	[tilespmem:$0x1F700] =	vst v63  }
0x179: {  	_ = 	snop  }
0x17a: {  	[tilespmem:s21], [sflag:$0x2] =	stream.indirect.gather [hbm4b:s28+s19], $0x80, s19, s19, $0xb8;
	[tilespmem:$0x1F700] =	vst v63  }
0x17b: {  	s26 =	rddreg [dreg:$0x15]  }
0x17c: {  	[tilespmem:s0], [sflag:$0x2] =	stream.linear.gather [hbm4b:s26+s24], $0x28, $0x38;
	[tilespmem:$0x1F700] =	vst v63  }
0x17d: {  	s26 =	simm.s32 $0x50  }
0x17e: {  	[tilespmem:s1], [sflag:$0x3] =	stream.indirect.gather [hbm4b:s28+s19], $0x80, s26, s19, $0xb8;
	[tilespmem:$0x1F700] =	vst v63  }
0x17f: {  	s26 =	sld [smem:$0x7FC];
	_ =	sdelay $0x2  }
0x180: {  	[tilespmem:s2], [sflag:$0x3] =	stream.linear.gather [hbm4b:s26+s24], $0x28, $0x38;
	[tilespmem:$0x1F700] =	vst v63  }
0x181: {  	s26 =	simm.s32 $0x78  }
0x182: {  	[tilespmem:s3], [sflag:$0x4] =	stream.indirect.gather [hbm4b:s28+s19], $0x80, s26, s19, $0xb8;
	[tilespmem:$0x1F700] =	vst v63  }
0x183: {  	s26 =	rddreg [dreg:$0x16]  }
0x184: {  	[tilespmem:s4], [sflag:$0x4] =	stream.linear.gather [hbm4b:s26+s24], $0x28, $0x38;
	[tilespmem:$0x1F700] =	vst v63  }
0x185: {  	s26 =	simm.s32 $0xA0  }
0x186: {  	[tilespmem:s5], [sflag:$0x5] =	stream.indirect.gather [hbm4b:s28+s19], $0x80, s26, s19, $0xb8;
	[tilespmem:$0x1F700] =	vst v63  }
0x187: {  	s26 =	sld [smem:$0x7FD];
	_ =	sdelay $0x2  }
0x188: {  	[tilespmem:s6], [sflag:$0x5] =	stream.linear.gather [hbm4b:s26+s24], $0x28, $0x38;
	[tilespmem:$0x1F700] =	vst v63  }
0x189: {  	s26 =	simm.s32 $0xC8  }
0x18a: {  	[tilespmem:s7], [sflag:$0x6] =	stream.indirect.gather [hbm4b:s28+s19], $0x80, s26, s19, $0xb8;
	[tilespmem:$0x1F700] =	vst v63  }
0x18b: {  	s25 =	simm.s32 $0x1E0;
	s26 =	rddreg [dreg:$0x17]  }
0x18c: {  	[tilespmem:s8], [sflag:$0x6] =	stream.linear.gather [hbm4b:s26+s24], $0x28, $0x38;
	[tilespmem:$0x1F700] =	vst v63  }
.LBB2_4:
0x18d: {  	_ =	swait.ge [sflag:s9], $0x1400  }
0x18e: {  	[sflag:s9] =	ssyncset.done $0x0  }
0x18f: {  	[sflag:s9] =	ssyncadd.s32 $0xFFFFEC00  }
0x190: {  	_ =	swait.ge [sflag:s9], $0x28  }
0x191: {  	[sflag:s9] =	ssyncset.done $0x0  }
0x192: {  	[sflag:s9] =	ssyncadd.s32 $0xFFFFFFD8  }
0x193: {  	[spmem:s29] =	stream.indirect.scatter.add.f32 [tilespmem:s17], [sflag:$0x8], $0x80, s20, s19, $0xb8;
	[tilespmem:$0x1F700] =	vst v63  }
0x194: {  	_ =	swait.ge [sflag:s18], $0x1400  }
0x195: {  	[sflag:s18] =	ssyncset.done $0x0  }
0x196: {  	s26 =	sadd.s32 $0xFFFFFF10, s25;
	[sflag:s18] =	ssyncadd.s32 $0xFFFFEC00  }
0x197: {  	[tilespmem:s10], [sflag:$0x7] =	stream.indirect.gather [hbm4b:s28+s19], $0x80, s26, s19, $0xb8;
	[tilespmem:$0x1F700] =	vst v63  }
0x198: {  	s26 =	sadd.s32 s24, s31  }
0x199: {  	[tilespmem:s11], [sflag:$0x7] =	stream.linear.gather [hbm4b:s26+s16], $0x28, $0x38;
	[tilespmem:$0x1F700] =	vst v63  }
0x19a: {  	_ =	swait.ge [sflag:s12], $0x1400  }
0x19b: {  	[sflag:s12] =	ssyncset.done $0x0  }
0x19c: {  	[sflag:s12] =	ssyncadd.s32 $0xFFFFEC00  }
0x19d: {  	_ =	swait.ge [sflag:s12], $0x28  }
0x19e: {  	[sflag:s12] =	ssyncset.done $0x0  }
0x19f: {  	[sflag:s12] =	ssyncadd.s32 $0xFFFFFFD8  }
0x1a0: {  	[spmem:s29] =	stream.indirect.scatter.add.f32 [tilespmem:s21], [sflag:$0x8], $0x80, s0, s19, $0xb8;
	[tilespmem:$0x1F700] =	vst v63  }
0x1a1: {  	_ =	swait.ge [sflag:s18], $0x1400  }
0x1a2: {  	[sflag:s18] =	ssyncset.done $0x0  }
0x1a3: {  	s26 =	sadd.s32 $0xFFFFFF38, s25;
	[sflag:s18] =	ssyncadd.s32 $0xFFFFEC00  }
0x1a4: {  	[tilespmem:s17], [sflag:$0x1] =	stream.indirect.gather [hbm4b:s28+s19], $0x80, s26, s19, $0xb8;
	[tilespmem:$0x1F700] =	vst v63  }
0x1a5: {  	s26 =	sadd.s32 s24, s30  }
0x1a6: {  	[tilespmem:s20], [sflag:$0x1] =	stream.linear.gather [hbm4b:s26+s16], $0x28, $0x38;
	[tilespmem:$0x1F700] =	vst v63  }
0x1a7: {  	_ =	swait.ge [sflag:s13], $0x1400  }
0x1a8: {  	[sflag:s13] =	ssyncset.done $0x0  }
0x1a9: {  	[sflag:s13] =	ssyncadd.s32 $0xFFFFEC00  }
0x1aa: {  	_ =	swait.ge [sflag:s13], $0x28  }
0x1ab: {  	[sflag:s13] =	ssyncset.done $0x0  }
0x1ac: {  	[sflag:s13] =	ssyncadd.s32 $0xFFFFFFD8  }
0x1ad: {  	[spmem:s29] =	stream.indirect.scatter.add.f32 [tilespmem:s1], [sflag:$0x8], $0x80, s2, s19, $0xb8;
	[tilespmem:$0x1F700] =	vst v63  }
0x1ae: {  	_ =	swait.ge [sflag:s18], $0x1400  }
0x1af: {  	[sflag:s18] =	ssyncset.done $0x0  }
0x1b0: {  	s26 =	sadd.s32 $0xFFFFFF60, s25;
	[sflag:s18] =	ssyncadd.s32 $0xFFFFEC00  }
0x1b1: {  	[tilespmem:s21], [sflag:$0x2] =	stream.indirect.gather [hbm4b:s28+s19], $0x80, s26, s19, $0xb8;
	[tilespmem:$0x1F700] =	vst v63  }
0x1b2: {  	s26 =	rddreg [dreg:$0x1c]  }
0x1b3: {  	s26 =	sadd.s32 s24, s26  }
0x1b4: {  	[tilespmem:s0], [sflag:$0x2] =	stream.linear.gather [hbm4b:s26+s16], $0x28, $0x38;
	[tilespmem:$0x1F700] =	vst v63  }
0x1b5: {  	_ =	swait.ge [sflag:s14], $0x1400  }
0x1b6: {  	[sflag:s14] =	ssyncset.done $0x0  }
0x1b7: {  	[sflag:s14] =	ssyncadd.s32 $0xFFFFEC00  }
0x1b8: {  	_ =	swait.ge [sflag:s14], $0x28  }
0x1b9: {  	[sflag:s14] =	ssyncset.done $0x0  }
0x1ba: {  	[sflag:s14] =	ssyncadd.s32 $0xFFFFFFD8  }
0x1bb: {  	[spmem:s29] =	stream.indirect.scatter.add.f32 [tilespmem:s3], [sflag:$0x8], $0x80, s4, s19, $0xb8;
	[tilespmem:$0x1F700] =	vst v63  }
0x1bc: {  	_ =	swait.ge [sflag:s18], $0x1400  }
0x1bd: {  	[sflag:s18] =	ssyncset.done $0x0  }
0x1be: {  	s26 =	sadd.s32 $0xFFFFFF88, s25;
	[sflag:s18] =	ssyncadd.s32 $0xFFFFEC00  }
0x1bf: {  	[tilespmem:s1], [sflag:$0x3] =	stream.indirect.gather [hbm4b:s28+s19], $0x80, s26, s19, $0xb8;
	[tilespmem:$0x1F700] =	vst v63  }
0x1c0: {  	s26 =	rddreg [dreg:$0x1b]  }
0x1c1: {  	s26 =	sadd.s32 s24, s26  }
0x1c2: {  	[tilespmem:s2], [sflag:$0x3] =	stream.linear.gather [hbm4b:s26+s16], $0x28, $0x38;
	[tilespmem:$0x1F700] =	vst v63  }
0x1c3: {  	_ =	swait.ge [sflag:s15], $0x1400  }
0x1c4: {  	[sflag:s15] =	ssyncset.done $0x0  }
0x1c5: {  	[sflag:s15] =	ssyncadd.s32 $0xFFFFEC00  }
0x1c6: {  	_ =	swait.ge [sflag:s15], $0x28  }
0x1c7: {  	[sflag:s15] =	ssyncset.done $0x0  }
0x1c8: {  	[sflag:s15] =	ssyncadd.s32 $0xFFFFFFD8  }
0x1c9: {  	[spmem:s29] =	stream.indirect.scatter.add.f32 [tilespmem:s5], [sflag:$0x8], $0x80, s6, s19, $0xb8;
	[tilespmem:$0x1F700] =	vst v63  }
0x1ca: {  	_ =	swait.ge [sflag:s18], $0x1400  }
0x1cb: {  	[sflag:s18] =	ssyncset.done $0x0  }
0x1cc: {  	s26 =	sadd.s32 $0xFFFFFFB0, s25;
	[sflag:s18] =	ssyncadd.s32 $0xFFFFEC00  }
0x1cd: {  	[tilespmem:s3], [sflag:$0x4] =	stream.indirect.gather [hbm4b:s28+s19], $0x80, s26, s19, $0xb8;
	[tilespmem:$0x1F700] =	vst v63  }
0x1ce: {  	s26 =	rddreg [dreg:$0x1a]  }
0x1cf: {  	s26 =	sadd.s32 s24, s26  }
0x1d0: {  	[tilespmem:s4], [sflag:$0x4] =	stream.linear.gather [hbm4b:s26+s16], $0x28, $0x38;
	[tilespmem:$0x1F700] =	vst v63  }
0x1d1: {  	_ =	swait.ge [sflag:s22], $0x1400  }
0x1d2: {  	[sflag:s22] =	ssyncset.done $0x0  }
0x1d3: {  	[sflag:s22] =	ssyncadd.s32 $0xFFFFEC00  }
0x1d4: {  	_ =	swait.ge [sflag:s22], $0x28  }
0x1d5: {  	[sflag:s22] =	ssyncset.done $0x0  }
0x1d6: {  	[sflag:s22] =	ssyncadd.s32 $0xFFFFFFD8  }
0x1d7: {  	[spmem:s29] =	stream.indirect.scatter.add.f32 [tilespmem:s7], [sflag:$0x8], $0x80, s8, s19, $0xb8;
	[tilespmem:$0x1F700] =	vst v63  }
0x1d8: {  	_ =	swait.ge [sflag:s18], $0x1400  }
0x1d9: {  	[sflag:s18] =	ssyncset.done $0x0  }
0x1da: {  	s26 =	sadd.s32 $0xFFFFFFD8, s25;
	[sflag:s18] =	ssyncadd.s32 $0xFFFFEC00  }
0x1db: {  	[tilespmem:s5], [sflag:$0x5] =	stream.indirect.gather [hbm4b:s28+s19], $0x80, s26, s19, $0xb8;
	[tilespmem:$0x1F700] =	vst v63  }
0x1dc: {  	s26 =	rddreg [dreg:$0x19]  }
0x1dd: {  	s26 =	sadd.s32 s24, s26  }
0x1de: {  	[tilespmem:s6], [sflag:$0x5] =	stream.linear.gather [hbm4b:s26+s16], $0x28, $0x38;
	[tilespmem:$0x1F700] =	vst v63  }
0x1df: {  	_ =	swait.ge [sflag:s23], $0x1400  }
0x1e0: {  	[sflag:s23] =	ssyncset.done $0x0  }
0x1e1: {  	[sflag:s23] =	ssyncadd.s32 $0xFFFFEC00  }
0x1e2: {  	_ =	swait.ge [sflag:s23], $0x28  }
0x1e3: {  	p0 =	seq.s32 s24, $0x4A6;
	[sflag:s23] =	ssyncset.done $0x0  }
.Ltmp3:
0x1e4: {  	[sflag:s23] =	ssyncadd.s32 $0xFFFFFFD8;
	(pc) =	sbr.rel @p0 .LBB2_6-.Ltmp3, $4  }
0x1e5: {  	[spmem:s29] =	stream.indirect.scatter.add.f32 [tilespmem:s10], [sflag:$0x8], $0x80, s11, s19, $0xb8;
	[tilespmem:$0x1F700] =	vst v63  }
0x1e6: {  	_ =	swait.ge [sflag:s18], $0x1400  }
0x1e7: {  	[sflag:s18] =	ssyncset.done $0x0  }
0x1e8: {  	[sflag:s18] =	ssyncadd.s32 $0xFFFFEC00  }
.Ltmp4:
0x1e9: {  	(pc) =	sbr.rel .LBB2_4-.Ltmp4, $4  }
0x1ea: {  	[tilespmem:s7], [sflag:$0x6] =	stream.indirect.gather [hbm4b:s28+s19], $0x80, s25, s19, $0xb8;
	[tilespmem:$0x1F700] =	vst v63  }
0x1eb: {  	s26 =	rddreg [dreg:$0x18]  }
0x1ec: {  	s25 =	sadd.s32 $0x118, s25;
	s26 =	sadd.s32 s24, s26;
	s24 =	sadd.s32 $0x23, s24  }
0x1ed: {  	[tilespmem:s8], [sflag:$0x6] =	stream.linear.gather [hbm4b:s26+s16], $0x28, $0x38;
	[tilespmem:$0x1F700] =	vst v63  }
.LBB2_7:
0x1ee: {  	_ =	sfence.sel $0x180000  }
0x1ef: {  	[bflag:$0x0] =	sbarrier.arrive $0xFFFF  }
0x1f0: {  	_ =	strace $0x9000004A  }
0x1f1: {  	s0 =	stileid.u32;
	[bflag:$0x2] =	sbarrier.arrive $0xFFFF  }
0x1f2: {  	p0 =	sne.s32 s0, $0x0;
	s0 =	rddreg [dreg:$0x3]  }
0x1f3: {  	s0 =	sadd.s32 @!p0 $0x100000, s0  }
0x1f4: {  	[sflag:s0] =	ssyncadd.tile.s32 @!p0 $0x1;
	_ =	shalt  }
.Lfunc_end2:
_tile_overlayer_lowered:
.L_overlay_start_2:
0x1f5: {  	(tag) =	ssettag $0x2  }
0x1f6: {  	s0 =	rddreg [dreg:$0x0];
	s2 =	stileid.u32  }
0x1f7: {  	s1 =	rddreg [dreg:$0x1];
	p0 =	sne.s32 s2, $0x0  }
0x1f8: {  	s3 =	rddreg [dreg:$0x2];
	[bflag:$0x3] =	sbarrier.arrive $0xFFFF;
	s2 =	simm.s32 @!p0 $0x1C08  }
0x1f9: {  	[timem:s3], [sflag:s2] =	dma.local @!p0 [hbm:s0], s1  }
0x1fa: {  	s0 =	simm.s32 @!p0 $0x8  }
0x1fb: {  	_ =	swait.ge @!p0 [sflag:s0], s1  }
0x1fc: {  	s1 =	ssub.s32 @!p0 $0x0, s1;
	[sflag:s0] =	ssyncset.done @!p0 $0x0  }
0x1fd: {  	[sflag:s0] =	ssyncadd.s32 @!p0 s1  }
0x1fe: {  	[bflag:$0x3] =	sbarrier.arrive $0xFFFF  }
0x1ff: {  	_ =	shalt  }

</sc_bundles>
